<compile_context>
chip_gen: v7x
topology: tpu7x:2x2x1
jax: 0.10.2.dev20260603
libtpu: 0.0.44.dev20260713+nightly
codegen_flags: <defaults>
</compile_context>

<pallas_src>
import functools
from math import log

import jax
import jax.numpy as jnp
from jax import lax
from jax.experimental import pallas as pl
from jax.experimental.pallas import tpu as pltpu
from jax.experimental.pallas import tpu_sc as plsc

_B, _N, _K, _C = 2, 5000, 16, 256
_ALPHA = 0.1
_BETA = log(0.5 / 4.0 + 1.0)
_C1 = (1.0 - _ALPHA) * (1.0 - _BETA)
_C2 = _ALPHA * (1.0 - _BETA)

_BN = _B * _N
_G = 8
_GK = _G * _K
_NCHT = _BN // _G
_WCH = 40
_SWIN = 64
_NPAIR = _WCH // 2
_CW = _C // 2
_BCH = (_N // _G)


def _sc_gather_sum(xf_hbm, eidx_hbm, out_hbm, idx_v, rows_a, rows_b,
                   acc_a, acc_b, sem_i, sem_a, sem_b, sem_sa, sem_sb):
    nc = 2
    wid = lax.axis_index("s") * nc + lax.axis_index("c")
    p = (wid * (_NCHT // 2)) // 16
    sa = (p // 8) * 8
    lo = p - sa
    pltpu.async_copy(eidx_hbm.at[pl.ds(sa, _SWIN)], idx_v, sem_i).wait()

    def fix(t, _):
        off = jnp.where(sa + t >= _BCH, _N, 0).astype(jnp.int32)
        for j in range(_GK // 16):
            idx_v[t, pl.ds(j * 16, 16)] = idx_v[t, pl.ds(j * 16, 16)] + off
        return 0

    lax.fori_loop(0, _SWIN, fix, 0)

    def gather(t, rows, sem):
        return pltpu.async_copy(xf_hbm.at[idx_v.at[lo + t]], rows, sem)

    def compute(rows, acc):
        def per_g(g, _):
            base = g * _K
            for j in range(_CW // 16):
                sl = pl.ds(j * 16, 16)
                vs = [plsc.bitcast(rows[base + k, sl], jnp.bfloat16)
                      for k in range(_K)]
                while len(vs) > 1:
                    vs = [a + b for a, b in zip(vs[::2], vs[1::2])]
                acc[g, sl] = plsc.bitcast(vs[0], jnp.float32)
            return 0

        lax.fori_loop(0, _G, per_g, 0)

    def store(t, acc, sem):
        pltpu.async_copy(acc, out_hbm.at[pl.ds((p + t) * _G, _G)], sem)

    def store_wait(t, acc, sem):
        pltpu.make_async_copy(acc, out_hbm.at[pl.ds((p + t) * _G, _G)],
                              sem).wait()

    gather(0, rows_a, sem_a)

    def pair(tt, _):
        t0 = 2 * tt
        gather(t0 + 1, rows_b, sem_b)
        pltpu.make_async_copy(xf_hbm.at[idx_v.at[lo + t0]], rows_a,
                              sem_a).wait()

        @pl.when(tt > 0)
        def _():
            store_wait(t0 - 2, acc_a, sem_sa)

        compute(rows_a, acc_a)
        store(t0, acc_a, sem_sa)

        @pl.when(tt < _NPAIR - 1)
        def _():
            gather(t0 + 2, rows_a, sem_a)

        pltpu.make_async_copy(xf_hbm.at[idx_v.at[lo + t0 + 1]], rows_b,
                              sem_b).wait()

        @pl.when(tt > 0)
        def _():
            store_wait(t0 - 1, acc_b, sem_sb)

        compute(rows_b, acc_b)
        store(t0 + 1, acc_b, sem_sb)
        return 0

    lax.fori_loop(0, _NPAIR, pair, 0)
    store_wait(_WCH - 2, acc_a, sem_sa)
    store_wait(_WCH - 1, acc_b, sem_sb)


def _sc_call():
    return functools.partial(
        pl.kernel,
        out_type=jax.ShapeDtypeStruct((_BN, _CW), jnp.float32),
        mesh=plsc.VectorSubcoreMesh(core_axis_name="c", subcore_axis_name="s",
                                    num_cores=2, num_subcores=16),
        compiler_params=pltpu.CompilerParams(needs_layout_passes=False),
        scratch_types=[
            pltpu.VMEM((_SWIN, _GK), jnp.int32),
            pltpu.VMEM((_GK, _CW), jnp.float32),
            pltpu.VMEM((_GK, _CW), jnp.float32),
            pltpu.VMEM((_G, _CW), jnp.float32),
            pltpu.VMEM((_G, _CW), jnp.float32),
            pltpu.SemaphoreType.DMA,
            pltpu.SemaphoreType.DMA,
            pltpu.SemaphoreType.DMA,
            pltpu.SemaphoreType.DMA,
            pltpu.SemaphoreType.DMA,
        ],
    )


def _tc_transpose_body(x_ref, out_ref):
    y = x_ref[0].astype(jnp.bfloat16)
    out_ref[...] = pltpu.bitcast(y, jnp.float32).T


def _tc_combine_body(aggr_ref, xf_ref, x0_ref, w1_ref, w2_ref, p_ref,
                     out_ref):
    def unpack(ref):
        return pltpu.bitcast(ref[...].T, jnp.bfloat16).astype(jnp.float32)

    a = unpack(aggr_ref) + unpack(xf_ref)
    h = (a * _C1
         + jnp.dot(w1_ref[...], a.astype(jnp.bfloat16),
                   preferred_element_type=jnp.float32)
         + lax.dot_general(w2_ref[...], x0_ref[...].astype(jnp.bfloat16),
                           (((1,), (1,)), ((), ())),
                           preferred_element_type=jnp.float32)
         + p_ref[0:1, :].T)
    h = jnp.maximum(h, 0.0)
    mean = jnp.mean(h, axis=0, keepdims=True)
    d = h - mean
    var = jnp.mean(d * d, axis=0, keepdims=True)
    y = d * lax.rsqrt(var + 1e-5) * p_ref[1:2, :].T + p_ref[2:3, :].T
    out_ref[0] = y


def kernel(x, x_0, edge_index, W1, W2, bias, ln_gamma, ln_beta):
    f32 = jnp.float32
    xt = x.reshape(_B, _C, _N)

    xf = pl.pallas_call(
        _tc_transpose_body,
        grid=(_B,),
        in_specs=[pl.BlockSpec((1, _C, _N), lambda b: (b, 0, 0))],
        out_specs=pl.BlockSpec((_N, _CW), lambda b: (b, 0)),
        out_shape=jax.ShapeDtypeStruct((_BN, _CW), jnp.float32),
        compiler_params=pltpu.CompilerParams(
            dimension_semantics=("parallel",)),
    )(xt)

    eidx = edge_index.reshape(2 * _NCHT, _GK)
    aggr = _sc_call()(_sc_gather_sum)(xf, eidx)

    x0f = x_0.reshape(_BN, _C)
    params = jnp.concatenate([bias.reshape(1, _C),
                              ln_gamma.reshape(1, _C),
                              ln_beta.reshape(1, _C)], axis=0)
    out = pl.pallas_call(
        _tc_combine_body,
        grid=(_B,),
        in_specs=[
            pl.BlockSpec((_N, _CW), lambda b: (b, 0)),
            pl.BlockSpec((_N, _CW), lambda b: (b, 0)),
            pl.BlockSpec((_N, _C), lambda b: (b, 0)),
            pl.BlockSpec((_C, _C), lambda b: (0, 0)),
            pl.BlockSpec((_C, _C), lambda b: (0, 0)),
            pl.BlockSpec((3, _C), lambda b: (0, 0)),
        ],
        out_specs=pl.BlockSpec((1, _C, _N), lambda b: (b, 0, 0)),
        out_shape=jax.ShapeDtypeStruct((_B, _C, _N), f32),
        compiler_params=pltpu.CompilerParams(
            dimension_semantics=("parallel",)),
    )(aggr, xf, x0f,
      (W1 * _BETA).astype(jnp.bfloat16),
      (W2 * _BETA + _C2 * jnp.eye(_C, dtype=f32)).astype(jnp.bfloat16),
      params)

    return out[..., None]

# --- scband reference (transcript-rebuilt; emitter-appended) ---
"""Pipeline reference for scband-giniiconv-6150393168693 (READ-ONLY COPY).

The authoritative reference and input builder live on the scoring server;
editing this copy changes nothing except your own understanding.
"""

import jax, jax.numpy as jnp
import numpy as np
from math import log

B, N, K, C = 2, 5000, 16, 256
ALPHA = 0.1
BETA = log(0.5 / 4.0 + 1.0)
EPS = 0.0


def setup_inputs(seed: int = 0) -> dict:
    key = jax.random.key(seed)
    ks = jax.random.split(key, 8)
    x = jax.random.normal(ks[0], (B, C, N, 1), dtype=jnp.float32)
    x_0 = jax.random.normal(ks[1], (B, N, C), dtype=jnp.float32)
    edge_index = jax.random.randint(ks[2], (2, B, N, K), 0, N, dtype=jnp.int32)
    scale = 1.0 / np.sqrt(C)
    W1 = jax.random.uniform(ks[3], (C, C), minval=-scale, maxval=scale, dtype=jnp.float32)
    W2 = jax.random.uniform(ks[4], (C, C), minval=-scale, maxval=scale, dtype=jnp.float32)
    bias = jax.random.uniform(ks[5], (1, 1, C), minval=-scale, maxval=scale, dtype=jnp.float32)
    ln_gamma = jnp.ones((C,), dtype=jnp.float32)
    ln_beta = jnp.zeros((C,), dtype=jnp.float32)
    return {"x": x, "x_0": x_0, "edge_index": edge_index, "W1": W1, "W2": W2,
            "bias": bias, "ln_gamma": ln_gamma, "ln_beta": ln_beta}


def batched_index_select(x, idx):
    # x: [B, C, N, 1], idx: [B, N, k] -> [B, C, N, k]
    Bs, Cs, Ns = x.shape[0], x.shape[1], x.shape[2]
    k = idx.shape[-1]
    xf = jnp.transpose(x, (0, 2, 1, 3)).reshape(Bs * Ns, Cs)
    idx_base = (jnp.arange(Bs, dtype=idx.dtype) * Ns).reshape(-1, 1, 1)
    idxf = (idx + idx_base).reshape(-1)
    feat = jnp.take(xf, idxf, axis=0).reshape(Bs, Ns, k, Cs)
    return jnp.transpose(feat, (0, 3, 1, 2))


def reference(x, x_0, edge_index, W1, W2, bias, ln_gamma, ln_beta):
    # remove_self_loops: identity pass-through for this dense [2,B,N,k] edge format
    idx = edge_index[0]  # [B, N, k]
    x_j = batched_index_select(x, idx)  # [B, C, N, k]
    aggr = (1.0 + EPS) * x + jnp.sum(x_j, axis=-1, keepdims=True)  # [B, C, N, 1]
    aggr = jnp.squeeze(jnp.transpose(aggr, (0, 2, 1, 3)), axis=-1)  # [B, N, C]
    out = aggr * ((1.0 - ALPHA) * (1.0 - BETA)) + (aggr @ W1.T) * BETA
    out = out + x_0 * (ALPHA * (1.0 - BETA)) + (x_0 @ W2.T) * BETA
    out = out + bias
    out = jax.nn.relu(out)
    # layer norm over channel dim (norm_kind == 'layer' branch)
    mean = jnp.mean(out, axis=-1, keepdims=True)
    var = jnp.var(out, axis=-1, keepdims=True)
    out = (out - mean) / jnp.sqrt(var + 1e-5) * ln_gamma + ln_beta
    out = jnp.transpose(out, (0, 2, 1))[..., None]  # [B, C, N, 1]
    return out

if __name__ == "__main__":
    import jax
    _d = setup_inputs()
    print(jax.jit(kernel)(*tuple(_d.values())))

</pallas_src>

<mosaic_0001>
#map = affine_map<(d0, d1) -> (0, 0)>
module attributes {stable_mosaic.version = 14 : i64} {
  func.func @_sc_gather_sum(%arg0: i32, %arg1: i32, %arg2: memref<10000x128xf32, #tpu.memory_space<hbm>>, %arg3: memref<2500x128xi32, #tpu.memory_space<hbm>>, %arg4: memref<10000x128xf32, #tpu.memory_space<hbm>>, %arg5: memref<64x128xi32, #tpu.memory_space<vmem>>, %arg6: memref<128x128xf32, #tpu.memory_space<vmem>>, %arg7: memref<128x128xf32, #tpu.memory_space<vmem>>, %arg8: memref<8x128xf32, #tpu.memory_space<vmem>>, %arg9: memref<8x128xf32, #tpu.memory_space<vmem>>, %arg10: memref<!tpu.dma_semaphore, #tpu.memory_space<semaphore_mem>>, %arg11: memref<!tpu.dma_semaphore, #tpu.memory_space<semaphore_mem>>, %arg12: memref<!tpu.dma_semaphore, #tpu.memory_space<semaphore_mem>>, %arg13: memref<!tpu.dma_semaphore, #tpu.memory_space<semaphore_mem>>, %arg14: memref<!tpu.dma_semaphore, #tpu.memory_space<semaphore_mem>>) attributes {dimension_semantics = [#tpu.dimension_semantics<core_parallel>, #tpu.dimension_semantics<subcore_parallel>], iteration_bounds = array<i64: 2, 16>, scalar_prefetch = 0 : i64, scratch_operands = 10 : i64, tpu.core_type = #tpu.core_type<sc_vector_subcore>, window_params = [{transform_indices = #map}, {transform_indices = #map}, {transform_indices = #map}]} {
    %mul3A = arith.constant 2 : i32
    %mul3A_0 = arith.muli %arg1, %mul3A : i32
    %add3A = arith.addi %mul3A_0, %arg0 : i32
    %mul3A_1 = arith.constant 625 : i32
    %mul3A_2 = arith.muli %add3A, %mul3A_1 : i32
    %jit3A = arith.constant 16 : i32
    %div3A = arith.divsi %mul3A_2, %jit3A : i32
    %sign3A = arith.constant 0 : i32
    %sign3A_3 = arith.cmpi sgt, %mul3A_2, %sign3A : i32
    %sign3A_4 = arith.extui %sign3A_3 : i1 to i32
    %sign3A_5 = arith.constant 0 : i32
    %sign3A_6 = arith.cmpi slt, %mul3A_2, %sign3A_5 : i32
    %sign3A_7 = arith.extui %sign3A_6 : i1 to i32
    %sign3A_8 = arith.subi %sign3A_4, %sign3A_7 : i32
    %sign3A_9 = arith.constant 0 : i32
    %sign3A_10 = arith.cmpi sgt, %jit3A, %sign3A_9 : i32
    %sign3A_11 = arith.extui %sign3A_10 : i1 to i32
    %sign3A_12 = arith.constant 0 : i32
    %sign3A_13 = arith.cmpi slt, %jit3A, %sign3A_12 : i32
    %sign3A_14 = arith.extui %sign3A_13 : i1 to i32
    %sign3A_15 = arith.subi %sign3A_11, %sign3A_14 : i32
    %ne3A = arith.cmpi ne, %sign3A_8, %sign3A_15 : i32
    %rem3A = arith.remsi %mul3A_2, %jit3A : i32
    %ne3A_16 = arith.constant 0 : i32
    %ne3A_17 = arith.cmpi ne, %rem3A, %ne3A_16 : i32
    %and3A = arith.andi %ne3A, %ne3A_17 : i1
    %sub3A = arith.constant 1 : i32
    %sub3A_18 = arith.subi %div3A, %sub3A : i32
    %select_n3A = arith.select %and3A, %sub3A_18, %div3A : i32
    %jit3A_19 = arith.constant 8 : i32
    %div3A_20 = arith.divsi %select_n3A, %jit3A_19 : i32
    %sign3A_21 = arith.constant 0 : i32
    %sign3A_22 = arith.cmpi sgt, %select_n3A, %sign3A_21 : i32
    %sign3A_23 = arith.extui %sign3A_22 : i1 to i32
    %sign3A_24 = arith.constant 0 : i32
    %sign3A_25 = arith.cmpi slt, %select_n3A, %sign3A_24 : i32
    %sign3A_26 = arith.extui %sign3A_25 : i1 to i32
    %sign3A_27 = arith.subi %sign3A_23, %sign3A_26 : i32
    %sign3A_28 = arith.constant 0 : i32
    %sign3A_29 = arith.cmpi sgt, %jit3A_19, %sign3A_28 : i32
    %sign3A_30 = arith.extui %sign3A_29 : i1 to i32
    %sign3A_31 = arith.constant 0 : i32
    %sign3A_32 = arith.cmpi slt, %jit3A_19, %sign3A_31 : i32
    %sign3A_33 = arith.extui %sign3A_32 : i1 to i32
    %sign3A_34 = arith.subi %sign3A_30, %sign3A_33 : i32
    %ne3A_35 = arith.cmpi ne, %sign3A_27, %sign3A_34 : i32
    %rem3A_36 = arith.remsi %select_n3A, %jit3A_19 : i32
    %ne3A_37 = arith.constant 0 : i32
    %ne3A_38 = arith.cmpi ne, %rem3A_36, %ne3A_37 : i32
    %and3A_39 = arith.andi %ne3A_35, %ne3A_38 : i1
    %sub3A_40 = arith.constant 1 : i32
    %sub3A_41 = arith.subi %div3A_20, %sub3A_40 : i32
    %select_n3A_42 = arith.select %and3A_39, %sub3A_41, %div3A_20 : i32
    %mul3A_43 = arith.constant 8 : i32
    %mul3A_44 = arith.muli %select_n3A_42, %mul3A_43 : i32
    %sub3A_45 = arith.subi %select_n3A, %mul3A_44 : i32
    %dma_start3A = arith.constant 0 : i32
    %dma_start3A_46 = tpu.memref_slice %arg3[%mul3A_44, %dma_start3A] : memref<2500x128xi32, #tpu.memory_space<hbm>> -> memref<64x128xi32, #tpu.memory_space<hbm>>
    %dma_start3A_47 = arith.constant 0 : i32
    %dma_start3A_48 = tpu.memref_slice %arg3[%mul3A_44, %dma_start3A_47] : memref<2500x128xi32, #tpu.memory_space<hbm>> -> memref<64x128xi32, #tpu.memory_space<hbm>>
    tpu.enqueue_dma source(%dma_start3A_48 : memref<64x128xi32, #tpu.memory_space<hbm>>) target(%arg5 : memref<64x128xi32, #tpu.memory_space<vmem>>) target_semaphore(%arg10 : memref<!tpu.dma_semaphore, #tpu.memory_space<semaphore_mem>>)
    %dma_wait3A = arith.constant 0 : i32
    %dma_wait3A_49 = tpu.memref_slice %arg3[%mul3A_44, %dma_wait3A] : memref<2500x128xi32, #tpu.memory_space<hbm>> -> memref<64x128xi32, #tpu.memory_space<hbm>>
    %dma_wait3A_50 = arith.constant 0 : i32
    %dma_wait3A_51 = tpu.memref_slice %arg3[%mul3A_44, %dma_wait3A_50] : memref<2500x128xi32, #tpu.memory_space<hbm>> -> memref<64x128xi32, #tpu.memory_space<hbm>>
    tpu.wait_dma2 semaphore(%arg10 : memref<!tpu.dma_semaphore, #tpu.memory_space<semaphore_mem>>) src(%dma_wait3A_51 : memref<64x128xi32, #tpu.memory_space<hbm>>) dst(%arg5 : memref<64x128xi32, #tpu.memory_space<vmem>>)
    %scan3A = arith.constant 0 : i32
    %scan3A_52 = arith.constant 0 : i32
    %scan3A_53 = arith.constant 64 : i32
    %scan3A_54 = arith.addi %scan3A_52, %scan3A_53 : i32
    %scan3A_55 = arith.constant 1 : i32
    %scan3A_56 = scf.for %scan3A_89 = %scan3A_52 to %scan3A_54 step %scan3A_55 iter_args(%scan3A_90 = %scan3A) -> (i32)  : i32 {
      %add3A_91 = arith.addi %mul3A_44, %scan3A_89 : i32
      %ge3A = arith.constant 625 : i32
      %ge3A_92 = arith.cmpi sge, %add3A_91, %ge3A : i32
      %jit3A_93 = arith.constant 5000 : i32
      %jit3A_94 = arith.constant 0 : i32
      %select_n3A_95 = arith.select %ge3A_92, %jit3A_93, %jit3A_94 : i32
      %get3A = arith.index_cast %scan3A_89 : i32 to index
      %get3A_96 = arith.constant 0 : index
      %get3A_97 = tpu.vector_load %arg5[%get3A, %get3A_96] {strides = array<i32>} : memref<64x128xi32, #tpu.memory_space<vmem>>, vector<16xi32>,
      %add3A_98 = vector.broadcast %select_n3A_95 : i32 to vector<16xi32>
      %add3A_99 = arith.addi %get3A_97, %add3A_98 : vector<16xi32>
      %swap3A = arith.index_cast %scan3A_89 : i32 to index
      %swap3A_100 = arith.constant 0 : index
      %swap3A_101 = tpu.vector_load %arg5[%swap3A, %swap3A_100] {strides = array<i32>} : memref<64x128xi32, #tpu.memory_space<vmem>>, vector<16xi32>,
      tpu.vector_store %arg5[%swap3A, %swap3A_100], %add3A_99 {strides = array<i32>} : memref<64x128xi32, #tpu.memory_space<vmem>>, vector<16xi32>,
      %get3A_102 = arith.index_cast %scan3A_89 : i32 to index
      %get3A_103 = arith.constant 16 : index
      %get3A_104 = tpu.vector_load %arg5[%get3A_102, %get3A_103] {strides = array<i32>} : memref<64x128xi32, #tpu.memory_space<vmem>>, vector<16xi32>,
      %add3A_105 = vector.broadcast %select_n3A_95 : i32 to vector<16xi32>
      %add3A_106 = arith.addi %get3A_104, %add3A_105 : vector<16xi32>
      %swap3A_107 = arith.index_cast %scan3A_89 : i32 to index
      %swap3A_108 = arith.constant 16 : index
      %swap3A_109 = tpu.vector_load %arg5[%swap3A_107, %swap3A_108] {strides = array<i32>} : memref<64x128xi32, #tpu.memory_space<vmem>>, vector<16xi32>,
      tpu.vector_store %arg5[%swap3A_107, %swap3A_108], %add3A_106 {strides = array<i32>} : memref<64x128xi32, #tpu.memory_space<vmem>>, vector<16xi32>,
      %get3A_110 = arith.index_cast %scan3A_89 : i32 to index
      %get3A_111 = arith.constant 32 : index
      %get3A_112 = tpu.vector_load %arg5[%get3A_110, %get3A_111] {strides = array<i32>} : memref<64x128xi32, #tpu.memory_space<vmem>>, vector<16xi32>,
      %add3A_113 = vector.broadcast %select_n3A_95 : i32 to vector<16xi32>
      %add3A_114 = arith.addi %get3A_112, %add3A_113 : vector<16xi32>
      %swap3A_115 = arith.index_cast %scan3A_89 : i32 to index
      %swap3A_116 = arith.constant 32 : index
      %swap3A_117 = tpu.vector_load %arg5[%swap3A_115, %swap3A_116] {strides = array<i32>} : memref<64x128xi32, #tpu.memory_space<vmem>>, vector<16xi32>,
      tpu.vector_store %arg5[%swap3A_115, %swap3A_116], %add3A_114 {strides = array<i32>} : memref<64x128xi32, #tpu.memory_space<vmem>>, vector<16xi32>,
      %get3A_118 = arith.index_cast %scan3A_89 : i32 to index
      %get3A_119 = arith.constant 48 : index
      %get3A_120 = tpu.vector_load %arg5[%get3A_118, %get3A_119] {strides = array<i32>} : memref<64x128xi32, #tpu.memory_space<vmem>>, vector<16xi32>,
      %add3A_121 = vector.broadcast %select_n3A_95 : i32 to vector<16xi32>
      %add3A_122 = arith.addi %get3A_120, %add3A_121 : vector<16xi32>
      %swap3A_123 = arith.index_cast %scan3A_89 : i32 to index
      %swap3A_124 = arith.constant 48 : index
      %swap3A_125 = tpu.vector_load %arg5[%swap3A_123, %swap3A_124] {strides = array<i32>} : memref<64x128xi32, #tpu.memory_space<vmem>>, vector<16xi32>,
      tpu.vector_store %arg5[%swap3A_123, %swap3A_124], %add3A_122 {strides = array<i32>} : memref<64x128xi32, #tpu.memory_space<vmem>>, vector<16xi32>,
      %get3A_126 = arith.index_cast %scan3A_89 : i32 to index
      %get3A_127 = arith.constant 64 : index
      %get3A_128 = tpu.vector_load %arg5[%get3A_126, %get3A_127] {strides = array<i32>} : memref<64x128xi32, #tpu.memory_space<vmem>>, vector<16xi32>,
      %add3A_129 = vector.broadcast %select_n3A_95 : i32 to vector<16xi32>
      %add3A_130 = arith.addi %get3A_128, %add3A_129 : vector<16xi32>
      %swap3A_131 = arith.index_cast %scan3A_89 : i32 to index
      %swap3A_132 = arith.constant 64 : index
      %swap3A_133 = tpu.vector_load %arg5[%swap3A_131, %swap3A_132] {strides = array<i32>} : memref<64x128xi32, #tpu.memory_space<vmem>>, vector<16xi32>,
      tpu.vector_store %arg5[%swap3A_131, %swap3A_132], %add3A_130 {strides = array<i32>} : memref<64x128xi32, #tpu.memory_space<vmem>>, vector<16xi32>,
      %get3A_134 = arith.index_cast %scan3A_89 : i32 to index
      %get3A_135 = arith.constant 80 : index
      %get3A_136 = tpu.vector_load %arg5[%get3A_134, %get3A_135] {strides = array<i32>} : memref<64x128xi32, #tpu.memory_space<vmem>>, vector<16xi32>,
      %add3A_137 = vector.broadcast %select_n3A_95 : i32 to vector<16xi32>
      %add3A_138 = arith.addi %get3A_136, %add3A_137 : vector<16xi32>
      %swap3A_139 = arith.index_cast %scan3A_89 : i32 to index
      %swap3A_140 = arith.constant 80 : index
      %swap3A_141 = tpu.vector_load %arg5[%swap3A_139, %swap3A_140] {strides = array<i32>} : memref<64x128xi32, #tpu.memory_space<vmem>>, vector<16xi32>,
      tpu.vector_store %arg5[%swap3A_139, %swap3A_140], %add3A_138 {strides = array<i32>} : memref<64x128xi32, #tpu.memory_space<vmem>>, vector<16xi32>,
      %get3A_142 = arith.index_cast %scan3A_89 : i32 to index
      %get3A_143 = arith.constant 96 : index
      %get3A_144 = tpu.vector_load %arg5[%get3A_142, %get3A_143] {strides = array<i32>} : memref<64x128xi32, #tpu.memory_space<vmem>>, vector<16xi32>,
      %add3A_145 = vector.broadcast %select_n3A_95 : i32 to vector<16xi32>
      %add3A_146 = arith.addi %get3A_144, %add3A_145 : vector<16xi32>
      %swap3A_147 = arith.index_cast %scan3A_89 : i32 to index
      %swap3A_148 = arith.constant 96 : index
      %swap3A_149 = tpu.vector_load %arg5[%swap3A_147, %swap3A_148] {strides = array<i32>} : memref<64x128xi32, #tpu.memory_space<vmem>>, vector<16xi32>,
      tpu.vector_store %arg5[%swap3A_147, %swap3A_148], %add3A_146 {strides = array<i32>} : memref<64x128xi32, #tpu.memory_space<vmem>>, vector<16xi32>,
      %get3A_150 = arith.index_cast %scan3A_89 : i32 to index
      %get3A_151 = arith.constant 112 : index
      %get3A_152 = tpu.vector_load %arg5[%get3A_150, %get3A_151] {strides = array<i32>} : memref<64x128xi32, #tpu.memory_space<vmem>>, vector<16xi32>,
      %add3A_153 = vector.broadcast %select_n3A_95 : i32 to vector<16xi32>
      %add3A_154 = arith.addi %get3A_152, %add3A_153 : vector<16xi32>
      %swap3A_155 = arith.index_cast %scan3A_89 : i32 to index
      %swap3A_156 = arith.constant 112 : index
      %swap3A_157 = tpu.vector_load %arg5[%swap3A_155, %swap3A_156] {strides = array<i32>} : memref<64x128xi32, #tpu.memory_space<vmem>>, vector<16xi32>,
      tpu.vector_store %arg5[%swap3A_155, %swap3A_156], %add3A_154 {strides = array<i32>} : memref<64x128xi32, #tpu.memory_space<vmem>>, vector<16xi32>,
      %scan3A_158 = arith.constant 0 : i32
      scf.yield %scan3A_158 : i32
    }
    %scan3A_57 = arith.constant 64 : i32
    %add3A_58 = arith.constant 0 : i32
    %add3A_59 = arith.addi %sub3A_45, %add3A_58 : i32
    %dma_start3A_60 = arith.constant 0 : i32
    %dma_start3A_61 = tpu.memref_slice %arg5[%add3A_59, %dma_start3A_60] : memref<64x128xi32, #tpu.memory_space<vmem>> -> memref<1x128xi32, #tpu.memory_space<vmem>>
    %dma_start3A_62 = tpu.memref_squeeze %dma_start3A_61 : memref<1x128xi32, #tpu.memory_space<vmem>> -> memref<128xi32, #tpu.memory_space<vmem>>
    %dma_start3A_63 = arith.constant 0 : i32
    %dma_start3A_64 = arith.constant 0 : i32
    %dma_start3A_65 = tpu.memref_slice %arg2[%dma_start3A_63, %dma_start3A_64] : memref<10000x128xf32, #tpu.memory_space<hbm>> -> memref<10000x128xf32, #tpu.memory_space<hbm>>
    tpu.enqueue_indirect_dma source(%dma_start3A_65 : memref<10000x128xf32, #tpu.memory_space<hbm>>) target(%arg6 : memref<128x128xf32, #tpu.memory_space<vmem>>) offsets(%dma_start3A_62 : memref<128xi32, #tpu.memory_space<vmem>>) semaphore(%arg11 : memref<!tpu.dma_semaphore, #tpu.memory_space<semaphore_mem>>)
    %scan3A_66 = arith.constant 0 : i32
    %scan3A_67 = arith.constant 0 : i32
    %scan3A_68 = arith.constant 20 : i32
    %scan3A_69 = arith.addi %scan3A_67, %scan3A_68 : i32
    %scan3A_70 = arith.constant 1 : i32
    %scan3A_71 = scf.for %scan3A_89 = %scan3A_67 to %scan3A_69 step %scan3A_70 iter_args(%scan3A_90 = %scan3A_66) -> (i32)  : i32 {
      %mul3A_91 = arith.constant 2 : i32
      %mul3A_92 = arith.muli %mul3A_91, %scan3A_89 : i32
      %add3A_93 = arith.constant 1 : i32
      %add3A_94 = arith.addi %mul3A_92, %add3A_93 : i32
      %add3A_95 = arith.addi %sub3A_45, %add3A_94 : i32
      %dma_start3A_96 = arith.constant 0 : i32
      %dma_start3A_97 = tpu.memref_slice %arg5[%add3A_95, %dma_start3A_96] : memref<64x128xi32, #tpu.memory_space<vmem>> -> memref<1x128xi32, #tpu.memory_space<vmem>>
      %dma_start3A_98 = tpu.memref_squeeze %dma_start3A_97 : memref<1x128xi32, #tpu.memory_space<vmem>> -> memref<128xi32, #tpu.memory_space<vmem>>
      %dma_start3A_99 = arith.constant 0 : i32
      %dma_start3A_100 = arith.constant 0 : i32
      %dma_start3A_101 = tpu.memref_slice %arg2[%dma_start3A_99, %dma_start3A_100] : memref<10000x128xf32, #tpu.memory_space<hbm>> -> memref<10000x128xf32, #tpu.memory_space<hbm>>
      tpu.enqueue_indirect_dma source(%dma_start3A_101 : memref<10000x128xf32, #tpu.memory_space<hbm>>) target(%arg7 : memref<128x128xf32, #tpu.memory_space<vmem>>) offsets(%dma_start3A_98 : memref<128xi32, #tpu.memory_space<vmem>>) semaphore(%arg12 : memref<!tpu.dma_semaphore, #tpu.memory_space<semaphore_mem>>)
      %add3A_102 = arith.addi %sub3A_45, %mul3A_92 : i32
      %dma_wait3A_103 = arith.constant 0 : i32
      %dma_wait3A_104 = tpu.memref_slice %arg5[%add3A_102, %dma_wait3A_103] : memref<64x128xi32, #tpu.memory_space<vmem>> -> memref<1x128xi32, #tpu.memory_space<vmem>>
      %dma_wait3A_105 = tpu.memref_squeeze %dma_wait3A_104 : memref<1x128xi32, #tpu.memory_space<vmem>> -> memref<128xi32, #tpu.memory_space<vmem>>
      %dma_wait3A_106 = arith.constant 0 : i32
      %dma_wait3A_107 = arith.constant 0 : i32
      %dma_wait3A_108 = tpu.memref_slice %arg2[%dma_wait3A_106, %dma_wait3A_107] : memref<10000x128xf32, #tpu.memory_space<hbm>> -> memref<10000x128xf32, #tpu.memory_space<hbm>>
      tpu.wait_indirect_dma semaphore(%arg11 : memref<!tpu.dma_semaphore, #tpu.memory_space<semaphore_mem>>) src(%dma_wait3A_108 : memref<10000x128xf32, #tpu.memory_space<hbm>>) dst(%arg6 : memref<128x128xf32, #tpu.memory_space<vmem>>)
      %gt3A = arith.constant 0 : i32
      %gt3A_109 = arith.cmpi sgt, %scan3A_89, %gt3A : i32
      %convert_element_type3A = arith.extui %gt3A_109 : i1 to i32
      %cond3A = arith.constant 0 : i32
      %cond3A_110 = arith.cmpi ne, %convert_element_type3A, %cond3A : i32
      scf.if %cond3A_110 {
        %sub3A_160 = arith.constant 2 : i32
        %sub3A_161 = arith.subi %mul3A_92, %sub3A_160 : i32
        %add3A_162 = arith.addi %select_n3A, %sub3A_161 : i32
        %mul3A_163 = arith.constant 8 : i32
        %mul3A_164 = arith.muli %add3A_162, %mul3A_163 : i32
        %dma_wait3A_165 = arith.constant 0 : i32
        %dma_wait3A_166 = tpu.memref_slice %arg4[%mul3A_164, %dma_wait3A_165] : memref<10000x128xf32, #tpu.memory_space<hbm>> -> memref<8x128xf32, #tpu.memory_space<hbm>>
        %dma_wait3A_167 = arith.constant 0 : i32
        %dma_wait3A_168 = tpu.memref_slice %arg4[%mul3A_164, %dma_wait3A_167] : memref<10000x128xf32, #tpu.memory_space<hbm>> -> memref<8x128xf32, #tpu.memory_space<hbm>>
        tpu.wait_dma2 semaphore(%arg13 : memref<!tpu.dma_semaphore, #tpu.memory_space<semaphore_mem>>) src(%arg8 : memref<8x128xf32, #tpu.memory_space<vmem>>) dst(%dma_wait3A_168 : memref<8x128xf32, #tpu.memory_space<hbm>>)
      } else {
      }
      %scan3A_111 = arith.constant 0 : i32
      %scan3A_112 = arith.constant 0 : i32
      %scan3A_113 = arith.constant 8 : i32
      %scan3A_114 = arith.addi %scan3A_112, %scan3A_113 : i32
      %scan3A_115 = arith.constant 1 : i32
      %scan3A_116 = scf.for %scan3A_160 = %scan3A_112 to %scan3A_114 step %scan3A_115 iter_args(%scan3A_161 = %scan3A_111) -> (i32)  : i32 {
        %mul3A_162 = arith.constant 16 : i32
        %mul3A_163 = arith.muli %scan3A_160, %mul3A_162 : i32
        %add3A_164 = arith.constant 0 : i32
        %add3A_165 = arith.addi %mul3A_163, %add3A_164 : i32
        %get3A = arith.index_cast %add3A_165 : i32 to index
        %get3A_166 = arith.constant 0 : index
        %get3A_167 = tpu.vector_load %arg6[%get3A, %get3A_166] {strides = array<i32>} : memref<128x128xf32, #tpu.memory_space<vmem>>, vector<16xf32>,
        %bitcast3A = vector.bitcast %get3A_167 : vector<16xf32> to vector<32xbf16>
        %add3A_168 = arith.constant 1 : i32
        %add3A_169 = arith.addi %mul3A_163, %add3A_168 : i32
        %get3A_170 = arith.index_cast %add3A_169 : i32 to index
        %get3A_171 = arith.constant 0 : index
        %get3A_172 = tpu.vector_load %arg6[%get3A_170, %get3A_171] {strides = array<i32>} : memref<128x128xf32, #tpu.memory_space<vmem>>, vector<16xf32>,
        %bitcast3A_173 = vector.bitcast %get3A_172 : vector<16xf32> to vector<32xbf16>
        %add3A_174 = arith.constant 2 : i32
        %add3A_175 = arith.addi %mul3A_163, %add3A_174 : i32
        %get3A_176 = arith.index_cast %add3A_175 : i32 to index
        %get3A_177 = arith.constant 0 : index
        %get3A_178 = tpu.vector_load %arg6[%get3A_176, %get3A_177] {strides = array<i32>} : memref<128x128xf32, #tpu.memory_space<vmem>>, vector<16xf32>,
        %bitcast3A_179 = vector.bitcast %get3A_178 : vector<16xf32> to vector<32xbf16>
        %add3A_180 = arith.constant 3 : i32
        %add3A_181 = arith.addi %mul3A_163, %add3A_180 : i32
        %get3A_182 = arith.index_cast %add3A_181 : i32 to index
        %get3A_183 = arith.constant 0 : index
        %get3A_184 = tpu.vector_load %arg6[%get3A_182, %get3A_183] {strides = array<i32>} : memref<128x128xf32, #tpu.memory_space<vmem>>, vector<16xf32>,
        %bitcast3A_185 = vector.bitcast %get3A_184 : vector<16xf32> to vector<32xbf16>
        %add3A_186 = arith.constant 4 : i32
        %add3A_187 = arith.addi %mul3A_163, %add3A_186 : i32
        %get3A_188 = arith.index_cast %add3A_187 : i32 to index
        %get3A_189 = arith.constant 0 : index
        %get3A_190 = tpu.vector_load %arg6[%get3A_188, %get3A_189] {strides = array<i32>} : memref<128x128xf32, #tpu.memory_space<vmem>>, vector<16xf32>,
        %bitcast3A_191 = vector.bitcast %get3A_190 : vector<16xf32> to vector<32xbf16>
        %add3A_192 = arith.constant 5 : i32
        %add3A_193 = arith.addi %mul3A_163, %add3A_192 : i32
        %get3A_194 = arith.index_cast %add3A_193 : i32 to index
        %get3A_195 = arith.constant 0 : index
        %get3A_196 = tpu.vector_load %arg6[%get3A_194, %get3A_195] {strides = array<i32>} : memref<128x128xf32, #tpu.memory_space<vmem>>, vector<16xf32>,
        %bitcast3A_197 = vector.bitcast %get3A_196 : vector<16xf32> to vector<32xbf16>
        %add3A_198 = arith.constant 6 : i32
        %add3A_199 = arith.addi %mul3A_163, %add3A_198 : i32
        %get3A_200 = arith.index_cast %add3A_199 : i32 to index
        %get3A_201 = arith.constant 0 : index
        %get3A_202 = tpu.vector_load %arg6[%get3A_200, %get3A_201] {strides = array<i32>} : memref<128x128xf32, #tpu.memory_space<vmem>>, vector<16xf32>,
        %bitcast3A_203 = vector.bitcast %get3A_202 : vector<16xf32> to vector<32xbf16>
        %add3A_204 = arith.constant 7 : i32
        %add3A_205 = arith.addi %mul3A_163, %add3A_204 : i32
        %get3A_206 = arith.index_cast %add3A_205 : i32 to index
        %get3A_207 = arith.constant 0 : index
        %get3A_208 = tpu.vector_load %arg6[%get3A_206, %get3A_207] {strides = array<i32>} : memref<128x128xf32, #tpu.memory_space<vmem>>, vector<16xf32>,
        %bitcast3A_209 = vector.bitcast %get3A_208 : vector<16xf32> to vector<32xbf16>
        %add3A_210 = arith.constant 8 : i32
        %add3A_211 = arith.addi %mul3A_163, %add3A_210 : i32
        %get3A_212 = arith.index_cast %add3A_211 : i32 to index
        %get3A_213 = arith.constant 0 : index
        %get3A_214 = tpu.vector_load %arg6[%get3A_212, %get3A_213] {strides = array<i32>} : memref<128x128xf32, #tpu.memory_space<vmem>>, vector<16xf32>,
        %bitcast3A_215 = vector.bitcast %get3A_214 : vector<16xf32> to vector<32xbf16>
        %add3A_216 = arith.constant 9 : i32
        %add3A_217 = arith.addi %mul3A_163, %add3A_216 : i32
        %get3A_218 = arith.index_cast %add3A_217 : i32 to index
        %get3A_219 = arith.constant 0 : index
        %get3A_220 = tpu.vector_load %arg6[%get3A_218, %get3A_219] {strides = array<i32>} : memref<128x128xf32, #tpu.memory_space<vmem>>, vector<16xf32>,
        %bitcast3A_221 = vector.bitcast %get3A_220 : vector<16xf32> to vector<32xbf16>
        %add3A_222 = arith.constant 10 : i32
        %add3A_223 = arith.addi %mul3A_163, %add3A_222 : i32
        %get3A_224 = arith.index_cast %add3A_223 : i32 to index
        %get3A_225 = arith.constant 0 : index
        %get3A_226 = tpu.vector_load %arg6[%get3A_224, %get3A_225] {strides = array<i32>} : memref<128x128xf32, #tpu.memory_space<vmem>>, vector<16xf32>,
        %bitcast3A_227 = vector.bitcast %get3A_226 : vector<16xf32> to vector<32xbf16>
        %add3A_228 = arith.constant 11 : i32
        %add3A_229 = arith.addi %mul3A_163, %add3A_228 : i32
        %get3A_230 = arith.index_cast %add3A_229 : i32 to index
        %get3A_231 = arith.constant 0 : index
        %get3A_232 = tpu.vector_load %arg6[%get3A_230, %get3A_231] {strides = array<i32>} : memref<128x128xf32, #tpu.memory_space<vmem>>, vector<16xf32>,
        %bitcast3A_233 = vector.bitcast %get3A_232 : vector<16xf32> to vector<32xbf16>
        %add3A_234 = arith.constant 12 : i32
        %add3A_235 = arith.addi %mul3A_163, %add3A_234 : i32
        %get3A_236 = arith.index_cast %add3A_235 : i32 to index
        %get3A_237 = arith.constant 0 : index
        %get3A_238 = tpu.vector_load %arg6[%get3A_236, %get3A_237] {strides = array<i32>} : memref<128x128xf32, #tpu.memory_space<vmem>>, vector<16xf32>,
        %bitcast3A_239 = vector.bitcast %get3A_238 : vector<16xf32> to vector<32xbf16>
        %add3A_240 = arith.constant 13 : i32
        %add3A_241 = arith.addi %mul3A_163, %add3A_240 : i32
        %get3A_242 = arith.index_cast %add3A_241 : i32 to index
        %get3A_243 = arith.constant 0 : index
        %get3A_244 = tpu.vector_load %arg6[%get3A_242, %get3A_243] {strides = array<i32>} : memref<128x128xf32, #tpu.memory_space<vmem>>, vector<16xf32>,
        %bitcast3A_245 = vector.bitcast %get3A_244 : vector<16xf32> to vector<32xbf16>
        %add3A_246 = arith.constant 14 : i32
        %add3A_247 = arith.addi %mul3A_163, %add3A_246 : i32
        %get3A_248 = arith.index_cast %add3A_247 : i32 to index
        %get3A_249 = arith.constant 0 : index
        %get3A_250 = tpu.vector_load %arg6[%get3A_248, %get3A_249] {strides = array<i32>} : memref<128x128xf32, #tpu.memory_space<vmem>>, vector<16xf32>,
        %bitcast3A_251 = vector.bitcast %get3A_250 : vector<16xf32> to vector<32xbf16>
        %add3A_252 = arith.constant 15 : i32
        %add3A_253 = arith.addi %mul3A_163, %add3A_252 : i32
        %get3A_254 = arith.index_cast %add3A_253 : i32 to index
        %get3A_255 = arith.constant 0 : index
        %get3A_256 = tpu.vector_load %arg6[%get3A_254, %get3A_255] {strides = array<i32>} : memref<128x128xf32, #tpu.memory_space<vmem>>, vector<16xf32>,
        %bitcast3A_257 = vector.bitcast %get3A_256 : vector<16xf32> to vector<32xbf16>
        %add3A_258 = arith.addf %bitcast3A, %bitcast3A_173 : vector<32xbf16>
        %add3A_259 = arith.addf %bitcast3A_179, %bitcast3A_185 : vector<32xbf16>
        %add3A_260 = arith.addf %bitcast3A_191, %bitcast3A_197 : vector<32xbf16>
        %add3A_261 = arith.addf %bitcast3A_203, %bitcast3A_209 : vector<32xbf16>
        %add3A_262 = arith.addf %bitcast3A_215, %bitcast3A_221 : vector<32xbf16>
        %add3A_263 = arith.addf %bitcast3A_227, %bitcast3A_233 : vector<32xbf16>
        %add3A_264 = arith.addf %bitcast3A_239, %bitcast3A_245 : vector<32xbf16>
        %add3A_265 = arith.addf %bitcast3A_251, %bitcast3A_257 : vector<32xbf16>
        %add3A_266 = arith.addf %add3A_258, %add3A_259 : vector<32xbf16>
        %add3A_267 = arith.addf %add3A_260, %add3A_261 : vector<32xbf16>
        %add3A_268 = arith.addf %add3A_262, %add3A_263 : vector<32xbf16>
        %add3A_269 = arith.addf %add3A_264, %add3A_265 : vector<32xbf16>
        %add3A_270 = arith.addf %add3A_266, %add3A_267 : vector<32xbf16>
        %add3A_271 = arith.addf %add3A_268, %add3A_269 : vector<32xbf16>
        %add3A_272 = arith.addf %add3A_270, %add3A_271 : vector<32xbf16>
        %bitcast3A_273 = vector.bitcast %add3A_272 : vector<32xbf16> to vector<16xf32>
        %swap3A = arith.index_cast %scan3A_160 : i32 to index
        %swap3A_274 = arith.constant 0 : index
        %swap3A_275 = tpu.vector_load %arg8[%swap3A, %swap3A_274] {strides = array<i32>} : memref<8x128xf32, #tpu.memory_space<vmem>>, vector<16xf32>,
        tpu.vector_store %arg8[%swap3A, %swap3A_274], %bitcast3A_273 {strides = array<i32>} : memref<8x128xf32, #tpu.memory_space<vmem>>, vector<16xf32>,
        %add3A_276 = arith.constant 0 : i32
        %add3A_277 = arith.addi %mul3A_163, %add3A_276 : i32
        %get3A_278 = arith.index_cast %add3A_277 : i32 to index
        %get3A_279 = arith.constant 16 : index
        %get3A_280 = tpu.vector_load %arg6[%get3A_278, %get3A_279] {strides = array<i32>} : memref<128x128xf32, #tpu.memory_space<vmem>>, vector<16xf32>,
        %bitcast3A_281 = vector.bitcast %get3A_280 : vector<16xf32> to vector<32xbf16>
        %add3A_282 = arith.constant 1 : i32
        %add3A_283 = arith.addi %mul3A_163, %add3A_282 : i32
        %get3A_284 = arith.index_cast %add3A_283 : i32 to index
        %get3A_285 = arith.constant 16 : index
        %get3A_286 = tpu.vector_load %arg6[%get3A_284, %get3A_285] {strides = array<i32>} : memref<128x128xf32, #tpu.memory_space<vmem>>, vector<16xf32>,
        %bitcast3A_287 = vector.bitcast %get3A_286 : vector<16xf32> to vector<32xbf16>
        %add3A_288 = arith.constant 2 : i32
        %add3A_289 = arith.addi %mul3A_163, %add3A_288 : i32
        %get3A_290 = arith.index_cast %add3A_289 : i32 to index
        %get3A_291 = arith.constant 16 : index
        %get3A_292 = tpu.vector_load %arg6[%get3A_290, %get3A_291] {strides = array<i32>} : memref<128x128xf32, #tpu.memory_space<vmem>>, vector<16xf32>,
        %bitcast3A_293 = vector.bitcast %get3A_292 : vector<16xf32> to vector<32xbf16>
        %add3A_294 = arith.constant 3 : i32
        %add3A_295 = arith.addi %mul3A_163, %add3A_294 : i32
        %get3A_296 = arith.index_cast %add3A_295 : i32 to index
        %get3A_297 = arith.constant 16 : index
        %get3A_298 = tpu.vector_load %arg6[%get3A_296, %get3A_297] {strides = array<i32>} : memref<128x128xf32, #tpu.memory_space<vmem>>, vector<16xf32>,
        %bitcast3A_299 = vector.bitcast %get3A_298 : vector<16xf32> to vector<32xbf16>
        %add3A_300 = arith.constant 4 : i32
        %add3A_301 = arith.addi %mul3A_163, %add3A_300 : i32
        %get3A_302 = arith.index_cast %add3A_301 : i32 to index
        %get3A_303 = arith.constant 16 : index
        %get3A_304 = tpu.vector_load %arg6[%get3A_302, %get3A_303] {strides = array<i32>} : memref<128x128xf32, #tpu.memory_space<vmem>>, vector<16xf32>,
        %bitcast3A_305 = vector.bitcast %get3A_304 : vector<16xf32> to vector<32xbf16>
        %add3A_306 = arith.constant 5 : i32
        %add3A_307 = arith.addi %mul3A_163, %add3A_306 : i32
        %get3A_308 = arith.index_cast %add3A_307 : i32 to index
        %get3A_309 = arith.constant 16 : index
        %get3A_310 = tpu.vector_load %arg6[%get3A_308, %get3A_309] {strides = array<i32>} : memref<128x128xf32, #tpu.memory_space<vmem>>, vector<16xf32>,
        %bitcast3A_311 = vector.bitcast %get3A_310 : vector<16xf32> to vector<32xbf16>
        %add3A_312 = arith.constant 6 : i32
        %add3A_313 = arith.addi %mul3A_163, %add3A_312 : i32
        %get3A_314 = arith.index_cast %add3A_313 : i32 to index
        %get3A_315 = arith.constant 16 : index
        %get3A_316 = tpu.vector_load %arg6[%get3A_314, %get3A_315] {strides = array<i32>} : memref<128x128xf32, #tpu.memory_space<vmem>>, vector<16xf32>,
        %bitcast3A_317 = vector.bitcast %get3A_316 : vector<16xf32> to vector<32xbf16>
        %add3A_318 = arith.constant 7 : i32
        %add3A_319 = arith.addi %mul3A_163, %add3A_318 : i32
        %get3A_320 = arith.index_cast %add3A_319 : i32 to index
        %get3A_321 = arith.constant 16 : index
        %get3A_322 = tpu.vector_load %arg6[%get3A_320, %get3A_321] {strides = array<i32>} : memref<128x128xf32, #tpu.memory_space<vmem>>, vector<16xf32>,
        %bitcast3A_323 = vector.bitcast %get3A_322 : vector<16xf32> to vector<32xbf16>
        %add3A_324 = arith.constant 8 : i32
        %add3A_325 = arith.addi %mul3A_163, %add3A_324 : i32
        %get3A_326 = arith.index_cast %add3A_325 : i32 to index
        %get3A_327 = arith.constant 16 : index
        %get3A_328 = tpu.vector_load %arg6[%get3A_326, %get3A_327] {strides = array<i32>} : memref<128x128xf32, #tpu.memory_space<vmem>>, vector<16xf32>,
        %bitcast3A_329 = vector.bitcast %get3A_328 : vector<16xf32> to vector<32xbf16>
        %add3A_330 = arith.constant 9 : i32
        %add3A_331 = arith.addi %mul3A_163, %add3A_330 : i32
        %get3A_332 = arith.index_cast %add3A_331 : i32 to index
        %get3A_333 = arith.constant 16 : index
        %get3A_334 = tpu.vector_load %arg6[%get3A_332, %get3A_333] {strides = array<i32>} : memref<128x128xf32, #tpu.memory_space<vmem>>, vector<16xf32>,
        %bitcast3A_335 = vector.bitcast %get3A_334 : vector<16xf32> to vector<32xbf16>
        %add3A_336 = arith.constant 10 : i32
        %add3A_337 = arith.addi %mul3A_163, %add3A_336 : i32
        %get3A_338 = arith.index_cast %add3A_337 : i32 to index
        %get3A_339 = arith.constant 16 : index
        %get3A_340 = tpu.vector_load %arg6[%get3A_338, %get3A_339] {strides = array<i32>} : memref<128x128xf32, #tpu.memory_space<vmem>>, vector<16xf32>,
        %bitcast3A_341 = vector.bitcast %get3A_340 : vector<16xf32> to vector<32xbf16>
        %add3A_342 = arith.constant 11 : i32
        %add3A_343 = arith.addi %mul3A_163, %add3A_342 : i32
        %get3A_344 = arith.index_cast %add3A_343 : i32 to index
        %get3A_345 = arith.constant 16 : index
        %get3A_346 = tpu.vector_load %arg6[%get3A_344, %get3A_345] {strides = array<i32>} : memref<128x128xf32, #tpu.memory_space<vmem>>, vector<16xf32>,
        %bitcast3A_347 = vector.bitcast %get3A_346 : vector<16xf32> to vector<32xbf16>
        %add3A_348 = arith.constant 12 : i32
        %add3A_349 = arith.addi %mul3A_163, %add3A_348 : i32
        %get3A_350 = arith.index_cast %add3A_349 : i32 to index
        %get3A_351 = arith.constant 16 : index
        %get3A_352 = tpu.vector_load %arg6[%get3A_350, %get3A_351] {strides = array<i32>} : memref<128x128xf32, #tpu.memory_space<vmem>>, vector<16xf32>,
        %bitcast3A_353 = vector.bitcast %get3A_352 : vector<16xf32> to vector<32xbf16>
        %add3A_354 = arith.constant 13 : i32
        %add3A_355 = arith.addi %mul3A_163, %add3A_354 : i32
        %get3A_356 = arith.index_cast %add3A_355 : i32 to index
        %get3A_357 = arith.constant 16 : index
        %get3A_358 = tpu.vector_load %arg6[%get3A_356, %get3A_357] {strides = array<i32>} : memref<128x128xf32, #tpu.memory_space<vmem>>, vector<16xf32>,
        %bitcast3A_359 = vector.bitcast %get3A_358 : vector<16xf32> to vector<32xbf16>
        %add3A_360 = arith.constant 14 : i32
        %add3A_361 = arith.addi %mul3A_163, %add3A_360 : i32
        %get3A_362 = arith.index_cast %add3A_361 : i32 to index
        %get3A_363 = arith.constant 16 : index
        %get3A_364 = tpu.vector_load %arg6[%get3A_362, %get3A_363] {strides = array<i32>} : memref<128x128xf32, #tpu.memory_space<vmem>>, vector<16xf32>,
        %bitcast3A_365 = vector.bitcast %get3A_364 : vector<16xf32> to vector<32xbf16>
        %add3A_366 = arith.constant 15 : i32
        %add3A_367 = arith.addi %mul3A_163, %add3A_366 : i32
        %get3A_368 = arith.index_cast %add3A_367 : i32 to index
        %get3A_369 = arith.constant 16 : index
        %get3A_370 = tpu.vector_load %arg6[%get3A_368, %get3A_369] {strides = array<i32>} : memref<128x128xf32, #tpu.memory_space<vmem>>, vector<16xf32>,
        %bitcast3A_371 = vector.bitcast %get3A_370 : vector<16xf32> to vector<32xbf16>
        %add3A_372 = arith.addf %bitcast3A_281, %bitcast3A_287 : vector<32xbf16>
        %add3A_373 = arith.addf %bitcast3A_293, %bitcast3A_299 : vector<32xbf16>
        %add3A_374 = arith.addf %bitcast3A_305, %bitcast3A_311 : vector<32xbf16>
        %add3A_375 = arith.addf %bitcast3A_317, %bitcast3A_323 : vector<32xbf16>
        %add3A_376 = arith.addf %bitcast3A_329, %bitcast3A_335 : vector<32xbf16>
        %add3A_377 = arith.addf %bitcast3A_341, %bitcast3A_347 : vector<32xbf16>
        %add3A_378 = arith.addf %bitcast3A_353, %bitcast3A_359 : vector<32xbf16>
        %add3A_379 = arith.addf %bitcast3A_365, %bitcast3A_371 : vector<32xbf16>
        %add3A_380 = arith.addf %add3A_372, %add3A_373 : vector<32xbf16>
        %add3A_381 = arith.addf %add3A_374, %add3A_375 : vector<32xbf16>
        %add3A_382 = arith.addf %add3A_376, %add3A_377 : vector<32xbf16>
        %add3A_383 = arith.addf %add3A_378, %add3A_379 : vector<32xbf16>
        %add3A_384 = arith.addf %add3A_380, %add3A_381 : vector<32xbf16>
        %add3A_385 = arith.addf %add3A_382, %add3A_383 : vector<32xbf16>
        %add3A_386 = arith.addf %add3A_384, %add3A_385 : vector<32xbf16>
        %bitcast3A_387 = vector.bitcast %add3A_386 : vector<32xbf16> to vector<16xf32>
        %swap3A_388 = arith.index_cast %scan3A_160 : i32 to index
        %swap3A_389 = arith.constant 16 : index
        %swap3A_390 = tpu.vector_load %arg8[%swap3A_388, %swap3A_389] {strides = array<i32>} : memref<8x128xf32, #tpu.memory_space<vmem>>, vector<16xf32>,
        tpu.vector_store %arg8[%swap3A_388, %swap3A_389], %bitcast3A_387 {strides = array<i32>} : memref<8x128xf32, #tpu.memory_space<vmem>>, vector<16xf32>,
        %add3A_391 = arith.constant 0 : i32
        %add3A_392 = arith.addi %mul3A_163, %add3A_391 : i32
        %get3A_393 = arith.index_cast %add3A_392 : i32 to index
        %get3A_394 = arith.constant 32 : index
        %get3A_395 = tpu.vector_load %arg6[%get3A_393, %get3A_394] {strides = array<i32>} : memref<128x128xf32, #tpu.memory_space<vmem>>, vector<16xf32>,
        %bitcast3A_396 = vector.bitcast %get3A_395 : vector<16xf32> to vector<32xbf16>
        %add3A_397 = arith.constant 1 : i32
        %add3A_398 = arith.addi %mul3A_163, %add3A_397 : i32
        %get3A_399 = arith.index_cast %add3A_398 : i32 to index
        %get3A_400 = arith.constant 32 : index
        %get3A_401 = tpu.vector_load %arg6[%get3A_399, %get3A_400] {strides = array<i32>} : memref<128x128xf32, #tpu.memory_space<vmem>>, vector<16xf32>,
        %bitcast3A_402 = vector.bitcast %get3A_401 : vector<16xf32> to vector<32xbf16>
        %add3A_403 = arith.constant 2 : i32
        %add3A_404 = arith.addi %mul3A_163, %add3A_403 : i32
        %get3A_405 = arith.index_cast %add3A_404 : i32 to index
        %get3A_406 = arith.constant 32 : index
        %get3A_407 = tpu.vector_load %arg6[%get3A_405, %get3A_406] {strides = array<i32>} : memref<128x128xf32, #tpu.memory_space<vmem>>, vector<16xf32>,
        %bitcast3A_408 = vector.bitcast %get3A_407 : vector<16xf32> to vector<32xbf16>
        %add3A_409 = arith.constant 3 : i32
        %add3A_410 = arith.addi %mul3A_163, %add3A_409 : i32
        %get3A_411 = arith.index_cast %add3A_410 : i32 to index
        %get3A_412 = arith.constant 32 : index
        %get3A_413 = tpu.vector_load %arg6[%get3A_411, %get3A_412] {strides = array<i32>} : memref<128x128xf32, #tpu.memory_space<vmem>>, vector<16xf32>,
        %bitcast3A_414 = vector.bitcast %get3A_413 : vector<16xf32> to vector<32xbf16>
        %add3A_415 = arith.constant 4 : i32
        %add3A_416 = arith.addi %mul3A_163, %add3A_415 : i32
        %get3A_417 = arith.index_cast %add3A_416 : i32 to index
        %get3A_418 = arith.constant 32 : index
        %get3A_419 = tpu.vector_load %arg6[%get3A_417, %get3A_418] {strides = array<i32>} : memref<128x128xf32, #tpu.memory_space<vmem>>, vector<16xf32>,
        %bitcast3A_420 = vector.bitcast %get3A_419 : vector<16xf32> to vector<32xbf16>
        %add3A_421 = arith.constant 5 : i32
        %add3A_422 = arith.addi %mul3A_163, %add3A_421 : i32
        %get3A_423 = arith.index_cast %add3A_422 : i32 to index
        %get3A_424 = arith.constant 32 : index
        %get3A_425 = tpu.vector_load %arg6[%get3A_423, %get3A_424] {strides = array<i32>} : memref<128x128xf32, #tpu.memory_space<vmem>>, vector<16xf32>,
        %bitcast3A_426 = vector.bitcast %get3A_425 : vector<16xf32> to vector<32xbf16>
        %add3A_427 = arith.constant 6 : i32
        %add3A_428 = arith.addi %mul3A_163, %add3A_427 : i32
        %get3A_429 = arith.index_cast %add3A_428 : i32 to index
        %get3A_430 = arith.constant 32 : index
        %get3A_431 = tpu.vector_load %arg6[%get3A_429, %get3A_430] {strides = array<i32>} : memref<128x128xf32, #tpu.memory_space<vmem>>, vector<16xf32>,
        %bitcast3A_432 = vector.bitcast %get3A_431 : vector<16xf32> to vector<32xbf16>
        %add3A_433 = arith.constant 7 : i32
        %add3A_434 = arith.addi %mul3A_163, %add3A_433 : i32
        %get3A_435 = arith.index_cast %add3A_434 : i32 to index
        %get3A_436 = arith.constant 32 : index
        %get3A_437 = tpu.vector_load %arg6[%get3A_435, %get3A_436] {strides = array<i32>} : memref<128x128xf32, #tpu.memory_space<vmem>>, vector<16xf32>,
        %bitcast3A_438 = vector.bitcast %get3A_437 : vector<16xf32> to vector<32xbf16>
        %add3A_439 = arith.constant 8 : i32
        %add3A_440 = arith.addi %mul3A_163, %add3A_439 : i32
        %get3A_441 = arith.index_cast %add3A_440 : i32 to index
        %get3A_442 = arith.constant 32 : index
        %get3A_443 = tpu.vector_load %arg6[%get3A_441, %get3A_442] {strides = array<i32>} : memref<128x128xf32, #tpu.memory_space<vmem>>, vector<16xf32>,
        %bitcast3A_444 = vector.bitcast %get3A_443 : vector<16xf32> to vector<32xbf16>
        %add3A_445 = arith.constant 9 : i32
        %add3A_446 = arith.addi %mul3A_163, %add3A_445 : i32
        %get3A_447 = arith.index_cast %add3A_446 : i32 to index
        %get3A_448 = arith.constant 32 : index
        %get3A_449 = tpu.vector_load %arg6[%get3A_447, %get3A_448] {strides = array<i32>} : memref<128x128xf32, #tpu.memory_space<vmem>>, vector<16xf32>,
        %bitcast3A_450 = vector.bitcast %get3A_449 : vector<16xf32> to vector<32xbf16>
        %add3A_451 = arith.constant 10 : i32
        %add3A_452 = arith.addi %mul3A_163, %add3A_451 : i32
        %get3A_453 = arith.index_cast %add3A_452 : i32 to index
        %get3A_454 = arith.constant 32 : index
        %get3A_455 = tpu.vector_load %arg6[%get3A_453, %get3A_454] {strides = array<i32>} : memref<128x128xf32, #tpu.memory_space<vmem>>, vector<16xf32>,
        %bitcast3A_456 = vector.bitcast %get3A_455 : vector<16xf32> to vector<32xbf16>
        %add3A_457 = arith.constant 11 : i32
        %add3A_458 = arith.addi %mul3A_163, %add3A_457 : i32
        %get3A_459 = arith.index_cast %add3A_458 : i32 to index
        %get3A_460 = arith.constant 32 : index
        %get3A_461 = tpu.vector_load %arg6[%get3A_459, %get3A_460] {strides = array<i32>} : memref<128x128xf32, #tpu.memory_space<vmem>>, vector<16xf32>,
        %bitcast3A_462 = vector.bitcast %get3A_461 : vector<16xf32> to vector<32xbf16>
        %add3A_463 = arith.constant 12 : i32
        %add3A_464 = arith.addi %mul3A_163, %add3A_463 : i32
        %get3A_465 = arith.index_cast %add3A_464 : i32 to index
        %get3A_466 = arith.constant 32 : index
        %get3A_467 = tpu.vector_load %arg6[%get3A_465, %get3A_466] {strides = array<i32>} : memref<128x128xf32, #tpu.memory_space<vmem>>, vector<16xf32>,
        %bitcast3A_468 = vector.bitcast %get3A_467 : vector<16xf32> to vector<32xbf16>
        %add3A_469 = arith.constant 13 : i32
        %add3A_470 = arith.addi %mul3A_163, %add3A_469 : i32
        %get3A_471 = arith.index_cast %add3A_470 : i32 to index
        %get3A_472 = arith.constant 32 : index
        %get3A_473 = tpu.vector_load %arg6[%get3A_471, %get3A_472] {strides = array<i32>} : memref<128x128xf32, #tpu.memory_space<vmem>>, vector<16xf32>,
        %bitcast3A_474 = vector.bitcast %get3A_473 : vector<16xf32> to vector<32xbf16>
        %add3A_475 = arith.constant 14 : i32
        %add3A_476 = arith.addi %mul3A_163, %add3A_475 : i32
        %get3A_477 = arith.index_cast %add3A_476 : i32 to index
        %get3A_478 = arith.constant 32 : index
        %get3A_479 = tpu.vector_load %arg6[%get3A_477, %get3A_478] {strides = array<i32>} : memref<128x128xf32, #tpu.memory_space<vmem>>, vector<16xf32>,
        %bitcast3A_480 = vector.bitcast %get3A_479 : vector<16xf32> to vector<32xbf16>
        %add3A_481 = arith.constant 15 : i32
        %add3A_482 = arith.addi %mul3A_163, %add3A_481 : i32
        %get3A_483 = arith.index_cast %add3A_482 : i32 to index
        %get3A_484 = arith.constant 32 : index
        %get3A_485 = tpu.vector_load %arg6[%get3A_483, %get3A_484] {strides = array<i32>} : memref<128x128xf32, #tpu.memory_space<vmem>>, vector<16xf32>,
        %bitcast3A_486 = vector.bitcast %get3A_485 : vector<16xf32> to vector<32xbf16>
        %add3A_487 = arith.addf %bitcast3A_396, %bitcast3A_402 : vector<32xbf16>
        %add3A_488 = arith.addf %bitcast3A_408, %bitcast3A_414 : vector<32xbf16>
        %add3A_489 = arith.addf %bitcast3A_420, %bitcast3A_426 : vector<32xbf16>
        %add3A_490 = arith.addf %bitcast3A_432, %bitcast3A_438 : vector<32xbf16>
        %add3A_491 = arith.addf %bitcast3A_444, %bitcast3A_450 : vector<32xbf16>
        %add3A_492 = arith.addf %bitcast3A_456, %bitcast3A_462 : vector<32xbf16>
        %add3A_493 = arith.addf %bitcast3A_468, %bitcast3A_474 : vector<32xbf16>
        %add3A_494 = arith.addf %bitcast3A_480, %bitcast3A_486 : vector<32xbf16>
        %add3A_495 = arith.addf %add3A_487, %add3A_488 : vector<32xbf16>
        %add3A_496 = arith.addf %add3A_489, %add3A_490 : vector<32xbf16>
        %add3A_497 = arith.addf %add3A_491, %add3A_492 : vector<32xbf16>
        %add3A_498 = arith.addf %add3A_493, %add3A_494 : vector<32xbf16>
        %add3A_499 = arith.addf %add3A_495, %add3A_496 : vector<32xbf16>
        %add3A_500 = arith.addf %add3A_497, %add3A_498 : vector<32xbf16>
        %add3A_501 = arith.addf %add3A_499, %add3A_500 : vector<32xbf16>
        %bitcast3A_502 = vector.bitcast %add3A_501 : vector<32xbf16> to vector<16xf32>
        %swap3A_503 = arith.index_cast %scan3A_160 : i32 to index
        %swap3A_504 = arith.constant 32 : index
        %swap3A_505 = tpu.vector_load %arg8[%swap3A_503, %swap3A_504] {strides = array<i32>} : memref<8x128xf32, #tpu.memory_space<vmem>>, vector<16xf32>,
        tpu.vector_store %arg8[%swap3A_503, %swap3A_504], %bitcast3A_502 {strides = array<i32>} : memref<8x128xf32, #tpu.memory_space<vmem>>, vector<16xf32>,
        %add3A_506 = arith.constant 0 : i32
        %add3A_507 = arith.addi %mul3A_163, %add3A_506 : i32
        %get3A_508 = arith.index_cast %add3A_507 : i32 to index
        %get3A_509 = arith.constant 48 : index
        %get3A_510 = tpu.vector_load %arg6[%get3A_508, %get3A_509] {strides = array<i32>} : memref<128x128xf32, #tpu.memory_space<vmem>>, vector<16xf32>,
        %bitcast3A_511 = vector.bitcast %get3A_510 : vector<16xf32> to vector<32xbf16>
        %add3A_512 = arith.constant 1 : i32
        %add3A_513 = arith.addi %mul3A_163, %add3A_512 : i32
        %get3A_514 = arith.index_cast %add3A_513 : i32 to index
        %get3A_515 = arith.constant 48 : index
        %get3A_516 = tpu.vector_load %arg6[%get3A_514, %get3A_515] {strides = array<i32>} : memref<128x128xf32, #tpu.memory_space<vmem>>, vector<16xf32>,
        %bitcast3A_517 = vector.bitcast %get3A_516 : vector<16xf32> to vector<32xbf16>
        %add3A_518 = arith.constant 2 : i32
        %add3A_519 = arith.addi %mul3A_163, %add3A_518 : i32
        %get3A_520 = arith.index_cast %add3A_519 : i32 to index
        %get3A_521 = arith.constant 48 : index
        %get3A_522 = tpu.vector_load %arg6[%get3A_520, %get3A_521] {strides = array<i32>} : memref<128x128xf32, #tpu.memory_space<vmem>>, vector<16xf32>,
        %bitcast3A_523 = vector.bitcast %get3A_522 : vector<16xf32> to vector<32xbf16>
        %add3A_524 = arith.constant 3 : i32
        %add3A_525 = arith.addi %mul3A_163, %add3A_524 : i32
        %get3A_526 = arith.index_cast %add3A_525 : i32 to index
        %get3A_527 = arith.constant 48 : index
        %get3A_528 = tpu.vector_load %arg6[%get3A_526, %get3A_527] {strides = array<i32>} : memref<128x128xf32, #tpu.memory_space<vmem>>, vector<16xf32>,
        %bitcast3A_529 = vector.bitcast %get3A_528 : vector<16xf32> to vector<32xbf16>
        %add3A_530 = arith.constant 4 : i32
        %add3A_531 = arith.addi %mul3A_163, %add3A_530 : i32
        %get3A_532 = arith.index_cast %add3A_531 : i32 to index
        %get3A_533 = arith.constant 48 : index
        %get3A_534 = tpu.vector_load %arg6[%get3A_532, %get3A_533] {strides = array<i32>} : memref<128x128xf32, #tpu.memory_space<vmem>>, vector<16xf32>,
        %bitcast3A_535 = vector.bitcast %get3A_534 : vector<16xf32> to vector<32xbf16>
        %add3A_536 = arith.constant 5 : i32
        %add3A_537 = arith.addi %mul3A_163, %add3A_536 : i32
        %get3A_538 = arith.index_cast %add3A_537 : i32 to index
        %get3A_539 = arith.constant 48 : index
        %get3A_540 = tpu.vector_load %arg6[%get3A_538, %get3A_539] {strides = array<i32>} : memref<128x128xf32, #tpu.memory_space<vmem>>, vector<16xf32>,
        %bitcast3A_541 = vector.bitcast %get3A_540 : vector<16xf32> to vector<32xbf16>
        %add3A_542 = arith.constant 6 : i32
        %add3A_543 = arith.addi %mul3A_163, %add3A_542 : i32
        %get3A_544 = arith.index_cast %add3A_543 : i32 to index
        %get3A_545 = arith.constant 48 : index
        %get3A_546 = tpu.vector_load %arg6[%get3A_544, %get3A_545] {strides = array<i32>} : memref<128x128xf32, #tpu.memory_space<vmem>>, vector<16xf32>,
        %bitcast3A_547 = vector.bitcast %get3A_546 : vector<16xf32> to vector<32xbf16>
        %add3A_548 = arith.constant 7 : i32
        %add3A_549 = arith.addi %mul3A_163, %add3A_548 : i32
        %get3A_550 = arith.index_cast %add3A_549 : i32 to index
        %get3A_551 = arith.constant 48 : index
        %get3A_552 = tpu.vector_load %arg6[%get3A_550, %get3A_551] {strides = array<i32>} : memref<128x128xf32, #tpu.memory_space<vmem>>, vector<16xf32>,
        %bitcast3A_553 = vector.bitcast %get3A_552 : vector<16xf32> to vector<32xbf16>
        %add3A_554 = arith.constant 8 : i32
        %add3A_555 = arith.addi %mul3A_163, %add3A_554 : i32
        %get3A_556 = arith.index_cast %add3A_555 : i32 to index
        %get3A_557 = arith.constant 48 : index
        %get3A_558 = tpu.vector_load %arg6[%get3A_556, %get3A_557] {strides = array<i32>} : memref<128x128xf32, #tpu.memory_space<vmem>>, vector<16xf32>,
        %bitcast3A_559 = vector.bitcast %get3A_558 : vector<16xf32> to vector<32xbf16>
        %add3A_560 = arith.constant 9 : i32
        %add3A_561 = arith.addi %mul3A_163, %add3A_560 : i32
        %get3A_562 = arith.index_cast %add3A_561 : i32 to index
        %get3A_563 = arith.constant 48 : index
        %get3A_564 = tpu.vector_load %arg6[%get3A_562, %get3A_563] {strides = array<i32>} : memref<128x128xf32, #tpu.memory_space<vmem>>, vector<16xf32>,
        %bitcast3A_565 = vector.bitcast %get3A_564 : vector<16xf32> to vector<32xbf16>
        %add3A_566 = arith.constant 10 : i32
        %add3A_567 = arith.addi %mul3A_163, %add3A_566 : i32
        %get3A_568 = arith.index_cast %add3A_567 : i32 to index
        %get3A_569 = arith.constant 48 : index
        %get3A_570 = tpu.vector_load %arg6[%get3A_568, %get3A_569] {strides = array<i32>} : memref<128x128xf32, #tpu.memory_space<vmem>>, vector<16xf32>,
        %bitcast3A_571 = vector.bitcast %get3A_570 : vector<16xf32> to vector<32xbf16>
        %add3A_572 = arith.constant 11 : i32
        %add3A_573 = arith.addi %mul3A_163, %add3A_572 : i32
        %get3A_574 = arith.index_cast %add3A_573 : i32 to index
        %get3A_575 = arith.constant 48 : index
        %get3A_576 = tpu.vector_load %arg6[%get3A_574, %get3A_575] {strides = array<i32>} : memref<128x128xf32, #tpu.memory_space<vmem>>, vector<16xf32>,
        %bitcast3A_577 = vector.bitcast %get3A_576 : vector<16xf32> to vector<32xbf16>
        %add3A_578 = arith.constant 12 : i32
        %add3A_579 = arith.addi %mul3A_163, %add3A_578 : i32
        %get3A_580 = arith.index_cast %add3A_579 : i32 to index
        %get3A_581 = arith.constant 48 : index
        %get3A_582 = tpu.vector_load %arg6[%get3A_580, %get3A_581] {strides = array<i32>} : memref<128x128xf32, #tpu.memory_space<vmem>>, vector<16xf32>,
        %bitcast3A_583 = vector.bitcast %get3A_582 : vector<16xf32> to vector<32xbf16>
        %add3A_584 = arith.constant 13 : i32
        %add3A_585 = arith.addi %mul3A_163, %add3A_584 : i32
        %get3A_586 = arith.index_cast %add3A_585 : i32 to index
        %get3A_587 = arith.constant 48 : index
        %get3A_588 = tpu.vector_load %arg6[%get3A_586, %get3A_587] {strides = array<i32>} : memref<128x128xf32, #tpu.memory_space<vmem>>, vector<16xf32>,
        %bitcast3A_589 = vector.bitcast %get3A_588 : vector<16xf32> to vector<32xbf16>
        %add3A_590 = arith.constant 14 : i32
        %add3A_591 = arith.addi %mul3A_163, %add3A_590 : i32
        %get3A_592 = arith.index_cast %add3A_591 : i32 to index
        %get3A_593 = arith.constant 48 : index
        %get3A_594 = tpu.vector_load %arg6[%get3A_592, %get3A_593] {strides = array<i32>} : memref<128x128xf32, #tpu.memory_space<vmem>>, vector<16xf32>,
        %bitcast3A_595 = vector.bitcast %get3A_594 : vector<16xf32> to vector<32xbf16>
        %add3A_596 = arith.constant 15 : i32
        %add3A_597 = arith.addi %mul3A_163, %add3A_596 : i32
        %get3A_598 = arith.index_cast %add3A_597 : i32 to index
        %get3A_599 = arith.constant 48 : index
        %get3A_600 = tpu.vector_load %arg6[%get3A_598, %get3A_599] {strides = array<i32>} : memref<128x128xf32, #tpu.memory_space<vmem>>, vector<16xf32>,
        %bitcast3A_601 = vector.bitcast %get3A_600 : vector<16xf32> to vector<32xbf16>
        %add3A_602 = arith.addf %bitcast3A_511, %bitcast3A_517 : vector<32xbf16>
        %add3A_603 = arith.addf %bitcast3A_523, %bitcast3A_529 : vector<32xbf16>
        %add3A_604 = arith.addf %bitcast3A_535, %bitcast3A_541 : vector<32xbf16>
        %add3A_605 = arith.addf %bitcast3A_547, %bitcast3A_553 : vector<32xbf16>
        %add3A_606 = arith.addf %bitcast3A_559, %bitcast3A_565 : vector<32xbf16>
        %add3A_607 = arith.addf %bitcast3A_571, %bitcast3A_577 : vector<32xbf16>
        %add3A_608 = arith.addf %bitcast3A_583, %bitcast3A_589 : vector<32xbf16>
        %add3A_609 = arith.addf %bitcast3A_595, %bitcast3A_601 : vector<32xbf16>
        %add3A_610 = arith.addf %add3A_602, %add3A_603 : vector<32xbf16>
        %add3A_611 = arith.addf %add3A_604, %add3A_605 : vector<32xbf16>
        %add3A_612 = arith.addf %add3A_606, %add3A_607 : vector<32xbf16>
        %add3A_613 = arith.addf %add3A_608, %add3A_609 : vector<32xbf16>
        %add3A_614 = arith.addf %add3A_610, %add3A_611 : vector<32xbf16>
        %add3A_615 = arith.addf %add3A_612, %add3A_613 : vector<32xbf16>
        %add3A_616 = arith.addf %add3A_614, %add3A_615 : vector<32xbf16>
        %bitcast3A_617 = vector.bitcast %add3A_616 : vector<32xbf16> to vector<16xf32>
        %swap3A_618 = arith.index_cast %scan3A_160 : i32 to index
        %swap3A_619 = arith.constant 48 : index
        %swap3A_620 = tpu.vector_load %arg8[%swap3A_618, %swap3A_619] {strides = array<i32>} : memref<8x128xf32, #tpu.memory_space<vmem>>, vector<16xf32>,
        tpu.vector_store %arg8[%swap3A_618, %swap3A_619], %bitcast3A_617 {strides = array<i32>} : memref<8x128xf32, #tpu.memory_space<vmem>>, vector<16xf32>,
        %add3A_621 = arith.constant 0 : i32
        %add3A_622 = arith.addi %mul3A_163, %add3A_621 : i32
        %get3A_623 = arith.index_cast %add3A_622 : i32 to index
        %get3A_624 = arith.constant 64 : index
        %get3A_625 = tpu.vector_load %arg6[%get3A_623, %get3A_624] {strides = array<i32>} : memref<128x128xf32, #tpu.memory_space<vmem>>, vector<16xf32>,
        %bitcast3A_626 = vector.bitcast %get3A_625 : vector<16xf32> to vector<32xbf16>
        %add3A_627 = arith.constant 1 : i32
        %add3A_628 = arith.addi %mul3A_163, %add3A_627 : i32
        %get3A_629 = arith.index_cast %add3A_628 : i32 to index
        %get3A_630 = arith.constant 64 : index
        %get3A_631 = tpu.vector_load %arg6[%get3A_629, %get3A_630] {strides = array<i32>} : memref<128x128xf32, #tpu.memory_space<vmem>>, vector<16xf32>,
        %bitcast3A_632 = vector.bitcast %get3A_631 : vector<16xf32> to vector<32xbf16>
        %add3A_633 = arith.constant 2 : i32
        %add3A_634 = arith.addi %mul3A_163, %add3A_633 : i32
        %get3A_635 = arith.index_cast %add3A_634 : i32 to index
        %get3A_636 = arith.constant 64 : index
        %get3A_637 = tpu.vector_load %arg6[%get3A_635, %get3A_636] {strides = array<i32>} : memref<128x128xf32, #tpu.memory_space<vmem>>, vector<16xf32>,
        %bitcast3A_638 = vector.bitcast %get3A_637 : vector<16xf32> to vector<32xbf16>
        %add3A_639 = arith.constant 3 : i32
        %add3A_640 = arith.addi %mul3A_163, %add3A_639 : i32
        %get3A_641 = arith.index_cast %add3A_640 : i32 to index
        %get3A_642 = arith.constant 64 : index
        %get3A_643 = tpu.vector_load %arg6[%get3A_641, %get3A_642] {strides = array<i32>} : memref<128x128xf32, #tpu.memory_space<vmem>>, vector<16xf32>,
        %bitcast3A_644 = vector.bitcast %get3A_643 : vector<16xf32> to vector<32xbf16>
        %add3A_645 = arith.constant 4 : i32
        %add3A_646 = arith.addi %mul3A_163, %add3A_645 : i32
        %get3A_647 = arith.index_cast %add3A_646 : i32 to index
        %get3A_648 = arith.constant 64 : index
        %get3A_649 = tpu.vector_load %arg6[%get3A_647, %get3A_648] {strides = array<i32>} : memref<128x128xf32, #tpu.memory_space<vmem>>, vector<16xf32>,
        %bitcast3A_650 = vector.bitcast %get3A_649 : vector<16xf32> to vector<32xbf16>
        %add3A_651 = arith.constant 5 : i32
        %add3A_652 = arith.addi %mul3A_163, %add3A_651 : i32
        %get3A_653 = arith.index_cast %add3A_652 : i32 to index
        %get3A_654 = arith.constant 64 : index
        %get3A_655 = tpu.vector_load %arg6[%get3A_653, %get3A_654] {strides = array<i32>} : memref<128x128xf32, #tpu.memory_space<vmem>>, vector<16xf32>,
        %bitcast3A_656 = vector.bitcast %get3A_655 : vector<16xf32> to vector<32xbf16>
        %add3A_657 = arith.constant 6 : i32
        %add3A_658 = arith.addi %mul3A_163, %add3A_657 : i32
        %get3A_659 = arith.index_cast %add3A_658 : i32 to index
        %get3A_660 = arith.constant 64 : index
        %get3A_661 = tpu.vector_load %arg6[%get3A_659, %get3A_660] {strides = array<i32>} : memref<128x128xf32, #tpu.memory_space<vmem>>, vector<16xf32>,
        %bitcast3A_662 = vector.bitcast %get3A_661 : vector<16xf32> to vector<32xbf16>
        %add3A_663 = arith.constant 7 : i32
        %add3A_664 = arith.addi %mul3A_163, %add3A_663 : i32
        %get3A_665 = arith.index_cast %add3A_664 : i32 to index
        %get3A_666 = arith.constant 64 : index
        %get3A_667 = tpu.vector_load %arg6[%get3A_665, %get3A_666] {strides = array<i32>} : memref<128x128xf32, #tpu.memory_space<vmem>>, vector<16xf32>,
        %bitcast3A_668 = vector.bitcast %get3A_667 : vector<16xf32> to vector<32xbf16>
        %add3A_669 = arith.constant 8 : i32
        %add3A_670 = arith.addi %mul3A_163, %add3A_669 : i32
        %get3A_671 = arith.index_cast %add3A_670 : i32 to index
        %get3A_672 = arith.constant 64 : index
        %get3A_673 = tpu.vector_load %arg6[%get3A_671, %get3A_672] {strides = array<i32>} : memref<128x128xf32, #tpu.memory_space<vmem>>, vector<16xf32>,
        %bitcast3A_674 = vector.bitcast %get3A_673 : vector<16xf32> to vector<32xbf16>
        %add3A_675 = arith.constant 9 : i32
        %add3A_676 = arith.addi %mul3A_163, %add3A_675 : i32
        %get3A_677 = arith.index_cast %add3A_676 : i32 to index
        %get3A_678 = arith.constant 64 : index
        %get3A_679 = tpu.vector_load %arg6[%get3A_677, %get3A_678] {strides = array<i32>} : memref<128x128xf32, #tpu.memory_space<vmem>>, vector<16xf32>,
        %bitcast3A_680 = vector.bitcast %get3A_679 : vector<16xf32> to vector<32xbf16>
        %add3A_681 = arith.constant 10 : i32
        %add3A_682 = arith.addi %mul3A_163, %add3A_681 : i32
        %get3A_683 = arith.index_cast %add3A_682 : i32 to index
        %get3A_684 = arith.constant 64 : index
        %get3A_685 = tpu.vector_load %arg6[%get3A_683, %get3A_684] {strides = array<i32>} : memref<128x128xf32, #tpu.memory_space<vmem>>, vector<16xf32>,
        %bitcast3A_686 = vector.bitcast %get3A_685 : vector<16xf32> to vector<32xbf16>
        %add3A_687 = arith.constant 11 : i32
        %add3A_688 = arith.addi %mul3A_163, %add3A_687 : i32
        %get3A_689 = arith.index_cast %add3A_688 : i32 to index
        %get3A_690 = arith.constant 64 : index
        %get3A_691 = tpu.vector_load %arg6[%get3A_689, %get3A_690] {strides = array<i32>} : memref<128x128xf32, #tpu.memory_space<vmem>>, vector<16xf32>,
        %bitcast3A_692 = vector.bitcast %get3A_691 : vector<16xf32> to vector<32xbf16>
        %add3A_693 = arith.constant 12 : i32
        %add3A_694 = arith.addi %mul3A_163, %add3A_693 : i32
        %get3A_695 = arith.index_cast %add3A_694 : i32 to index
        %get3A_696 = arith.constant 64 : index
        %get3A_697 = tpu.vector_load %arg6[%get3A_695, %get3A_696] {strides = array<i32>} : memref<128x128xf32, #tpu.memory_space<vmem>>, vector<16xf32>,
        %bitcast3A_698 = vector.bitcast %get3A_697 : vector<16xf32> to vector<32xbf16>
        %add3A_699 = arith.constant 13 : i32
        %add3A_700 = arith.addi %mul3A_163, %add3A_699 : i32
        %get3A_701 = arith.index_cast %add3A_700 : i32 to index
        %get3A_702 = arith.constant 64 : index
        %get3A_703 = tpu.vector_load %arg6[%get3A_701, %get3A_702] {strides = array<i32>} : memref<128x128xf32, #tpu.memory_space<vmem>>, vector<16xf32>,
        %bitcast3A_704 = vector.bitcast %get3A_703 : vector<16xf32> to vector<32xbf16>
        %add3A_705 = arith.constant 14 : i32
        %add3A_706 = arith.addi %mul3A_163, %add3A_705 : i32
        %get3A_707 = arith.index_cast %add3A_706 : i32 to index
        %get3A_708 = arith.constant 64 : index
        %get3A_709 = tpu.vector_load %arg6[%get3A_707, %get3A_708] {strides = array<i32>} : memref<128x128xf32, #tpu.memory_space<vmem>>, vector<16xf32>,
        %bitcast3A_710 = vector.bitcast %get3A_709 : vector<16xf32> to vector<32xbf16>
        %add3A_711 = arith.constant 15 : i32
        %add3A_712 = arith.addi %mul3A_163, %add3A_711 : i32
        %get3A_713 = arith.index_cast %add3A_712 : i32 to index
        %get3A_714 = arith.constant 64 : index
        %get3A_715 = tpu.vector_load %arg6[%get3A_713, %get3A_714] {strides = array<i32>} : memref<128x128xf32, #tpu.memory_space<vmem>>, vector<16xf32>,
        %bitcast3A_716 = vector.bitcast %get3A_715 : vector<16xf32> to vector<32xbf16>
        %add3A_717 = arith.addf %bitcast3A_626, %bitcast3A_632 : vector<32xbf16>
        %add3A_718 = arith.addf %bitcast3A_638, %bitcast3A_644 : vector<32xbf16>
        %add3A_719 = arith.addf %bitcast3A_650, %bitcast3A_656 : vector<32xbf16>
        %add3A_720 = arith.addf %bitcast3A_662, %bitcast3A_668 : vector<32xbf16>
        %add3A_721 = arith.addf %bitcast3A_674, %bitcast3A_680 : vector<32xbf16>
        %add3A_722 = arith.addf %bitcast3A_686, %bitcast3A_692 : vector<32xbf16>
        %add3A_723 = arith.addf %bitcast3A_698, %bitcast3A_704 : vector<32xbf16>
        %add3A_724 = arith.addf %bitcast3A_710, %bitcast3A_716 : vector<32xbf16>
        %add3A_725 = arith.addf %add3A_717, %add3A_718 : vector<32xbf16>
        %add3A_726 = arith.addf %add3A_719, %add3A_720 : vector<32xbf16>
        %add3A_727 = arith.addf %add3A_721, %add3A_722 : vector<32xbf16>
        %add3A_728 = arith.addf %add3A_723, %add3A_724 : vector<32xbf16>
        %add3A_729 = arith.addf %add3A_725, %add3A_726 : vector<32xbf16>
        %add3A_730 = arith.addf %add3A_727, %add3A_728 : vector<32xbf16>
        %add3A_731 = arith.addf %add3A_729, %add3A_730 : vector<32xbf16>
        %bitcast3A_732 = vector.bitcast %add3A_731 : vector<32xbf16> to vector<16xf32>
        %swap3A_733 = arith.index_cast %scan3A_160 : i32 to index
        %swap3A_734 = arith.constant 64 : index
        %swap3A_735 = tpu.vector_load %arg8[%swap3A_733, %swap3A_734] {strides = array<i32>} : memref<8x128xf32, #tpu.memory_space<vmem>>, vector<16xf32>,
        tpu.vector_store %arg8[%swap3A_733, %swap3A_734], %bitcast3A_732 {strides = array<i32>} : memref<8x128xf32, #tpu.memory_space<vmem>>, vector<16xf32>,
        %add3A_736 = arith.constant 0 : i32
        %add3A_737 = arith.addi %mul3A_163, %add3A_736 : i32
        %get3A_738 = arith.index_cast %add3A_737 : i32 to index
        %get3A_739 = arith.constant 80 : index
        %get3A_740 = tpu.vector_load %arg6[%get3A_738, %get3A_739] {strides = array<i32>} : memref<128x128xf32, #tpu.memory_space<vmem>>, vector<16xf32>,
        %bitcast3A_741 = vector.bitcast %get3A_740 : vector<16xf32> to vector<32xbf16>
        %add3A_742 = arith.constant 1 : i32
        %add3A_743 = arith.addi %mul3A_163, %add3A_742 : i32
        %get3A_744 = arith.index_cast %add3A_743 : i32 to index
        %get3A_745 = arith.constant 80 : index
        %get3A_746 = tpu.vector_load %arg6[%get3A_744, %get3A_745] {strides = array<i32>} : memref<128x128xf32, #tpu.memory_space<vmem>>, vector<16xf32>,
        %bitcast3A_747 = vector.bitcast %get3A_746 : vector<16xf32> to vector<32xbf16>
        %add3A_748 = arith.constant 2 : i32
        %add3A_749 = arith.addi %mul3A_163, %add3A_748 : i32
        %get3A_750 = arith.index_cast %add3A_749 : i32 to index
        %get3A_751 = arith.constant 80 : index
        %get3A_752 = tpu.vector_load %arg6[%get3A_750, %get3A_751] {strides = array<i32>} : memref<128x128xf32, #tpu.memory_space<vmem>>, vector<16xf32>,
        %bitcast3A_753 = vector.bitcast %get3A_752 : vector<16xf32> to vector<32xbf16>
        %add3A_754 = arith.constant 3 : i32
        %add3A_755 = arith.addi %mul3A_163, %add3A_754 : i32
        %get3A_756 = arith.index_cast %add3A_755 : i32 to index
        %get3A_757 = arith.constant 80 : index
        %get3A_758 = tpu.vector_load %arg6[%get3A_756, %get3A_757] {strides = array<i32>} : memref<128x128xf32, #tpu.memory_space<vmem>>, vector<16xf32>,
        %bitcast3A_759 = vector.bitcast %get3A_758 : vector<16xf32> to vector<32xbf16>
        %add3A_760 = arith.constant 4 : i32
        %add3A_761 = arith.addi %mul3A_163, %add3A_760 : i32
        %get3A_762 = arith.index_cast %add3A_761 : i32 to index
        %get3A_763 = arith.constant 80 : index
        %get3A_764 = tpu.vector_load %arg6[%get3A_762, %get3A_763] {strides = array<i32>} : memref<128x128xf32, #tpu.memory_space<vmem>>, vector<16xf32>,
        %bitcast3A_765 = vector.bitcast %get3A_764 : vector<16xf32> to vector<32xbf16>
        %add3A_766 = arith.constant 5 : i32
        %add3A_767 = arith.addi %mul3A_163, %add3A_766 : i32
        %get3A_768 = arith.index_cast %add3A_767 : i32 to index
        %get3A_769 = arith.constant 80 : index
        %get3A_770 = tpu.vector_load %arg6[%get3A_768, %get3A_769] {strides = array<i32>} : memref<128x128xf32, #tpu.memory_space<vmem>>, vector<16xf32>,
        %bitcast3A_771 = vector.bitcast %get3A_770 : vector<16xf32> to vector<32xbf16>
        %add3A_772 = arith.constant 6 : i32
        %add3A_773 = arith.addi %mul3A_163, %add3A_772 : i32
        %get3A_774 = arith.index_cast %add3A_773 : i32 to index
        %get3A_775 = arith.constant 80 : index
        %get3A_776 = tpu.vector_load %arg6[%get3A_774, %get3A_775] {strides = array<i32>} : memref<128x128xf32, #tpu.memory_space<vmem>>, vector<16xf32>,
        %bitcast3A_777 = vector.bitcast %get3A_776 : vector<16xf32> to vector<32xbf16>
        %add3A_778 = arith.constant 7 : i32
        %add3A_779 = arith.addi %mul3A_163, %add3A_778 : i32
        %get3A_780 = arith.index_cast %add3A_779 : i32 to index
        %get3A_781 = arith.constant 80 : index
        %get3A_782 = tpu.vector_load %arg6[%get3A_780, %get3A_781] {strides = array<i32>} : memref<128x128xf32, #tpu.memory_space<vmem>>, vector<16xf32>,
        %bitcast3A_783 = vector.bitcast %get3A_782 : vector<16xf32> to vector<32xbf16>
        %add3A_784 = arith.constant 8 : i32
        %add3A_785 = arith.addi %mul3A_163, %add3A_784 : i32
        %get3A_786 = arith.index_cast %add3A_785 : i32 to index
        %get3A_787 = arith.constant 80 : index
        %get3A_788 = tpu.vector_load %arg6[%get3A_786, %get3A_787] {strides = array<i32>} : memref<128x128xf32, #tpu.memory_space<vmem>>, vector<16xf32>,
        %bitcast3A_789 = vector.bitcast %get3A_788 : vector<16xf32> to vector<32xbf16>
        %add3A_790 = arith.constant 9 : i32
        %add3A_791 = arith.addi %mul3A_163, %add3A_790 : i32
        %get3A_792 = arith.index_cast %add3A_791 : i32 to index
        %get3A_793 = arith.constant 80 : index
        %get3A_794 = tpu.vector_load %arg6[%get3A_792, %get3A_793] {strides = array<i32>} : memref<128x128xf32, #tpu.memory_space<vmem>>, vector<16xf32>,
        %bitcast3A_795 = vector.bitcast %get3A_794 : vector<16xf32> to vector<32xbf16>
        %add3A_796 = arith.constant 10 : i32
        %add3A_797 = arith.addi %mul3A_163, %add3A_796 : i32
        %get3A_798 = arith.index_cast %add3A_797 : i32 to index
        %get3A_799 = arith.constant 80 : index
        %get3A_800 = tpu.vector_load %arg6[%get3A_798, %get3A_799] {strides = array<i32>} : memref<128x128xf32, #tpu.memory_space<vmem>>, vector<16xf32>,
        %bitcast3A_801 = vector.bitcast %get3A_800 : vector<16xf32> to vector<32xbf16>
        %add3A_802 = arith.constant 11 : i32
        %add3A_803 = arith.addi %mul3A_163, %add3A_802 : i32
        %get3A_804 = arith.index_cast %add3A_803 : i32 to index
        %get3A_805 = arith.constant 80 : index
        %get3A_806 = tpu.vector_load %arg6[%get3A_804, %get3A_805] {strides = array<i32>} : memref<128x128xf32, #tpu.memory_space<vmem>>, vector<16xf32>,
        %bitcast3A_807 = vector.bitcast %get3A_806 : vector<16xf32> to vector<32xbf16>
        %add3A_808 = arith.constant 12 : i32
        %add3A_809 = arith.addi %mul3A_163, %add3A_808 : i32
        %get3A_810 = arith.index_cast %add3A_809 : i32 to index
        %get3A_811 = arith.constant 80 : index
        %get3A_812 = tpu.vector_load %arg6[%get3A_810, %get3A_811] {strides = array<i32>} : memref<128x128xf32, #tpu.memory_space<vmem>>, vector<16xf32>,
        %bitcast3A_813 = vector.bitcast %get3A_812 : vector<16xf32> to vector<32xbf16>
        %add3A_814 = arith.constant 13 : i32
        %add3A_815 = arith.addi %mul3A_163, %add3A_814 : i32
        %get3A_816 = arith.index_cast %add3A_815 : i32 to index
        %get3A_817 = arith.constant 80 : index
        %get3A_818 = tpu.vector_load %arg6[%get3A_816, %get3A_817] {strides = array<i32>} : memref<128x128xf32, #tpu.memory_space<vmem>>, vector<16xf32>,
        %bitcast3A_819 = vector.bitcast %get3A_818 : vector<16xf32> to vector<32xbf16>
        %add3A_820 = arith.constant 14 : i32
        %add3A_821 = arith.addi %mul3A_163, %add3A_820 : i32
        %get3A_822 = arith.index_cast %add3A_821 : i32 to index
        %get3A_823 = arith.constant 80 : index
        %get3A_824 = tpu.vector_load %arg6[%get3A_822, %get3A_823] {strides = array<i32>} : memref<128x128xf32, #tpu.memory_space<vmem>>, vector<16xf32>,
        %bitcast3A_825 = vector.bitcast %get3A_824 : vector<16xf32> to vector<32xbf16>
        %add3A_826 = arith.constant 15 : i32
        %add3A_827 = arith.addi %mul3A_163, %add3A_826 : i32
        %get3A_828 = arith.index_cast %add3A_827 : i32 to index
        %get3A_829 = arith.constant 80 : index
        %get3A_830 = tpu.vector_load %arg6[%get3A_828, %get3A_829] {strides = array<i32>} : memref<128x128xf32, #tpu.memory_space<vmem>>, vector<16xf32>,
        %bitcast3A_831 = vector.bitcast %get3A_830 : vector<16xf32> to vector<32xbf16>
        %add3A_832 = arith.addf %bitcast3A_741, %bitcast3A_747 : vector<32xbf16>
        %add3A_833 = arith.addf %bitcast3A_753, %bitcast3A_759 : vector<32xbf16>
        %add3A_834 = arith.addf %bitcast3A_765, %bitcast3A_771 : vector<32xbf16>
        %add3A_835 = arith.addf %bitcast3A_777, %bitcast3A_783 : vector<32xbf16>
        %add3A_836 = arith.addf %bitcast3A_789, %bitcast3A_795 : vector<32xbf16>
        %add3A_837 = arith.addf %bitcast3A_801, %bitcast3A_807 : vector<32xbf16>
        %add3A_838 = arith.addf %bitcast3A_813, %bitcast3A_819 : vector<32xbf16>
        %add3A_839 = arith.addf %bitcast3A_825, %bitcast3A_831 : vector<32xbf16>
        %add3A_840 = arith.addf %add3A_832, %add3A_833 : vector<32xbf16>
        %add3A_841 = arith.addf %add3A_834, %add3A_835 : vector<32xbf16>
        %add3A_842 = arith.addf %add3A_836, %add3A_837 : vector<32xbf16>
        %add3A_843 = arith.addf %add3A_838, %add3A_839 : vector<32xbf16>
        %add3A_844 = arith.addf %add3A_840, %add3A_841 : vector<32xbf16>
        %add3A_845 = arith.addf %add3A_842, %add3A_843 : vector<32xbf16>
        %add3A_846 = arith.addf %add3A_844, %add3A_845 : vector<32xbf16>
        %bitcast3A_847 = vector.bitcast %add3A_846 : vector<32xbf16> to vector<16xf32>
        %swap3A_848 = arith.index_cast %scan3A_160 : i32 to index
        %swap3A_849 = arith.constant 80 : index
        %swap3A_850 = tpu.vector_load %arg8[%swap3A_848, %swap3A_849] {strides = array<i32>} : memref<8x128xf32, #tpu.memory_space<vmem>>, vector<16xf32>,
        tpu.vector_store %arg8[%swap3A_848, %swap3A_849], %bitcast3A_847 {strides = array<i32>} : memref<8x128xf32, #tpu.memory_space<vmem>>, vector<16xf32>,
        %add3A_851 = arith.constant 0 : i32
        %add3A_852 = arith.addi %mul3A_163, %add3A_851 : i32
        %get3A_853 = arith.index_cast %add3A_852 : i32 to index
        %get3A_854 = arith.constant 96 : index
        %get3A_855 = tpu.vector_load %arg6[%get3A_853, %get3A_854] {strides = array<i32>} : memref<128x128xf32, #tpu.memory_space<vmem>>, vector<16xf32>,
        %bitcast3A_856 = vector.bitcast %get3A_855 : vector<16xf32> to vector<32xbf16>
        %add3A_857 = arith.constant 1 : i32
        %add3A_858 = arith.addi %mul3A_163, %add3A_857 : i32
        %get3A_859 = arith.index_cast %add3A_858 : i32 to index
        %get3A_860 = arith.constant 96 : index
        %get3A_861 = tpu.vector_load %arg6[%get3A_859, %get3A_860] {strides = array<i32>} : memref<128x128xf32, #tpu.memory_space<vmem>>, vector<16xf32>,
        %bitcast3A_862 = vector.bitcast %get3A_861 : vector<16xf32> to vector<32xbf16>
        %add3A_863 = arith.constant 2 : i32
        %add3A_864 = arith.addi %mul3A_163, %add3A_863 : i32
        %get3A_865 = arith.index_cast %add3A_864 : i32 to index
        %get3A_866 = arith.constant 96 : index
        %get3A_867 = tpu.vector_load %arg6[%get3A_865, %get3A_866] {strides = array<i32>} : memref<128x128xf32, #tpu.memory_space<vmem>>, vector<16xf32>,
        %bitcast3A_868 = vector.bitcast %get3A_867 : vector<16xf32> to vector<32xbf16>
        %add3A_869 = arith.constant 3 : i32
        %add3A_870 = arith.addi %mul3A_163, %add3A_869 : i32
        %get3A_871 = arith.index_cast %add3A_870 : i32 to index
        %get3A_872 = arith.constant 96 : index
        %get3A_873 = tpu.vector_load %arg6[%get3A_871, %get3A_872] {strides = array<i32>} : memref<128x128xf32, #tpu.memory_space<vmem>>, vector<16xf32>,
        %bitcast3A_874 = vector.bitcast %get3A_873 : vector<16xf32> to vector<32xbf16>
        %add3A_875 = arith.constant 4 : i32
        %add3A_876 = arith.addi %mul3A_163, %add3A_875 : i32
        %get3A_877 = arith.index_cast %add3A_876 : i32 to index
        %get3A_878 = arith.constant 96 : index
        %get3A_879 = tpu.vector_load %arg6[%get3A_877, %get3A_878] {strides = array<i32>} : memref<128x128xf32, #tpu.memory_space<vmem>>, vector<16xf32>,
        %bitcast3A_880 = vector.bitcast %get3A_879 : vector<16xf32> to vector<32xbf16>
        %add3A_881 = arith.constant 5 : i32
        %add3A_882 = arith.addi %mul3A_163, %add3A_881 : i32
        %get3A_883 = arith.index_cast %add3A_882 : i32 to index
        %get3A_884 = arith.constant 96 : index
        %get3A_885 = tpu.vector_load %arg6[%get3A_883, %get3A_884] {strides = array<i32>} : memref<128x128xf32, #tpu.memory_space<vmem>>, vector<16xf32>,
        %bitcast3A_886 = vector.bitcast %get3A_885 : vector<16xf32> to vector<32xbf16>
        %add3A_887 = arith.constant 6 : i32
        %add3A_888 = arith.addi %mul3A_163, %add3A_887 : i32
        %get3A_889 = arith.index_cast %add3A_888 : i32 to index
        %get3A_890 = arith.constant 96 : index
        %get3A_891 = tpu.vector_load %arg6[%get3A_889, %get3A_890] {strides = array<i32>} : memref<128x128xf32, #tpu.memory_space<vmem>>, vector<16xf32>,
        %bitcast3A_892 = vector.bitcast %get3A_891 : vector<16xf32> to vector<32xbf16>
        %add3A_893 = arith.constant 7 : i32
        %add3A_894 = arith.addi %mul3A_163, %add3A_893 : i32
        %get3A_895 = arith.index_cast %add3A_894 : i32 to index
        %get3A_896 = arith.constant 96 : index
        %get3A_897 = tpu.vector_load %arg6[%get3A_895, %get3A_896] {strides = array<i32>} : memref<128x128xf32, #tpu.memory_space<vmem>>, vector<16xf32>,
        %bitcast3A_898 = vector.bitcast %get3A_897 : vector<16xf32> to vector<32xbf16>
        %add3A_899 = arith.constant 8 : i32
        %add3A_900 = arith.addi %mul3A_163, %add3A_899 : i32
        %get3A_901 = arith.index_cast %add3A_900 : i32 to index
        %get3A_902 = arith.constant 96 : index
        %get3A_903 = tpu.vector_load %arg6[%get3A_901, %get3A_902] {strides = array<i32>} : memref<128x128xf32, #tpu.memory_space<vmem>>, vector<16xf32>,
        %bitcast3A_904 = vector.bitcast %get3A_903 : vector<16xf32> to vector<32xbf16>
        %add3A_905 = arith.constant 9 : i32
        %add3A_906 = arith.addi %mul3A_163, %add3A_905 : i32
        %get3A_907 = arith.index_cast %add3A_906 : i32 to index
        %get3A_908 = arith.constant 96 : index
        %get3A_909 = tpu.vector_load %arg6[%get3A_907, %get3A_908] {strides = array<i32>} : memref<128x128xf32, #tpu.memory_space<vmem>>, vector<16xf32>,
        %bitcast3A_910 = vector.bitcast %get3A_909 : vector<16xf32> to vector<32xbf16>
        %add3A_911 = arith.constant 10 : i32
        %add3A_912 = arith.addi %mul3A_163, %add3A_911 : i32
        %get3A_913 = arith.index_cast %add3A_912 : i32 to index
        %get3A_914 = arith.constant 96 : index
        %get3A_915 = tpu.vector_load %arg6[%get3A_913, %get3A_914] {strides = array<i32>} : memref<128x128xf32, #tpu.memory_space<vmem>>, vector<16xf32>,
        %bitcast3A_916 = vector.bitcast %get3A_915 : vector<16xf32> to vector<32xbf16>
        %add3A_917 = arith.constant 11 : i32
        %add3A_918 = arith.addi %mul3A_163, %add3A_917 : i32
        %get3A_919 = arith.index_cast %add3A_918 : i32 to index
        %get3A_920 = arith.constant 96 : index
        %get3A_921 = tpu.vector_load %arg6[%get3A_919, %get3A_920] {strides = array<i32>} : memref<128x128xf32, #tpu.memory_space<vmem>>, vector<16xf32>,
        %bitcast3A_922 = vector.bitcast %get3A_921 : vector<16xf32> to vector<32xbf16>
        %add3A_923 = arith.constant 12 : i32
        %add3A_924 = arith.addi %mul3A_163, %add3A_923 : i32
        %get3A_925 = arith.index_cast %add3A_924 : i32 to index
        %get3A_926 = arith.constant 96 : index
        %get3A_927 = tpu.vector_load %arg6[%get3A_925, %get3A_926] {strides = array<i32>} : memref<128x128xf32, #tpu.memory_space<vmem>>, vector<16xf32>,
        %bitcast3A_928 = vector.bitcast %get3A_927 : vector<16xf32> to vector<32xbf16>
        %add3A_929 = arith.constant 13 : i32
        %add3A_930 = arith.addi %mul3A_163, %add3A_929 : i32
        %get3A_931 = arith.index_cast %add3A_930 : i32 to index
        %get3A_932 = arith.constant 96 : index
        %get3A_933 = tpu.vector_load %arg6[%get3A_931, %get3A_932] {strides = array<i32>} : memref<128x128xf32, #tpu.memory_space<vmem>>, vector<16xf32>,
        %bitcast3A_934 = vector.bitcast %get3A_933 : vector<16xf32> to vector<32xbf16>
        %add3A_935 = arith.constant 14 : i32
        %add3A_936 = arith.addi %mul3A_163, %add3A_935 : i32
        %get3A_937 = arith.index_cast %add3A_936 : i32 to index
        %get3A_938 = arith.constant 96 : index
        %get3A_939 = tpu.vector_load %arg6[%get3A_937, %get3A_938] {strides = array<i32>} : memref<128x128xf32, #tpu.memory_space<vmem>>, vector<16xf32>,
        %bitcast3A_940 = vector.bitcast %get3A_939 : vector<16xf32> to vector<32xbf16>
        %add3A_941 = arith.constant 15 : i32
        %add3A_942 = arith.addi %mul3A_163, %add3A_941 : i32
        %get3A_943 = arith.index_cast %add3A_942 : i32 to index
        %get3A_944 = arith.constant 96 : index
        %get3A_945 = tpu.vector_load %arg6[%get3A_943, %get3A_944] {strides = array<i32>} : memref<128x128xf32, #tpu.memory_space<vmem>>, vector<16xf32>,
        %bitcast3A_946 = vector.bitcast %get3A_945 : vector<16xf32> to vector<32xbf16>
        %add3A_947 = arith.addf %bitcast3A_856, %bitcast3A_862 : vector<32xbf16>
        %add3A_948 = arith.addf %bitcast3A_868, %bitcast3A_874 : vector<32xbf16>
        %add3A_949 = arith.addf %bitcast3A_880, %bitcast3A_886 : vector<32xbf16>
        %add3A_950 = arith.addf %bitcast3A_892, %bitcast3A_898 : vector<32xbf16>
        %add3A_951 = arith.addf %bitcast3A_904, %bitcast3A_910 : vector<32xbf16>
        %add3A_952 = arith.addf %bitcast3A_916, %bitcast3A_922 : vector<32xbf16>
        %add3A_953 = arith.addf %bitcast3A_928, %bitcast3A_934 : vector<32xbf16>
        %add3A_954 = arith.addf %bitcast3A_940, %bitcast3A_946 : vector<32xbf16>
        %add3A_955 = arith.addf %add3A_947, %add3A_948 : vector<32xbf16>
        %add3A_956 = arith.addf %add3A_949, %add3A_950 : vector<32xbf16>
        %add3A_957 = arith.addf %add3A_951, %add3A_952 : vector<32xbf16>
        %add3A_958 = arith.addf %add3A_953, %add3A_954 : vector<32xbf16>
        %add3A_959 = arith.addf %add3A_955, %add3A_956 : vector<32xbf16>
        %add3A_960 = arith.addf %add3A_957, %add3A_958 : vector<32xbf16>
        %add3A_961 = arith.addf %add3A_959, %add3A_960 : vector<32xbf16>
        %bitcast3A_962 = vector.bitcast %add3A_961 : vector<32xbf16> to vector<16xf32>
        %swap3A_963 = arith.index_cast %scan3A_160 : i32 to index
        %swap3A_964 = arith.constant 96 : index
        %swap3A_965 = tpu.vector_load %arg8[%swap3A_963, %swap3A_964] {strides = array<i32>} : memref<8x128xf32, #tpu.memory_space<vmem>>, vector<16xf32>,
        tpu.vector_store %arg8[%swap3A_963, %swap3A_964], %bitcast3A_962 {strides = array<i32>} : memref<8x128xf32, #tpu.memory_space<vmem>>, vector<16xf32>,
        %add3A_966 = arith.constant 0 : i32
        %add3A_967 = arith.addi %mul3A_163, %add3A_966 : i32
        %get3A_968 = arith.index_cast %add3A_967 : i32 to index
        %get3A_969 = arith.constant 112 : index
        %get3A_970 = tpu.vector_load %arg6[%get3A_968, %get3A_969] {strides = array<i32>} : memref<128x128xf32, #tpu.memory_space<vmem>>, vector<16xf32>,
        %bitcast3A_971 = vector.bitcast %get3A_970 : vector<16xf32> to vector<32xbf16>
        %add3A_972 = arith.constant 1 : i32
        %add3A_973 = arith.addi %mul3A_163, %add3A_972 : i32
        %get3A_974 = arith.index_cast %add3A_973 : i32 to index
        %get3A_975 = arith.constant 112 : index
        %get3A_976 = tpu.vector_load %arg6[%get3A_974, %get3A_975] {strides = array<i32>} : memref<128x128xf32, #tpu.memory_space<vmem>>, vector<16xf32>,
        %bitcast3A_977 = vector.bitcast %get3A_976 : vector<16xf32> to vector<32xbf16>
        %add3A_978 = arith.constant 2 : i32
        %add3A_979 = arith.addi %mul3A_163, %add3A_978 : i32
        %get3A_980 = arith.index_cast %add3A_979 : i32 to index
        %get3A_981 = arith.constant 112 : index
        %get3A_982 = tpu.vector_load %arg6[%get3A_980, %get3A_981] {strides = array<i32>} : memref<128x128xf32, #tpu.memory_space<vmem>>, vector<16xf32>,
        %bitcast3A_983 = vector.bitcast %get3A_982 : vector<16xf32> to vector<32xbf16>
        %add3A_984 = arith.constant 3 : i32
        %add3A_985 = arith.addi %mul3A_163, %add3A_984 : i32
        %get3A_986 = arith.index_cast %add3A_985 : i32 to index
        %get3A_987 = arith.constant 112 : index
        %get3A_988 = tpu.vector_load %arg6[%get3A_986, %get3A_987] {strides = array<i32>} : memref<128x128xf32, #tpu.memory_space<vmem>>, vector<16xf32>,
        %bitcast3A_989 = vector.bitcast %get3A_988 : vector<16xf32> to vector<32xbf16>
        %add3A_990 = arith.constant 4 : i32
        %add3A_991 = arith.addi %mul3A_163, %add3A_990 : i32
        %get3A_992 = arith.index_cast %add3A_991 : i32 to index
        %get3A_993 = arith.constant 112 : index
        %get3A_994 = tpu.vector_load %arg6[%get3A_992, %get3A_993] {strides = array<i32>} : memref<128x128xf32, #tpu.memory_space<vmem>>, vector<16xf32>,
        %bitcast3A_995 = vector.bitcast %get3A_994 : vector<16xf32> to vector<32xbf16>
        %add3A_996 = arith.constant 5 : i32
        %add3A_997 = arith.addi %mul3A_163, %add3A_996 : i32
        %get3A_998 = arith.index_cast %add3A_997 : i32 to index
        %get3A_999 = arith.constant 112 : index
        %get3A_1000 = tpu.vector_load %arg6[%get3A_998, %get3A_999] {strides = array<i32>} : memref<128x128xf32, #tpu.memory_space<vmem>>, vector<16xf32>,
        %bitcast3A_1001 = vector.bitcast %get3A_1000 : vector<16xf32> to vector<32xbf16>
        %add3A_1002 = arith.constant 6 : i32
        %add3A_1003 = arith.addi %mul3A_163, %add3A_1002 : i32
        %get3A_1004 = arith.index_cast %add3A_1003 : i32 to index
        %get3A_1005 = arith.constant 112 : index
        %get3A_1006 = tpu.vector_load %arg6[%get3A_1004, %get3A_1005] {strides = array<i32>} : memref<128x128xf32, #tpu.memory_space<vmem>>, vector<16xf32>,
        %bitcast3A_1007 = vector.bitcast %get3A_1006 : vector<16xf32> to vector<32xbf16>
        %add3A_1008 = arith.constant 7 : i32
        %add3A_1009 = arith.addi %mul3A_163, %add3A_1008 : i32
        %get3A_1010 = arith.index_cast %add3A_1009 : i32 to index
        %get3A_1011 = arith.constant 112 : index
        %get3A_1012 = tpu.vector_load %arg6[%get3A_1010, %get3A_1011] {strides = array<i32>} : memref<128x128xf32, #tpu.memory_space<vmem>>, vector<16xf32>,
        %bitcast3A_1013 = vector.bitcast %get3A_1012 : vector<16xf32> to vector<32xbf16>
        %add3A_1014 = arith.constant 8 : i32
        %add3A_1015 = arith.addi %mul3A_163, %add3A_1014 : i32
        %get3A_1016 = arith.index_cast %add3A_1015 : i32 to index
        %get3A_1017 = arith.constant 112 : index
        %get3A_1018 = tpu.vector_load %arg6[%get3A_1016, %get3A_1017] {strides = array<i32>} : memref<128x128xf32, #tpu.memory_space<vmem>>, vector<16xf32>,
        %bitcast3A_1019 = vector.bitcast %get3A_1018 : vector<16xf32> to vector<32xbf16>
        %add3A_1020 = arith.constant 9 : i32
        %add3A_1021 = arith.addi %mul3A_163, %add3A_1020 : i32
        %get3A_1022 = arith.index_cast %add3A_1021 : i32 to index
        %get3A_1023 = arith.constant 112 : index
        %get3A_1024 = tpu.vector_load %arg6[%get3A_1022, %get3A_1023] {strides = array<i32>} : memref<128x128xf32, #tpu.memory_space<vmem>>, vector<16xf32>,
        %bitcast3A_1025 = vector.bitcast %get3A_1024 : vector<16xf32> to vector<32xbf16>
        %add3A_1026 = arith.constant 10 : i32
        %add3A_1027 = arith.addi %mul3A_163, %add3A_1026 : i32
        %get3A_1028 = arith.index_cast %add3A_1027 : i32 to index
        %get3A_1029 = arith.constant 112 : index
        %get3A_1030 = tpu.vector_load %arg6[%get3A_1028, %get3A_1029] {strides = array<i32>} : memref<128x128xf32, #tpu.memory_space<vmem>>, vector<16xf32>,
        %bitcast3A_1031 = vector.bitcast %get3A_1030 : vector<16xf32> to vector<32xbf16>
        %add3A_1032 = arith.constant 11 : i32
        %add3A_1033 = arith.addi %mul3A_163, %add3A_1032 : i32
        %get3A_1034 = arith.index_cast %add3A_1033 : i32 to index
        %get3A_1035 = arith.constant 112 : index
        %get3A_1036 = tpu.vector_load %arg6[%get3A_1034, %get3A_1035] {strides = array<i32>} : memref<128x128xf32, #tpu.memory_space<vmem>>, vector<16xf32>,
        %bitcast3A_1037 = vector.bitcast %get3A_1036 : vector<16xf32> to vector<32xbf16>
        %add3A_1038 = arith.constant 12 : i32
        %add3A_1039 = arith.addi %mul3A_163, %add3A_1038 : i32
        %get3A_1040 = arith.index_cast %add3A_1039 : i32 to index
        %get3A_1041 = arith.constant 112 : index
        %get3A_1042 = tpu.vector_load %arg6[%get3A_1040, %get3A_1041] {strides = array<i32>} : memref<128x128xf32, #tpu.memory_space<vmem>>, vector<16xf32>,
        %bitcast3A_1043 = vector.bitcast %get3A_1042 : vector<16xf32> to vector<32xbf16>
        %add3A_1044 = arith.constant 13 : i32
        %add3A_1045 = arith.addi %mul3A_163, %add3A_1044 : i32
        %get3A_1046 = arith.index_cast %add3A_1045 : i32 to index
        %get3A_1047 = arith.constant 112 : index
        %get3A_1048 = tpu.vector_load %arg6[%get3A_1046, %get3A_1047] {strides = array<i32>} : memref<128x128xf32, #tpu.memory_space<vmem>>, vector<16xf32>,
        %bitcast3A_1049 = vector.bitcast %get3A_1048 : vector<16xf32> to vector<32xbf16>
        %add3A_1050 = arith.constant 14 : i32
        %add3A_1051 = arith.addi %mul3A_163, %add3A_1050 : i32
        %get3A_1052 = arith.index_cast %add3A_1051 : i32 to index
        %get3A_1053 = arith.constant 112 : index
        %get3A_1054 = tpu.vector_load %arg6[%get3A_1052, %get3A_1053] {strides = array<i32>} : memref<128x128xf32, #tpu.memory_space<vmem>>, vector<16xf32>,
        %bitcast3A_1055 = vector.bitcast %get3A_1054 : vector<16xf32> to vector<32xbf16>
        %add3A_1056 = arith.constant 15 : i32
        %add3A_1057 = arith.addi %mul3A_163, %add3A_1056 : i32
        %get3A_1058 = arith.index_cast %add3A_1057 : i32 to index
        %get3A_1059 = arith.constant 112 : index
        %get3A_1060 = tpu.vector_load %arg6[%get3A_1058, %get3A_1059] {strides = array<i32>} : memref<128x128xf32, #tpu.memory_space<vmem>>, vector<16xf32>,
        %bitcast3A_1061 = vector.bitcast %get3A_1060 : vector<16xf32> to vector<32xbf16>
        %add3A_1062 = arith.addf %bitcast3A_971, %bitcast3A_977 : vector<32xbf16>
        %add3A_1063 = arith.addf %bitcast3A_983, %bitcast3A_989 : vector<32xbf16>
        %add3A_1064 = arith.addf %bitcast3A_995, %bitcast3A_1001 : vector<32xbf16>
        %add3A_1065 = arith.addf %bitcast3A_1007, %bitcast3A_1013 : vector<32xbf16>
        %add3A_1066 = arith.addf %bitcast3A_1019, %bitcast3A_1025 : vector<32xbf16>
        %add3A_1067 = arith.addf %bitcast3A_1031, %bitcast3A_1037 : vector<32xbf16>
        %add3A_1068 = arith.addf %bitcast3A_1043, %bitcast3A_1049 : vector<32xbf16>
        %add3A_1069 = arith.addf %bitcast3A_1055, %bitcast3A_1061 : vector<32xbf16>
        %add3A_1070 = arith.addf %add3A_1062, %add3A_1063 : vector<32xbf16>
        %add3A_1071 = arith.addf %add3A_1064, %add3A_1065 : vector<32xbf16>
        %add3A_1072 = arith.addf %add3A_1066, %add3A_1067 : vector<32xbf16>
        %add3A_1073 = arith.addf %add3A_1068, %add3A_1069 : vector<32xbf16>
        %add3A_1074 = arith.addf %add3A_1070, %add3A_1071 : vector<32xbf16>
        %add3A_1075 = arith.addf %add3A_1072, %add3A_1073 : vector<32xbf16>
        %add3A_1076 = arith.addf %add3A_1074, %add3A_1075 : vector<32xbf16>
        %bitcast3A_1077 = vector.bitcast %add3A_1076 : vector<32xbf16> to vector<16xf32>
        %swap3A_1078 = arith.index_cast %scan3A_160 : i32 to index
        %swap3A_1079 = arith.constant 112 : index
        %swap3A_1080 = tpu.vector_load %arg8[%swap3A_1078, %swap3A_1079] {strides = array<i32>} : memref<8x128xf32, #tpu.memory_space<vmem>>, vector<16xf32>,
        tpu.vector_store %arg8[%swap3A_1078, %swap3A_1079], %bitcast3A_1077 {strides = array<i32>} : memref<8x128xf32, #tpu.memory_space<vmem>>, vector<16xf32>,
        %scan3A_1081 = arith.constant 0 : i32
        scf.yield %scan3A_1081 : i32
      }
      %scan3A_117 = arith.constant 8 : i32
      %add3A_118 = arith.addi %select_n3A, %mul3A_92 : i32
      %mul3A_119 = arith.constant 8 : i32
      %mul3A_120 = arith.muli %add3A_118, %mul3A_119 : i32
      %dma_start3A_121 = arith.constant 0 : i32
      %dma_start3A_122 = tpu.memref_slice %arg4[%mul3A_120, %dma_start3A_121] : memref<10000x128xf32, #tpu.memory_space<hbm>> -> memref<8x128xf32, #tpu.memory_space<hbm>>
      %dma_start3A_123 = arith.constant 0 : i32
      %dma_start3A_124 = tpu.memref_slice %arg4[%mul3A_120, %dma_start3A_123] : memref<10000x128xf32, #tpu.memory_space<hbm>> -> memref<8x128xf32, #tpu.memory_space<hbm>>
      tpu.enqueue_dma source(%arg8 : memref<8x128xf32, #tpu.memory_space<vmem>>) target(%dma_start3A_124 : memref<8x128xf32, #tpu.memory_space<hbm>>) target_semaphore(%arg13 : memref<!tpu.dma_semaphore, #tpu.memory_space<semaphore_mem>>)
      %lt3A = arith.constant 19 : i32
      %lt3A_125 = arith.cmpi slt, %scan3A_89, %lt3A : i32
      %convert_element_type3A_126 = arith.extui %lt3A_125 : i1 to i32
      %cond3A_127 = arith.constant 0 : i32
      %cond3A_128 = arith.cmpi ne, %convert_element_type3A_126, %cond3A_127 : i32
      scf.if %cond3A_128 {
        %add3A_160 = arith.constant 2 : i32
        %add3A_161 = arith.addi %mul3A_92, %add3A_160 : i32
        %add3A_162 = arith.addi %sub3A_45, %add3A_161 : i32
        %dma_start3A_163 = arith.constant 0 : i32
        %dma_start3A_164 = tpu.memref_slice %arg5[%add3A_162, %dma_start3A_163] : memref<64x128xi32, #tpu.memory_space<vmem>> -> memref<1x128xi32, #tpu.memory_space<vmem>>
        %dma_start3A_165 = tpu.memref_squeeze %dma_start3A_164 : memref<1x128xi32, #tpu.memory_space<vmem>> -> memref<128xi32, #tpu.memory_space<vmem>>
        %dma_start3A_166 = arith.constant 0 : i32
        %dma_start3A_167 = arith.constant 0 : i32
        %dma_start3A_168 = tpu.memref_slice %arg2[%dma_start3A_166, %dma_start3A_167] : memref<10000x128xf32, #tpu.memory_space<hbm>> -> memref<10000x128xf32, #tpu.memory_space<hbm>>
        tpu.enqueue_indirect_dma source(%dma_start3A_168 : memref<10000x128xf32, #tpu.memory_space<hbm>>) target(%arg6 : memref<128x128xf32, #tpu.memory_space<vmem>>) offsets(%dma_start3A_165 : memref<128xi32, #tpu.memory_space<vmem>>) semaphore(%arg11 : memref<!tpu.dma_semaphore, #tpu.memory_space<semaphore_mem>>)
      } else {
      }
      %add3A_129 = arith.addi %sub3A_45, %mul3A_92 : i32
      %add3A_130 = arith.constant 1 : i32
      %add3A_131 = arith.addi %add3A_129, %add3A_130 : i32
      %dma_wait3A_132 = arith.constant 0 : i32
      %dma_wait3A_133 = tpu.memref_slice %arg5[%add3A_131, %dma_wait3A_132] : memref<64x128xi32, #tpu.memory_space<vmem>> -> memref<1x128xi32, #tpu.memory_space<vmem>>
      %dma_wait3A_134 = tpu.memref_squeeze %dma_wait3A_133 : memref<1x128xi32, #tpu.memory_space<vmem>> -> memref<128xi32, #tpu.memory_space<vmem>>
      %dma_wait3A_135 = arith.constant 0 : i32
      %dma_wait3A_136 = arith.constant 0 : i32
      %dma_wait3A_137 = tpu.memref_slice %arg2[%dma_wait3A_135, %dma_wait3A_136] : memref<10000x128xf32, #tpu.memory_space<hbm>> -> memref<10000x128xf32, #tpu.memory_space<hbm>>
      tpu.wait_indirect_dma semaphore(%arg12 : memref<!tpu.dma_semaphore, #tpu.memory_space<semaphore_mem>>) src(%dma_wait3A_137 : memref<10000x128xf32, #tpu.memory_space<hbm>>) dst(%arg7 : memref<128x128xf32, #tpu.memory_space<vmem>>)
      %gt3A_138 = arith.constant 0 : i32
      %gt3A_139 = arith.cmpi sgt, %scan3A_89, %gt3A_138 : i32
      %convert_element_type3A_140 = arith.extui %gt3A_139 : i1 to i32
      %cond3A_141 = arith.constant 0 : i32
      %cond3A_142 = arith.cmpi ne, %convert_element_type3A_140, %cond3A_141 : i32
      scf.if %cond3A_142 {
        %sub3A_160 = arith.constant 1 : i32
        %sub3A_161 = arith.subi %mul3A_92, %sub3A_160 : i32
        %add3A_162 = arith.addi %select_n3A, %sub3A_161 : i32
        %mul3A_163 = arith.constant 8 : i32
        %mul3A_164 = arith.muli %add3A_162, %mul3A_163 : i32
        %dma_wait3A_165 = arith.constant 0 : i32
        %dma_wait3A_166 = tpu.memref_slice %arg4[%mul3A_164, %dma_wait3A_165] : memref<10000x128xf32, #tpu.memory_space<hbm>> -> memref<8x128xf32, #tpu.memory_space<hbm>>
        %dma_wait3A_167 = arith.constant 0 : i32
        %dma_wait3A_168 = tpu.memref_slice %arg4[%mul3A_164, %dma_wait3A_167] : memref<10000x128xf32, #tpu.memory_space<hbm>> -> memref<8x128xf32, #tpu.memory_space<hbm>>
        tpu.wait_dma2 semaphore(%arg14 : memref<!tpu.dma_semaphore, #tpu.memory_space<semaphore_mem>>) src(%arg9 : memref<8x128xf32, #tpu.memory_space<vmem>>) dst(%dma_wait3A_168 : memref<8x128xf32, #tpu.memory_space<hbm>>)
      } else {
      }
      %scan3A_143 = arith.constant 0 : i32
      %scan3A_144 = arith.constant 0 : i32
      %scan3A_145 = arith.constant 8 : i32
      %scan3A_146 = arith.addi %scan3A_144, %scan3A_145 : i32
      %scan3A_147 = arith.constant 1 : i32
      %scan3A_148 = scf.for %scan3A_160 = %scan3A_144 to %scan3A_146 step %scan3A_147 iter_args(%scan3A_161 = %scan3A_143) -> (i32)  : i32 {
        %mul3A_162 = arith.constant 16 : i32
        %mul3A_163 = arith.muli %scan3A_160, %mul3A_162 : i32
        %add3A_164 = arith.constant 0 : i32
        %add3A_165 = arith.addi %mul3A_163, %add3A_164 : i32
        %get3A = arith.index_cast %add3A_165 : i32 to index
        %get3A_166 = arith.constant 0 : index
        %get3A_167 = tpu.vector_load %arg7[%get3A, %get3A_166] {strides = array<i32>} : memref<128x128xf32, #tpu.memory_space<vmem>>, vector<16xf32>,
        %bitcast3A = vector.bitcast %get3A_167 : vector<16xf32> to vector<32xbf16>
        %add3A_168 = arith.constant 1 : i32
        %add3A_169 = arith.addi %mul3A_163, %add3A_168 : i32
        %get3A_170 = arith.index_cast %add3A_169 : i32 to index
        %get3A_171 = arith.constant 0 : index
        %get3A_172 = tpu.vector_load %arg7[%get3A_170, %get3A_171] {strides = array<i32>} : memref<128x128xf32, #tpu.memory_space<vmem>>, vector<16xf32>,
        %bitcast3A_173 = vector.bitcast %get3A_172 : vector<16xf32> to vector<32xbf16>
        %add3A_174 = arith.constant 2 : i32
        %add3A_175 = arith.addi %mul3A_163, %add3A_174 : i32
        %get3A_176 = arith.index_cast %add3A_175 : i32 to index
        %get3A_177 = arith.constant 0 : index
        %get3A_178 = tpu.vector_load %arg7[%get3A_176, %get3A_177] {strides = array<i32>} : memref<128x128xf32, #tpu.memory_space<vmem>>, vector<16xf32>,
        %bitcast3A_179 = vector.bitcast %get3A_178 : vector<16xf32> to vector<32xbf16>
        %add3A_180 = arith.constant 3 : i32
        %add3A_181 = arith.addi %mul3A_163, %add3A_180 : i32
        %get3A_182 = arith.index_cast %add3A_181 : i32 to index
        %get3A_183 = arith.constant 0 : index
        %get3A_184 = tpu.vector_load %arg7[%get3A_182, %get3A_183] {strides = array<i32>} : memref<128x128xf32, #tpu.memory_space<vmem>>, vector<16xf32>,
        %bitcast3A_185 = vector.bitcast %get3A_184 : vector<16xf32> to vector<32xbf16>
        %add3A_186 = arith.constant 4 : i32
        %add3A_187 = arith.addi %mul3A_163, %add3A_186 : i32
        %get3A_188 = arith.index_cast %add3A_187 : i32 to index
        %get3A_189 = arith.constant 0 : index
        %get3A_190 = tpu.vector_load %arg7[%get3A_188, %get3A_189] {strides = array<i32>} : memref<128x128xf32, #tpu.memory_space<vmem>>, vector<16xf32>,
        %bitcast3A_191 = vector.bitcast %get3A_190 : vector<16xf32> to vector<32xbf16>
        %add3A_192 = arith.constant 5 : i32
        %add3A_193 = arith.addi %mul3A_163, %add3A_192 : i32
        %get3A_194 = arith.index_cast %add3A_193 : i32 to index
        %get3A_195 = arith.constant 0 : index
        %get3A_196 = tpu.vector_load %arg7[%get3A_194, %get3A_195] {strides = array<i32>} : memref<128x128xf32, #tpu.memory_space<vmem>>, vector<16xf32>,
        %bitcast3A_197 = vector.bitcast %get3A_196 : vector<16xf32> to vector<32xbf16>
        %add3A_198 = arith.constant 6 : i32
        %add3A_199 = arith.addi %mul3A_163, %add3A_198 : i32
        %get3A_200 = arith.index_cast %add3A_199 : i32 to index
        %get3A_201 = arith.constant 0 : index
        %get3A_202 = tpu.vector_load %arg7[%get3A_200, %get3A_201] {strides = array<i32>} : memref<128x128xf32, #tpu.memory_space<vmem>>, vector<16xf32>,
        %bitcast3A_203 = vector.bitcast %get3A_202 : vector<16xf32> to vector<32xbf16>
        %add3A_204 = arith.constant 7 : i32
        %add3A_205 = arith.addi %mul3A_163, %add3A_204 : i32
        %get3A_206 = arith.index_cast %add3A_205 : i32 to index
        %get3A_207 = arith.constant 0 : index
        %get3A_208 = tpu.vector_load %arg7[%get3A_206, %get3A_207] {strides = array<i32>} : memref<128x128xf32, #tpu.memory_space<vmem>>, vector<16xf32>,
        %bitcast3A_209 = vector.bitcast %get3A_208 : vector<16xf32> to vector<32xbf16>
        %add3A_210 = arith.constant 8 : i32
        %add3A_211 = arith.addi %mul3A_163, %add3A_210 : i32
        %get3A_212 = arith.index_cast %add3A_211 : i32 to index
        %get3A_213 = arith.constant 0 : index
        %get3A_214 = tpu.vector_load %arg7[%get3A_212, %get3A_213] {strides = array<i32>} : memref<128x128xf32, #tpu.memory_space<vmem>>, vector<16xf32>,
        %bitcast3A_215 = vector.bitcast %get3A_214 : vector<16xf32> to vector<32xbf16>
        %add3A_216 = arith.constant 9 : i32
        %add3A_217 = arith.addi %mul3A_163, %add3A_216 : i32
        %get3A_218 = arith.index_cast %add3A_217 : i32 to index
        %get3A_219 = arith.constant 0 : index
        %get3A_220 = tpu.vector_load %arg7[%get3A_218, %get3A_219] {strides = array<i32>} : memref<128x128xf32, #tpu.memory_space<vmem>>, vector<16xf32>,
        %bitcast3A_221 = vector.bitcast %get3A_220 : vector<16xf32> to vector<32xbf16>
        %add3A_222 = arith.constant 10 : i32
        %add3A_223 = arith.addi %mul3A_163, %add3A_222 : i32
        %get3A_224 = arith.index_cast %add3A_223 : i32 to index
        %get3A_225 = arith.constant 0 : index
        %get3A_226 = tpu.vector_load %arg7[%get3A_224, %get3A_225] {strides = array<i32>} : memref<128x128xf32, #tpu.memory_space<vmem>>, vector<16xf32>,
        %bitcast3A_227 = vector.bitcast %get3A_226 : vector<16xf32> to vector<32xbf16>
        %add3A_228 = arith.constant 11 : i32
        %add3A_229 = arith.addi %mul3A_163, %add3A_228 : i32
        %get3A_230 = arith.index_cast %add3A_229 : i32 to index
        %get3A_231 = arith.constant 0 : index
        %get3A_232 = tpu.vector_load %arg7[%get3A_230, %get3A_231] {strides = array<i32>} : memref<128x128xf32, #tpu.memory_space<vmem>>, vector<16xf32>,
        %bitcast3A_233 = vector.bitcast %get3A_232 : vector<16xf32> to vector<32xbf16>
        %add3A_234 = arith.constant 12 : i32
        %add3A_235 = arith.addi %mul3A_163, %add3A_234 : i32
        %get3A_236 = arith.index_cast %add3A_235 : i32 to index
        %get3A_237 = arith.constant 0 : index
        %get3A_238 = tpu.vector_load %arg7[%get3A_236, %get3A_237] {strides = array<i32>} : memref<128x128xf32, #tpu.memory_space<vmem>>, vector<16xf32>,
        %bitcast3A_239 = vector.bitcast %get3A_238 : vector<16xf32> to vector<32xbf16>
        %add3A_240 = arith.constant 13 : i32
        %add3A_241 = arith.addi %mul3A_163, %add3A_240 : i32
        %get3A_242 = arith.index_cast %add3A_241 : i32 to index
        %get3A_243 = arith.constant 0 : index
        %get3A_244 = tpu.vector_load %arg7[%get3A_242, %get3A_243] {strides = array<i32>} : memref<128x128xf32, #tpu.memory_space<vmem>>, vector<16xf32>,
        %bitcast3A_245 = vector.bitcast %get3A_244 : vector<16xf32> to vector<32xbf16>
        %add3A_246 = arith.constant 14 : i32
        %add3A_247 = arith.addi %mul3A_163, %add3A_246 : i32
        %get3A_248 = arith.index_cast %add3A_247 : i32 to index
        %get3A_249 = arith.constant 0 : index
        %get3A_250 = tpu.vector_load %arg7[%get3A_248, %get3A_249] {strides = array<i32>} : memref<128x128xf32, #tpu.memory_space<vmem>>, vector<16xf32>,
        %bitcast3A_251 = vector.bitcast %get3A_250 : vector<16xf32> to vector<32xbf16>
        %add3A_252 = arith.constant 15 : i32
        %add3A_253 = arith.addi %mul3A_163, %add3A_252 : i32
        %get3A_254 = arith.index_cast %add3A_253 : i32 to index
        %get3A_255 = arith.constant 0 : index
        %get3A_256 = tpu.vector_load %arg7[%get3A_254, %get3A_255] {strides = array<i32>} : memref<128x128xf32, #tpu.memory_space<vmem>>, vector<16xf32>,
        %bitcast3A_257 = vector.bitcast %get3A_256 : vector<16xf32> to vector<32xbf16>
        %add3A_258 = arith.addf %bitcast3A, %bitcast3A_173 : vector<32xbf16>
        %add3A_259 = arith.addf %bitcast3A_179, %bitcast3A_185 : vector<32xbf16>
        %add3A_260 = arith.addf %bitcast3A_191, %bitcast3A_197 : vector<32xbf16>
        %add3A_261 = arith.addf %bitcast3A_203, %bitcast3A_209 : vector<32xbf16>
        %add3A_262 = arith.addf %bitcast3A_215, %bitcast3A_221 : vector<32xbf16>
        %add3A_263 = arith.addf %bitcast3A_227, %bitcast3A_233 : vector<32xbf16>
        %add3A_264 = arith.addf %bitcast3A_239, %bitcast3A_245 : vector<32xbf16>
        %add3A_265 = arith.addf %bitcast3A_251, %bitcast3A_257 : vector<32xbf16>
        %add3A_266 = arith.addf %add3A_258, %add3A_259 : vector<32xbf16>
        %add3A_267 = arith.addf %add3A_260, %add3A_261 : vector<32xbf16>
        %add3A_268 = arith.addf %add3A_262, %add3A_263 : vector<32xbf16>
        %add3A_269 = arith.addf %add3A_264, %add3A_265 : vector<32xbf16>
        %add3A_270 = arith.addf %add3A_266, %add3A_267 : vector<32xbf16>
        %add3A_271 = arith.addf %add3A_268, %add3A_269 : vector<32xbf16>
        %add3A_272 = arith.addf %add3A_270, %add3A_271 : vector<32xbf16>
        %bitcast3A_273 = vector.bitcast %add3A_272 : vector<32xbf16> to vector<16xf32>
        %swap3A = arith.index_cast %scan3A_160 : i32 to index
        %swap3A_274 = arith.constant 0 : index
        %swap3A_275 = tpu.vector_load %arg9[%swap3A, %swap3A_274] {strides = array<i32>} : memref<8x128xf32, #tpu.memory_space<vmem>>, vector<16xf32>,
        tpu.vector_store %arg9[%swap3A, %swap3A_274], %bitcast3A_273 {strides = array<i32>} : memref<8x128xf32, #tpu.memory_space<vmem>>, vector<16xf32>,
        %add3A_276 = arith.constant 0 : i32
        %add3A_277 = arith.addi %mul3A_163, %add3A_276 : i32
        %get3A_278 = arith.index_cast %add3A_277 : i32 to index
        %get3A_279 = arith.constant 16 : index
        %get3A_280 = tpu.vector_load %arg7[%get3A_278, %get3A_279] {strides = array<i32>} : memref<128x128xf32, #tpu.memory_space<vmem>>, vector<16xf32>,
        %bitcast3A_281 = vector.bitcast %get3A_280 : vector<16xf32> to vector<32xbf16>
        %add3A_282 = arith.constant 1 : i32
        %add3A_283 = arith.addi %mul3A_163, %add3A_282 : i32
        %get3A_284 = arith.index_cast %add3A_283 : i32 to index
        %get3A_285 = arith.constant 16 : index
        %get3A_286 = tpu.vector_load %arg7[%get3A_284, %get3A_285] {strides = array<i32>} : memref<128x128xf32, #tpu.memory_space<vmem>>, vector<16xf32>,
        %bitcast3A_287 = vector.bitcast %get3A_286 : vector<16xf32> to vector<32xbf16>
        %add3A_288 = arith.constant 2 : i32
        %add3A_289 = arith.addi %mul3A_163, %add3A_288 : i32
        %get3A_290 = arith.index_cast %add3A_289 : i32 to index
        %get3A_291 = arith.constant 16 : index
        %get3A_292 = tpu.vector_load %arg7[%get3A_290, %get3A_291] {strides = array<i32>} : memref<128x128xf32, #tpu.memory_space<vmem>>, vector<16xf32>,
        %bitcast3A_293 = vector.bitcast %get3A_292 : vector<16xf32> to vector<32xbf16>
        %add3A_294 = arith.constant 3 : i32
        %add3A_295 = arith.addi %mul3A_163, %add3A_294 : i32
        %get3A_296 = arith.index_cast %add3A_295 : i32 to index
        %get3A_297 = arith.constant 16 : index
        %get3A_298 = tpu.vector_load %arg7[%get3A_296, %get3A_297] {strides = array<i32>} : memref<128x128xf32, #tpu.memory_space<vmem>>, vector<16xf32>,
        %bitcast3A_299 = vector.bitcast %get3A_298 : vector<16xf32> to vector<32xbf16>
        %add3A_300 = arith.constant 4 : i32
        %add3A_301 = arith.addi %mul3A_163, %add3A_300 : i32
        %get3A_302 = arith.index_cast %add3A_301 : i32 to index
        %get3A_303 = arith.constant 16 : index
        %get3A_304 = tpu.vector_load %arg7[%get3A_302, %get3A_303] {strides = array<i32>} : memref<128x128xf32, #tpu.memory_space<vmem>>, vector<16xf32>,
        %bitcast3A_305 = vector.bitcast %get3A_304 : vector<16xf32> to vector<32xbf16>
        %add3A_306 = arith.constant 5 : i32
        %add3A_307 = arith.addi %mul3A_163, %add3A_306 : i32
        %get3A_308 = arith.index_cast %add3A_307 : i32 to index
        %get3A_309 = arith.constant 16 : index
        %get3A_310 = tpu.vector_load %arg7[%get3A_308, %get3A_309] {strides = array<i32>} : memref<128x128xf32, #tpu.memory_space<vmem>>, vector<16xf32>,
        %bitcast3A_311 = vector.bitcast %get3A_310 : vector<16xf32> to vector<32xbf16>
        %add3A_312 = arith.constant 6 : i32
        %add3A_313 = arith.addi %mul3A_163, %add3A_312 : i32
        %get3A_314 = arith.index_cast %add3A_313 : i32 to index
        %get3A_315 = arith.constant 16 : index
        %get3A_316 = tpu.vector_load %arg7[%get3A_314, %get3A_315] {strides = array<i32>} : memref<128x128xf32, #tpu.memory_space<vmem>>, vector<16xf32>,
        %bitcast3A_317 = vector.bitcast %get3A_316 : vector<16xf32> to vector<32xbf16>
        %add3A_318 = arith.constant 7 : i32
        %add3A_319 = arith.addi %mul3A_163, %add3A_318 : i32
        %get3A_320 = arith.index_cast %add3A_319 : i32 to index
        %get3A_321 = arith.constant 16 : index
        %get3A_322 = tpu.vector_load %arg7[%get3A_320, %get3A_321] {strides = array<i32>} : memref<128x128xf32, #tpu.memory_space<vmem>>, vector<16xf32>,
        %bitcast3A_323 = vector.bitcast %get3A_322 : vector<16xf32> to vector<32xbf16>
        %add3A_324 = arith.constant 8 : i32
        %add3A_325 = arith.addi %mul3A_163, %add3A_324 : i32
        %get3A_326 = arith.index_cast %add3A_325 : i32 to index
        %get3A_327 = arith.constant 16 : index
        %get3A_328 = tpu.vector_load %arg7[%get3A_326, %get3A_327] {strides = array<i32>} : memref<128x128xf32, #tpu.memory_space<vmem>>, vector<16xf32>,
        %bitcast3A_329 = vector.bitcast %get3A_328 : vector<16xf32> to vector<32xbf16>
        %add3A_330 = arith.constant 9 : i32
        %add3A_331 = arith.addi %mul3A_163, %add3A_330 : i32
        %get3A_332 = arith.index_cast %add3A_331 : i32 to index
        %get3A_333 = arith.constant 16 : index
        %get3A_334 = tpu.vector_load %arg7[%get3A_332, %get3A_333] {strides = array<i32>} : memref<128x128xf32, #tpu.memory_space<vmem>>, vector<16xf32>,
        %bitcast3A_335 = vector.bitcast %get3A_334 : vector<16xf32> to vector<32xbf16>
        %add3A_336 = arith.constant 10 : i32
        %add3A_337 = arith.addi %mul3A_163, %add3A_336 : i32
        %get3A_338 = arith.index_cast %add3A_337 : i32 to index
        %get3A_339 = arith.constant 16 : index
        %get3A_340 = tpu.vector_load %arg7[%get3A_338, %get3A_339] {strides = array<i32>} : memref<128x128xf32, #tpu.memory_space<vmem>>, vector<16xf32>,
        %bitcast3A_341 = vector.bitcast %get3A_340 : vector<16xf32> to vector<32xbf16>
        %add3A_342 = arith.constant 11 : i32
        %add3A_343 = arith.addi %mul3A_163, %add3A_342 : i32
        %get3A_344 = arith.index_cast %add3A_343 : i32 to index
        %get3A_345 = arith.constant 16 : index
        %get3A_346 = tpu.vector_load %arg7[%get3A_344, %get3A_345] {strides = array<i32>} : memref<128x128xf32, #tpu.memory_space<vmem>>, vector<16xf32>,
        %bitcast3A_347 = vector.bitcast %get3A_346 : vector<16xf32> to vector<32xbf16>
        %add3A_348 = arith.constant 12 : i32
        %add3A_349 = arith.addi %mul3A_163, %add3A_348 : i32
        %get3A_350 = arith.index_cast %add3A_349 : i32 to index
        %get3A_351 = arith.constant 16 : index
        %get3A_352 = tpu.vector_load %arg7[%get3A_350, %get3A_351] {strides = array<i32>} : memref<128x128xf32, #tpu.memory_space<vmem>>, vector<16xf32>,
        %bitcast3A_353 = vector.bitcast %get3A_352 : vector<16xf32> to vector<32xbf16>
        %add3A_354 = arith.constant 13 : i32
        %add3A_355 = arith.addi %mul3A_163, %add3A_354 : i32
        %get3A_356 = arith.index_cast %add3A_355 : i32 to index
        %get3A_357 = arith.constant 16 : index
        %get3A_358 = tpu.vector_load %arg7[%get3A_356, %get3A_357] {strides = array<i32>} : memref<128x128xf32, #tpu.memory_space<vmem>>, vector<16xf32>,
        %bitcast3A_359 = vector.bitcast %get3A_358 : vector<16xf32> to vector<32xbf16>
        %add3A_360 = arith.constant 14 : i32
        %add3A_361 = arith.addi %mul3A_163, %add3A_360 : i32
        %get3A_362 = arith.index_cast %add3A_361 : i32 to index
        %get3A_363 = arith.constant 16 : index
        %get3A_364 = tpu.vector_load %arg7[%get3A_362, %get3A_363] {strides = array<i32>} : memref<128x128xf32, #tpu.memory_space<vmem>>, vector<16xf32>,
        %bitcast3A_365 = vector.bitcast %get3A_364 : vector<16xf32> to vector<32xbf16>
        %add3A_366 = arith.constant 15 : i32
        %add3A_367 = arith.addi %mul3A_163, %add3A_366 : i32
        %get3A_368 = arith.index_cast %add3A_367 : i32 to index
        %get3A_369 = arith.constant 16 : index
        %get3A_370 = tpu.vector_load %arg7[%get3A_368, %get3A_369] {strides = array<i32>} : memref<128x128xf32, #tpu.memory_space<vmem>>, vector<16xf32>,
        %bitcast3A_371 = vector.bitcast %get3A_370 : vector<16xf32> to vector<32xbf16>
        %add3A_372 = arith.addf %bitcast3A_281, %bitcast3A_287 : vector<32xbf16>
        %add3A_373 = arith.addf %bitcast3A_293, %bitcast3A_299 : vector<32xbf16>
        %add3A_374 = arith.addf %bitcast3A_305, %bitcast3A_311 : vector<32xbf16>
        %add3A_375 = arith.addf %bitcast3A_317, %bitcast3A_323 : vector<32xbf16>
        %add3A_376 = arith.addf %bitcast3A_329, %bitcast3A_335 : vector<32xbf16>
        %add3A_377 = arith.addf %bitcast3A_341, %bitcast3A_347 : vector<32xbf16>
        %add3A_378 = arith.addf %bitcast3A_353, %bitcast3A_359 : vector<32xbf16>
        %add3A_379 = arith.addf %bitcast3A_365, %bitcast3A_371 : vector<32xbf16>
        %add3A_380 = arith.addf %add3A_372, %add3A_373 : vector<32xbf16>
        %add3A_381 = arith.addf %add3A_374, %add3A_375 : vector<32xbf16>
        %add3A_382 = arith.addf %add3A_376, %add3A_377 : vector<32xbf16>
        %add3A_383 = arith.addf %add3A_378, %add3A_379 : vector<32xbf16>
        %add3A_384 = arith.addf %add3A_380, %add3A_381 : vector<32xbf16>
        %add3A_385 = arith.addf %add3A_382, %add3A_383 : vector<32xbf16>
        %add3A_386 = arith.addf %add3A_384, %add3A_385 : vector<32xbf16>
        %bitcast3A_387 = vector.bitcast %add3A_386 : vector<32xbf16> to vector<16xf32>
        %swap3A_388 = arith.index_cast %scan3A_160 : i32 to index
        %swap3A_389 = arith.constant 16 : index
        %swap3A_390 = tpu.vector_load %arg9[%swap3A_388, %swap3A_389] {strides = array<i32>} : memref<8x128xf32, #tpu.memory_space<vmem>>, vector<16xf32>,
        tpu.vector_store %arg9[%swap3A_388, %swap3A_389], %bitcast3A_387 {strides = array<i32>} : memref<8x128xf32, #tpu.memory_space<vmem>>, vector<16xf32>,
        %add3A_391 = arith.constant 0 : i32
        %add3A_392 = arith.addi %mul3A_163, %add3A_391 : i32
        %get3A_393 = arith.index_cast %add3A_392 : i32 to index
        %get3A_394 = arith.constant 32 : index
        %get3A_395 = tpu.vector_load %arg7[%get3A_393, %get3A_394] {strides = array<i32>} : memref<128x128xf32, #tpu.memory_space<vmem>>, vector<16xf32>,
        %bitcast3A_396 = vector.bitcast %get3A_395 : vector<16xf32> to vector<32xbf16>
        %add3A_397 = arith.constant 1 : i32
        %add3A_398 = arith.addi %mul3A_163, %add3A_397 : i32
        %get3A_399 = arith.index_cast %add3A_398 : i32 to index
        %get3A_400 = arith.constant 32 : index
        %get3A_401 = tpu.vector_load %arg7[%get3A_399, %get3A_400] {strides = array<i32>} : memref<128x128xf32, #tpu.memory_space<vmem>>, vector<16xf32>,
        %bitcast3A_402 = vector.bitcast %get3A_401 : vector<16xf32> to vector<32xbf16>
        %add3A_403 = arith.constant 2 : i32
        %add3A_404 = arith.addi %mul3A_163, %add3A_403 : i32
        %get3A_405 = arith.index_cast %add3A_404 : i32 to index
        %get3A_406 = arith.constant 32 : index
        %get3A_407 = tpu.vector_load %arg7[%get3A_405, %get3A_406] {strides = array<i32>} : memref<128x128xf32, #tpu.memory_space<vmem>>, vector<16xf32>,
        %bitcast3A_408 = vector.bitcast %get3A_407 : vector<16xf32> to vector<32xbf16>
        %add3A_409 = arith.constant 3 : i32
        %add3A_410 = arith.addi %mul3A_163, %add3A_409 : i32
        %get3A_411 = arith.index_cast %add3A_410 : i32 to index
        %get3A_412 = arith.constant 32 : index
        %get3A_413 = tpu.vector_load %arg7[%get3A_411, %get3A_412] {strides = array<i32>} : memref<128x128xf32, #tpu.memory_space<vmem>>, vector<16xf32>,
        %bitcast3A_414 = vector.bitcast %get3A_413 : vector<16xf32> to vector<32xbf16>
        %add3A_415 = arith.constant 4 : i32
        %add3A_416 = arith.addi %mul3A_163, %add3A_415 : i32
        %get3A_417 = arith.index_cast %add3A_416 : i32 to index
        %get3A_418 = arith.constant 32 : index
        %get3A_419 = tpu.vector_load %arg7[%get3A_417, %get3A_418] {strides = array<i32>} : memref<128x128xf32, #tpu.memory_space<vmem>>, vector<16xf32>,
        %bitcast3A_420 = vector.bitcast %get3A_419 : vector<16xf32> to vector<32xbf16>
        %add3A_421 = arith.constant 5 : i32
        %add3A_422 = arith.addi %mul3A_163, %add3A_421 : i32
        %get3A_423 = arith.index_cast %add3A_422 : i32 to index
        %get3A_424 = arith.constant 32 : index
        %get3A_425 = tpu.vector_load %arg7[%get3A_423, %get3A_424] {strides = array<i32>} : memref<128x128xf32, #tpu.memory_space<vmem>>, vector<16xf32>,
        %bitcast3A_426 = vector.bitcast %get3A_425 : vector<16xf32> to vector<32xbf16>
        %add3A_427 = arith.constant 6 : i32
        %add3A_428 = arith.addi %mul3A_163, %add3A_427 : i32
        %get3A_429 = arith.index_cast %add3A_428 : i32 to index
        %get3A_430 = arith.constant 32 : index
        %get3A_431 = tpu.vector_load %arg7[%get3A_429, %get3A_430] {strides = array<i32>} : memref<128x128xf32, #tpu.memory_space<vmem>>, vector<16xf32>,
        %bitcast3A_432 = vector.bitcast %get3A_431 : vector<16xf32> to vector<32xbf16>
        %add3A_433 = arith.constant 7 : i32
        %add3A_434 = arith.addi %mul3A_163, %add3A_433 : i32
        %get3A_435 = arith.index_cast %add3A_434 : i32 to index
        %get3A_436 = arith.constant 32 : index
        %get3A_437 = tpu.vector_load %arg7[%get3A_435, %get3A_436] {strides = array<i32>} : memref<128x128xf32, #tpu.memory_space<vmem>>, vector<16xf32>,
        %bitcast3A_438 = vector.bitcast %get3A_437 : vector<16xf32> to vector<32xbf16>
        %add3A_439 = arith.constant 8 : i32
        %add3A_440 = arith.addi %mul3A_163, %add3A_439 : i32
        %get3A_441 = arith.index_cast %add3A_440 : i32 to index
        %get3A_442 = arith.constant 32 : index
        %get3A_443 = tpu.vector_load %arg7[%get3A_441, %get3A_442] {strides = array<i32>} : memref<128x128xf32, #tpu.memory_space<vmem>>, vector<16xf32>,
        %bitcast3A_444 = vector.bitcast %get3A_443 : vector<16xf32> to vector<32xbf16>
        %add3A_445 = arith.constant 9 : i32
        %add3A_446 = arith.addi %mul3A_163, %add3A_445 : i32
        %get3A_447 = arith.index_cast %add3A_446 : i32 to index
        %get3A_448 = arith.constant 32 : index
        %get3A_449 = tpu.vector_load %arg7[%get3A_447, %get3A_448] {strides = array<i32>} : memref<128x128xf32, #tpu.memory_space<vmem>>, vector<16xf32>,
        %bitcast3A_450 = vector.bitcast %get3A_449 : vector<16xf32> to vector<32xbf16>
        %add3A_451 = arith.constant 10 : i32
        %add3A_452 = arith.addi %mul3A_163, %add3A_451 : i32
        %get3A_453 = arith.index_cast %add3A_452 : i32 to index
        %get3A_454 = arith.constant 32 : index
        %get3A_455 = tpu.vector_load %arg7[%get3A_453, %get3A_454] {strides = array<i32>} : memref<128x128xf32, #tpu.memory_space<vmem>>, vector<16xf32>,
        %bitcast3A_456 = vector.bitcast %get3A_455 : vector<16xf32> to vector<32xbf16>
        %add3A_457 = arith.constant 11 : i32
        %add3A_458 = arith.addi %mul3A_163, %add3A_457 : i32
        %get3A_459 = arith.index_cast %add3A_458 : i32 to index
        %get3A_460 = arith.constant 32 : index
        %get3A_461 = tpu.vector_load %arg7[%get3A_459, %get3A_460] {strides = array<i32>} : memref<128x128xf32, #tpu.memory_space<vmem>>, vector<16xf32>,
        %bitcast3A_462 = vector.bitcast %get3A_461 : vector<16xf32> to vector<32xbf16>
        %add3A_463 = arith.constant 12 : i32
        %add3A_464 = arith.addi %mul3A_163, %add3A_463 : i32
        %get3A_465 = arith.index_cast %add3A_464 : i32 to index
        %get3A_466 = arith.constant 32 : index
        %get3A_467 = tpu.vector_load %arg7[%get3A_465, %get3A_466] {strides = array<i32>} : memref<128x128xf32, #tpu.memory_space<vmem>>, vector<16xf32>,
        %bitcast3A_468 = vector.bitcast %get3A_467 : vector<16xf32> to vector<32xbf16>
        %add3A_469 = arith.constant 13 : i32
        %add3A_470 = arith.addi %mul3A_163, %add3A_469 : i32
        %get3A_471 = arith.index_cast %add3A_470 : i32 to index
        %get3A_472 = arith.constant 32 : index
        %get3A_473 = tpu.vector_load %arg7[%get3A_471, %get3A_472] {strides = array<i32>} : memref<128x128xf32, #tpu.memory_space<vmem>>, vector<16xf32>,
        %bitcast3A_474 = vector.bitcast %get3A_473 : vector<16xf32> to vector<32xbf16>
        %add3A_475 = arith.constant 14 : i32
        %add3A_476 = arith.addi %mul3A_163, %add3A_475 : i32
        %get3A_477 = arith.index_cast %add3A_476 : i32 to index
        %get3A_478 = arith.constant 32 : index
        %get3A_479 = tpu.vector_load %arg7[%get3A_477, %get3A_478] {strides = array<i32>} : memref<128x128xf32, #tpu.memory_space<vmem>>, vector<16xf32>,
        %bitcast3A_480 = vector.bitcast %get3A_479 : vector<16xf32> to vector<32xbf16>
        %add3A_481 = arith.constant 15 : i32
        %add3A_482 = arith.addi %mul3A_163, %add3A_481 : i32
        %get3A_483 = arith.index_cast %add3A_482 : i32 to index
        %get3A_484 = arith.constant 32 : index
        %get3A_485 = tpu.vector_load %arg7[%get3A_483, %get3A_484] {strides = array<i32>} : memref<128x128xf32, #tpu.memory_space<vmem>>, vector<16xf32>,
        %bitcast3A_486 = vector.bitcast %get3A_485 : vector<16xf32> to vector<32xbf16>
        %add3A_487 = arith.addf %bitcast3A_396, %bitcast3A_402 : vector<32xbf16>
        %add3A_488 = arith.addf %bitcast3A_408, %bitcast3A_414 : vector<32xbf16>
        %add3A_489 = arith.addf %bitcast3A_420, %bitcast3A_426 : vector<32xbf16>
        %add3A_490 = arith.addf %bitcast3A_432, %bitcast3A_438 : vector<32xbf16>
        %add3A_491 = arith.addf %bitcast3A_444, %bitcast3A_450 : vector<32xbf16>
        %add3A_492 = arith.addf %bitcast3A_456, %bitcast3A_462 : vector<32xbf16>
        %add3A_493 = arith.addf %bitcast3A_468, %bitcast3A_474 : vector<32xbf16>
        %add3A_494 = arith.addf %bitcast3A_480, %bitcast3A_486 : vector<32xbf16>
        %add3A_495 = arith.addf %add3A_487, %add3A_488 : vector<32xbf16>
        %add3A_496 = arith.addf %add3A_489, %add3A_490 : vector<32xbf16>
        %add3A_497 = arith.addf %add3A_491, %add3A_492 : vector<32xbf16>
        %add3A_498 = arith.addf %add3A_493, %add3A_494 : vector<32xbf16>
        %add3A_499 = arith.addf %add3A_495, %add3A_496 : vector<32xbf16>
        %add3A_500 = arith.addf %add3A_497, %add3A_498 : vector<32xbf16>
        %add3A_501 = arith.addf %add3A_499, %add3A_500 : vector<32xbf16>
        %bitcast3A_502 = vector.bitcast %add3A_501 : vector<32xbf16> to vector<16xf32>
        %swap3A_503 = arith.index_cast %scan3A_160 : i32 to index
        %swap3A_504 = arith.constant 32 : index
        %swap3A_505 = tpu.vector_load %arg9[%swap3A_503, %swap3A_504] {strides = array<i32>} : memref<8x128xf32, #tpu.memory_space<vmem>>, vector<16xf32>,
        tpu.vector_store %arg9[%swap3A_503, %swap3A_504], %bitcast3A_502 {strides = array<i32>} : memref<8x128xf32, #tpu.memory_space<vmem>>, vector<16xf32>,
        %add3A_506 = arith.constant 0 : i32
        %add3A_507 = arith.addi %mul3A_163, %add3A_506 : i32
        %get3A_508 = arith.index_cast %add3A_507 : i32 to index
        %get3A_509 = arith.constant 48 : index
        %get3A_510 = tpu.vector_load %arg7[%get3A_508, %get3A_509] {strides = array<i32>} : memref<128x128xf32, #tpu.memory_space<vmem>>, vector<16xf32>,
        %bitcast3A_511 = vector.bitcast %get3A_510 : vector<16xf32> to vector<32xbf16>
        %add3A_512 = arith.constant 1 : i32
        %add3A_513 = arith.addi %mul3A_163, %add3A_512 : i32
        %get3A_514 = arith.index_cast %add3A_513 : i32 to index
        %get3A_515 = arith.constant 48 : index
        %get3A_516 = tpu.vector_load %arg7[%get3A_514, %get3A_515] {strides = array<i32>} : memref<128x128xf32, #tpu.memory_space<vmem>>, vector<16xf32>,
        %bitcast3A_517 = vector.bitcast %get3A_516 : vector<16xf32> to vector<32xbf16>
        %add3A_518 = arith.constant 2 : i32
        %add3A_519 = arith.addi %mul3A_163, %add3A_518 : i32
        %get3A_520 = arith.index_cast %add3A_519 : i32 to index
        %get3A_521 = arith.constant 48 : index
        %get3A_522 = tpu.vector_load %arg7[%get3A_520, %get3A_521] {strides = array<i32>} : memref<128x128xf32, #tpu.memory_space<vmem>>, vector<16xf32>,
        %bitcast3A_523 = vector.bitcast %get3A_522 : vector<16xf32> to vector<32xbf16>
        %add3A_524 = arith.constant 3 : i32
        %add3A_525 = arith.addi %mul3A_163, %add3A_524 : i32
        %get3A_526 = arith.index_cast %add3A_525 : i32 to index
        %get3A_527 = arith.constant 48 : index
        %get3A_528 = tpu.vector_load %arg7[%get3A_526, %get3A_527] {strides = array<i32>} : memref<128x128xf32, #tpu.memory_space<vmem>>, vector<16xf32>,
        %bitcast3A_529 = vector.bitcast %get3A_528 : vector<16xf32> to vector<32xbf16>
        %add3A_530 = arith.constant 4 : i32
        %add3A_531 = arith.addi %mul3A_163, %add3A_530 : i32
        %get3A_532 = arith.index_cast %add3A_531 : i32 to index
        %get3A_533 = arith.constant 48 : index
        %get3A_534 = tpu.vector_load %arg7[%get3A_532, %get3A_533] {strides = array<i32>} : memref<128x128xf32, #tpu.memory_space<vmem>>, vector<16xf32>,
        %bitcast3A_535 = vector.bitcast %get3A_534 : vector<16xf32> to vector<32xbf16>
        %add3A_536 = arith.constant 5 : i32
        %add3A_537 = arith.addi %mul3A_163, %add3A_536 : i32
        %get3A_538 = arith.index_cast %add3A_537 : i32 to index
        %get3A_539 = arith.constant 48 : index
        %get3A_540 = tpu.vector_load %arg7[%get3A_538, %get3A_539] {strides = array<i32>} : memref<128x128xf32, #tpu.memory_space<vmem>>, vector<16xf32>,
        %bitcast3A_541 = vector.bitcast %get3A_540 : vector<16xf32> to vector<32xbf16>
        %add3A_542 = arith.constant 6 : i32
        %add3A_543 = arith.addi %mul3A_163, %add3A_542 : i32
        %get3A_544 = arith.index_cast %add3A_543 : i32 to index
        %get3A_545 = arith.constant 48 : index
        %get3A_546 = tpu.vector_load %arg7[%get3A_544, %get3A_545] {strides = array<i32>} : memref<128x128xf32, #tpu.memory_space<vmem>>, vector<16xf32>,
        %bitcast3A_547 = vector.bitcast %get3A_546 : vector<16xf32> to vector<32xbf16>
        %add3A_548 = arith.constant 7 : i32
        %add3A_549 = arith.addi %mul3A_163, %add3A_548 : i32
        %get3A_550 = arith.index_cast %add3A_549 : i32 to index
        %get3A_551 = arith.constant 48 : index
        %get3A_552 = tpu.vector_load %arg7[%get3A_550, %get3A_551] {strides = array<i32>} : memref<128x128xf32, #tpu.memory_space<vmem>>, vector<16xf32>,
        %bitcast3A_553 = vector.bitcast %get3A_552 : vector<16xf32> to vector<32xbf16>
        %add3A_554 = arith.constant 8 : i32
        %add3A_555 = arith.addi %mul3A_163, %add3A_554 : i32
        %get3A_556 = arith.index_cast %add3A_555 : i32 to index
        %get3A_557 = arith.constant 48 : index
        %get3A_558 = tpu.vector_load %arg7[%get3A_556, %get3A_557] {strides = array<i32>} : memref<128x128xf32, #tpu.memory_space<vmem>>, vector<16xf32>,
        %bitcast3A_559 = vector.bitcast %get3A_558 : vector<16xf32> to vector<32xbf16>
        %add3A_560 = arith.constant 9 : i32
        %add3A_561 = arith.addi %mul3A_163, %add3A_560 : i32
        %get3A_562 = arith.index_cast %add3A_561 : i32 to index
        %get3A_563 = arith.constant 48 : index
        %get3A_564 = tpu.vector_load %arg7[%get3A_562, %get3A_563] {strides = array<i32>} : memref<128x128xf32, #tpu.memory_space<vmem>>, vector<16xf32>,
        %bitcast3A_565 = vector.bitcast %get3A_564 : vector<16xf32> to vector<32xbf16>
        %add3A_566 = arith.constant 10 : i32
        %add3A_567 = arith.addi %mul3A_163, %add3A_566 : i32
        %get3A_568 = arith.index_cast %add3A_567 : i32 to index
        %get3A_569 = arith.constant 48 : index
        %get3A_570 = tpu.vector_load %arg7[%get3A_568, %get3A_569] {strides = array<i32>} : memref<128x128xf32, #tpu.memory_space<vmem>>, vector<16xf32>,
        %bitcast3A_571 = vector.bitcast %get3A_570 : vector<16xf32> to vector<32xbf16>
        %add3A_572 = arith.constant 11 : i32
        %add3A_573 = arith.addi %mul3A_163, %add3A_572 : i32
        %get3A_574 = arith.index_cast %add3A_573 : i32 to index
        %get3A_575 = arith.constant 48 : index
        %get3A_576 = tpu.vector_load %arg7[%get3A_574, %get3A_575] {strides = array<i32>} : memref<128x128xf32, #tpu.memory_space<vmem>>, vector<16xf32>,
        %bitcast3A_577 = vector.bitcast %get3A_576 : vector<16xf32> to vector<32xbf16>
        %add3A_578 = arith.constant 12 : i32
        %add3A_579 = arith.addi %mul3A_163, %add3A_578 : i32
        %get3A_580 = arith.index_cast %add3A_579 : i32 to index
        %get3A_581 = arith.constant 48 : index
        %get3A_582 = tpu.vector_load %arg7[%get3A_580, %get3A_581] {strides = array<i32>} : memref<128x128xf32, #tpu.memory_space<vmem>>, vector<16xf32>,
        %bitcast3A_583 = vector.bitcast %get3A_582 : vector<16xf32> to vector<32xbf16>
        %add3A_584 = arith.constant 13 : i32
        %add3A_585 = arith.addi %mul3A_163, %add3A_584 : i32
        %get3A_586 = arith.index_cast %add3A_585 : i32 to index
        %get3A_587 = arith.constant 48 : index
        %get3A_588 = tpu.vector_load %arg7[%get3A_586, %get3A_587] {strides = array<i32>} : memref<128x128xf32, #tpu.memory_space<vmem>>, vector<16xf32>,
        %bitcast3A_589 = vector.bitcast %get3A_588 : vector<16xf32> to vector<32xbf16>
        %add3A_590 = arith.constant 14 : i32
        %add3A_591 = arith.addi %mul3A_163, %add3A_590 : i32
        %get3A_592 = arith.index_cast %add3A_591 : i32 to index
        %get3A_593 = arith.constant 48 : index
        %get3A_594 = tpu.vector_load %arg7[%get3A_592, %get3A_593] {strides = array<i32>} : memref<128x128xf32, #tpu.memory_space<vmem>>, vector<16xf32>,
        %bitcast3A_595 = vector.bitcast %get3A_594 : vector<16xf32> to vector<32xbf16>
        %add3A_596 = arith.constant 15 : i32
        %add3A_597 = arith.addi %mul3A_163, %add3A_596 : i32
        %get3A_598 = arith.index_cast %add3A_597 : i32 to index
        %get3A_599 = arith.constant 48 : index
        %get3A_600 = tpu.vector_load %arg7[%get3A_598, %get3A_599] {strides = array<i32>} : memref<128x128xf32, #tpu.memory_space<vmem>>, vector<16xf32>,
        %bitcast3A_601 = vector.bitcast %get3A_600 : vector<16xf32> to vector<32xbf16>
        %add3A_602 = arith.addf %bitcast3A_511, %bitcast3A_517 : vector<32xbf16>
        %add3A_603 = arith.addf %bitcast3A_523, %bitcast3A_529 : vector<32xbf16>
        %add3A_604 = arith.addf %bitcast3A_535, %bitcast3A_541 : vector<32xbf16>
        %add3A_605 = arith.addf %bitcast3A_547, %bitcast3A_553 : vector<32xbf16>
        %add3A_606 = arith.addf %bitcast3A_559, %bitcast3A_565 : vector<32xbf16>
        %add3A_607 = arith.addf %bitcast3A_571, %bitcast3A_577 : vector<32xbf16>
        %add3A_608 = arith.addf %bitcast3A_583, %bitcast3A_589 : vector<32xbf16>
        %add3A_609 = arith.addf %bitcast3A_595, %bitcast3A_601 : vector<32xbf16>
        %add3A_610 = arith.addf %add3A_602, %add3A_603 : vector<32xbf16>
        %add3A_611 = arith.addf %add3A_604, %add3A_605 : vector<32xbf16>
        %add3A_612 = arith.addf %add3A_606, %add3A_607 : vector<32xbf16>
        %add3A_613 = arith.addf %add3A_608, %add3A_609 : vector<32xbf16>
        %add3A_614 = arith.addf %add3A_610, %add3A_611 : vector<32xbf16>
        %add3A_615 = arith.addf %add3A_612, %add3A_613 : vector<32xbf16>
        %add3A_616 = arith.addf %add3A_614, %add3A_615 : vector<32xbf16>
        %bitcast3A_617 = vector.bitcast %add3A_616 : vector<32xbf16> to vector<16xf32>
        %swap3A_618 = arith.index_cast %scan3A_160 : i32 to index
        %swap3A_619 = arith.constant 48 : index
        %swap3A_620 = tpu.vector_load %arg9[%swap3A_618, %swap3A_619] {strides = array<i32>} : memref<8x128xf32, #tpu.memory_space<vmem>>, vector<16xf32>,
        tpu.vector_store %arg9[%swap3A_618, %swap3A_619], %bitcast3A_617 {strides = array<i32>} : memref<8x128xf32, #tpu.memory_space<vmem>>, vector<16xf32>,
        %add3A_621 = arith.constant 0 : i32
        %add3A_622 = arith.addi %mul3A_163, %add3A_621 : i32
        %get3A_623 = arith.index_cast %add3A_622 : i32 to index
        %get3A_624 = arith.constant 64 : index
        %get3A_625 = tpu.vector_load %arg7[%get3A_623, %get3A_624] {strides = array<i32>} : memref<128x128xf32, #tpu.memory_space<vmem>>, vector<16xf32>,
        %bitcast3A_626 = vector.bitcast %get3A_625 : vector<16xf32> to vector<32xbf16>
        %add3A_627 = arith.constant 1 : i32
        %add3A_628 = arith.addi %mul3A_163, %add3A_627 : i32
        %get3A_629 = arith.index_cast %add3A_628 : i32 to index
        %get3A_630 = arith.constant 64 : index
        %get3A_631 = tpu.vector_load %arg7[%get3A_629, %get3A_630] {strides = array<i32>} : memref<128x128xf32, #tpu.memory_space<vmem>>, vector<16xf32>,
        %bitcast3A_632 = vector.bitcast %get3A_631 : vector<16xf32> to vector<32xbf16>
        %add3A_633 = arith.constant 2 : i32
        %add3A_634 = arith.addi %mul3A_163, %add3A_633 : i32
        %get3A_635 = arith.index_cast %add3A_634 : i32 to index
        %get3A_636 = arith.constant 64 : index
        %get3A_637 = tpu.vector_load %arg7[%get3A_635, %get3A_636] {strides = array<i32>} : memref<128x128xf32, #tpu.memory_space<vmem>>, vector<16xf32>,
        %bitcast3A_638 = vector.bitcast %get3A_637 : vector<16xf32> to vector<32xbf16>
        %add3A_639 = arith.constant 3 : i32
        %add3A_640 = arith.addi %mul3A_163, %add3A_639 : i32
        %get3A_641 = arith.index_cast %add3A_640 : i32 to index
        %get3A_642 = arith.constant 64 : index
        %get3A_643 = tpu.vector_load %arg7[%get3A_641, %get3A_642] {strides = array<i32>} : memref<128x128xf32, #tpu.memory_space<vmem>>, vector<16xf32>,
        %bitcast3A_644 = vector.bitcast %get3A_643 : vector<16xf32> to vector<32xbf16>
        %add3A_645 = arith.constant 4 : i32
        %add3A_646 = arith.addi %mul3A_163, %add3A_645 : i32
        %get3A_647 = arith.index_cast %add3A_646 : i32 to index
        %get3A_648 = arith.constant 64 : index
        %get3A_649 = tpu.vector_load %arg7[%get3A_647, %get3A_648] {strides = array<i32>} : memref<128x128xf32, #tpu.memory_space<vmem>>, vector<16xf32>,
        %bitcast3A_650 = vector.bitcast %get3A_649 : vector<16xf32> to vector<32xbf16>
        %add3A_651 = arith.constant 5 : i32
        %add3A_652 = arith.addi %mul3A_163, %add3A_651 : i32
        %get3A_653 = arith.index_cast %add3A_652 : i32 to index
        %get3A_654 = arith.constant 64 : index
        %get3A_655 = tpu.vector_load %arg7[%get3A_653, %get3A_654] {strides = array<i32>} : memref<128x128xf32, #tpu.memory_space<vmem>>, vector<16xf32>,
        %bitcast3A_656 = vector.bitcast %get3A_655 : vector<16xf32> to vector<32xbf16>
        %add3A_657 = arith.constant 6 : i32
        %add3A_658 = arith.addi %mul3A_163, %add3A_657 : i32
        %get3A_659 = arith.index_cast %add3A_658 : i32 to index
        %get3A_660 = arith.constant 64 : index
        %get3A_661 = tpu.vector_load %arg7[%get3A_659, %get3A_660] {strides = array<i32>} : memref<128x128xf32, #tpu.memory_space<vmem>>, vector<16xf32>,
        %bitcast3A_662 = vector.bitcast %get3A_661 : vector<16xf32> to vector<32xbf16>
        %add3A_663 = arith.constant 7 : i32
        %add3A_664 = arith.addi %mul3A_163, %add3A_663 : i32
        %get3A_665 = arith.index_cast %add3A_664 : i32 to index
        %get3A_666 = arith.constant 64 : index
        %get3A_667 = tpu.vector_load %arg7[%get3A_665, %get3A_666] {strides = array<i32>} : memref<128x128xf32, #tpu.memory_space<vmem>>, vector<16xf32>,
        %bitcast3A_668 = vector.bitcast %get3A_667 : vector<16xf32> to vector<32xbf16>
        %add3A_669 = arith.constant 8 : i32
        %add3A_670 = arith.addi %mul3A_163, %add3A_669 : i32
        %get3A_671 = arith.index_cast %add3A_670 : i32 to index
        %get3A_672 = arith.constant 64 : index
        %get3A_673 = tpu.vector_load %arg7[%get3A_671, %get3A_672] {strides = array<i32>} : memref<128x128xf32, #tpu.memory_space<vmem>>, vector<16xf32>,
        %bitcast3A_674 = vector.bitcast %get3A_673 : vector<16xf32> to vector<32xbf16>
        %add3A_675 = arith.constant 9 : i32
        %add3A_676 = arith.addi %mul3A_163, %add3A_675 : i32
        %get3A_677 = arith.index_cast %add3A_676 : i32 to index
        %get3A_678 = arith.constant 64 : index
        %get3A_679 = tpu.vector_load %arg7[%get3A_677, %get3A_678] {strides = array<i32>} : memref<128x128xf32, #tpu.memory_space<vmem>>, vector<16xf32>,
        %bitcast3A_680 = vector.bitcast %get3A_679 : vector<16xf32> to vector<32xbf16>
        %add3A_681 = arith.constant 10 : i32
        %add3A_682 = arith.addi %mul3A_163, %add3A_681 : i32
        %get3A_683 = arith.index_cast %add3A_682 : i32 to index
        %get3A_684 = arith.constant 64 : index
        %get3A_685 = tpu.vector_load %arg7[%get3A_683, %get3A_684] {strides = array<i32>} : memref<128x128xf32, #tpu.memory_space<vmem>>, vector<16xf32>,
        %bitcast3A_686 = vector.bitcast %get3A_685 : vector<16xf32> to vector<32xbf16>
        %add3A_687 = arith.constant 11 : i32
        %add3A_688 = arith.addi %mul3A_163, %add3A_687 : i32
        %get3A_689 = arith.index_cast %add3A_688 : i32 to index
        %get3A_690 = arith.constant 64 : index
        %get3A_691 = tpu.vector_load %arg7[%get3A_689, %get3A_690] {strides = array<i32>} : memref<128x128xf32, #tpu.memory_space<vmem>>, vector<16xf32>,
        %bitcast3A_692 = vector.bitcast %get3A_691 : vector<16xf32> to vector<32xbf16>
        %add3A_693 = arith.constant 12 : i32
        %add3A_694 = arith.addi %mul3A_163, %add3A_693 : i32
        %get3A_695 = arith.index_cast %add3A_694 : i32 to index
        %get3A_696 = arith.constant 64 : index
        %get3A_697 = tpu.vector_load %arg7[%get3A_695, %get3A_696] {strides = array<i32>} : memref<128x128xf32, #tpu.memory_space<vmem>>, vector<16xf32>,
        %bitcast3A_698 = vector.bitcast %get3A_697 : vector<16xf32> to vector<32xbf16>
        %add3A_699 = arith.constant 13 : i32
        %add3A_700 = arith.addi %mul3A_163, %add3A_699 : i32
        %get3A_701 = arith.index_cast %add3A_700 : i32 to index
        %get3A_702 = arith.constant 64 : index
        %get3A_703 = tpu.vector_load %arg7[%get3A_701, %get3A_702] {strides = array<i32>} : memref<128x128xf32, #tpu.memory_space<vmem>>, vector<16xf32>,
        %bitcast3A_704 = vector.bitcast %get3A_703 : vector<16xf32> to vector<32xbf16>
        %add3A_705 = arith.constant 14 : i32
        %add3A_706 = arith.addi %mul3A_163, %add3A_705 : i32
        %get3A_707 = arith.index_cast %add3A_706 : i32 to index
        %get3A_708 = arith.constant 64 : index
        %get3A_709 = tpu.vector_load %arg7[%get3A_707, %get3A_708] {strides = array<i32>} : memref<128x128xf32, #tpu.memory_space<vmem>>, vector<16xf32>,
        %bitcast3A_710 = vector.bitcast %get3A_709 : vector<16xf32> to vector<32xbf16>
        %add3A_711 = arith.constant 15 : i32
        %add3A_712 = arith.addi %mul3A_163, %add3A_711 : i32
        %get3A_713 = arith.index_cast %add3A_712 : i32 to index
        %get3A_714 = arith.constant 64 : index
        %get3A_715 = tpu.vector_load %arg7[%get3A_713, %get3A_714] {strides = array<i32>} : memref<128x128xf32, #tpu.memory_space<vmem>>, vector<16xf32>,
        %bitcast3A_716 = vector.bitcast %get3A_715 : vector<16xf32> to vector<32xbf16>
        %add3A_717 = arith.addf %bitcast3A_626, %bitcast3A_632 : vector<32xbf16>
        %add3A_718 = arith.addf %bitcast3A_638, %bitcast3A_644 : vector<32xbf16>
        %add3A_719 = arith.addf %bitcast3A_650, %bitcast3A_656 : vector<32xbf16>
        %add3A_720 = arith.addf %bitcast3A_662, %bitcast3A_668 : vector<32xbf16>
        %add3A_721 = arith.addf %bitcast3A_674, %bitcast3A_680 : vector<32xbf16>
        %add3A_722 = arith.addf %bitcast3A_686, %bitcast3A_692 : vector<32xbf16>
        %add3A_723 = arith.addf %bitcast3A_698, %bitcast3A_704 : vector<32xbf16>
        %add3A_724 = arith.addf %bitcast3A_710, %bitcast3A_716 : vector<32xbf16>
        %add3A_725 = arith.addf %add3A_717, %add3A_718 : vector<32xbf16>
        %add3A_726 = arith.addf %add3A_719, %add3A_720 : vector<32xbf16>
        %add3A_727 = arith.addf %add3A_721, %add3A_722 : vector<32xbf16>
        %add3A_728 = arith.addf %add3A_723, %add3A_724 : vector<32xbf16>
        %add3A_729 = arith.addf %add3A_725, %add3A_726 : vector<32xbf16>
        %add3A_730 = arith.addf %add3A_727, %add3A_728 : vector<32xbf16>
        %add3A_731 = arith.addf %add3A_729, %add3A_730 : vector<32xbf16>
        %bitcast3A_732 = vector.bitcast %add3A_731 : vector<32xbf16> to vector<16xf32>
        %swap3A_733 = arith.index_cast %scan3A_160 : i32 to index
        %swap3A_734 = arith.constant 64 : index
        %swap3A_735 = tpu.vector_load %arg9[%swap3A_733, %swap3A_734] {strides = array<i32>} : memref<8x128xf32, #tpu.memory_space<vmem>>, vector<16xf32>,
        tpu.vector_store %arg9[%swap3A_733, %swap3A_734], %bitcast3A_732 {strides = array<i32>} : memref<8x128xf32, #tpu.memory_space<vmem>>, vector<16xf32>,
        %add3A_736 = arith.constant 0 : i32
        %add3A_737 = arith.addi %mul3A_163, %add3A_736 : i32
        %get3A_738 = arith.index_cast %add3A_737 : i32 to index
        %get3A_739 = arith.constant 80 : index
        %get3A_740 = tpu.vector_load %arg7[%get3A_738, %get3A_739] {strides = array<i32>} : memref<128x128xf32, #tpu.memory_space<vmem>>, vector<16xf32>,
        %bitcast3A_741 = vector.bitcast %get3A_740 : vector<16xf32> to vector<32xbf16>
        %add3A_742 = arith.constant 1 : i32
        %add3A_743 = arith.addi %mul3A_163, %add3A_742 : i32
        %get3A_744 = arith.index_cast %add3A_743 : i32 to index
        %get3A_745 = arith.constant 80 : index
        %get3A_746 = tpu.vector_load %arg7[%get3A_744, %get3A_745] {strides = array<i32>} : memref<128x128xf32, #tpu.memory_space<vmem>>, vector<16xf32>,
        %bitcast3A_747 = vector.bitcast %get3A_746 : vector<16xf32> to vector<32xbf16>
        %add3A_748 = arith.constant 2 : i32
        %add3A_749 = arith.addi %mul3A_163, %add3A_748 : i32
        %get3A_750 = arith.index_cast %add3A_749 : i32 to index
        %get3A_751 = arith.constant 80 : index
        %get3A_752 = tpu.vector_load %arg7[%get3A_750, %get3A_751] {strides = array<i32>} : memref<128x128xf32, #tpu.memory_space<vmem>>, vector<16xf32>,
        %bitcast3A_753 = vector.bitcast %get3A_752 : vector<16xf32> to vector<32xbf16>
        %add3A_754 = arith.constant 3 : i32
        %add3A_755 = arith.addi %mul3A_163, %add3A_754 : i32
        %get3A_756 = arith.index_cast %add3A_755 : i32 to index
        %get3A_757 = arith.constant 80 : index
        %get3A_758 = tpu.vector_load %arg7[%get3A_756, %get3A_757] {strides = array<i32>} : memref<128x128xf32, #tpu.memory_space<vmem>>, vector<16xf32>,
        %bitcast3A_759 = vector.bitcast %get3A_758 : vector<16xf32> to vector<32xbf16>
        %add3A_760 = arith.constant 4 : i32
        %add3A_761 = arith.addi %mul3A_163, %add3A_760 : i32
        %get3A_762 = arith.index_cast %add3A_761 : i32 to index
        %get3A_763 = arith.constant 80 : index
        %get3A_764 = tpu.vector_load %arg7[%get3A_762, %get3A_763] {strides = array<i32>} : memref<128x128xf32, #tpu.memory_space<vmem>>, vector<16xf32>,
        %bitcast3A_765 = vector.bitcast %get3A_764 : vector<16xf32> to vector<32xbf16>
        %add3A_766 = arith.constant 5 : i32
        %add3A_767 = arith.addi %mul3A_163, %add3A_766 : i32
        %get3A_768 = arith.index_cast %add3A_767 : i32 to index
        %get3A_769 = arith.constant 80 : index
        %get3A_770 = tpu.vector_load %arg7[%get3A_768, %get3A_769] {strides = array<i32>} : memref<128x128xf32, #tpu.memory_space<vmem>>, vector<16xf32>,
        %bitcast3A_771 = vector.bitcast %get3A_770 : vector<16xf32> to vector<32xbf16>
        %add3A_772 = arith.constant 6 : i32
        %add3A_773 = arith.addi %mul3A_163, %add3A_772 : i32
        %get3A_774 = arith.index_cast %add3A_773 : i32 to index
        %get3A_775 = arith.constant 80 : index
        %get3A_776 = tpu.vector_load %arg7[%get3A_774, %get3A_775] {strides = array<i32>} : memref<128x128xf32, #tpu.memory_space<vmem>>, vector<16xf32>,
        %bitcast3A_777 = vector.bitcast %get3A_776 : vector<16xf32> to vector<32xbf16>
        %add3A_778 = arith.constant 7 : i32
        %add3A_779 = arith.addi %mul3A_163, %add3A_778 : i32
        %get3A_780 = arith.index_cast %add3A_779 : i32 to index
        %get3A_781 = arith.constant 80 : index
        %get3A_782 = tpu.vector_load %arg7[%get3A_780, %get3A_781] {strides = array<i32>} : memref<128x128xf32, #tpu.memory_space<vmem>>, vector<16xf32>,
        %bitcast3A_783 = vector.bitcast %get3A_782 : vector<16xf32> to vector<32xbf16>
        %add3A_784 = arith.constant 8 : i32
        %add3A_785 = arith.addi %mul3A_163, %add3A_784 : i32
        %get3A_786 = arith.index_cast %add3A_785 : i32 to index
        %get3A_787 = arith.constant 80 : index
        %get3A_788 = tpu.vector_load %arg7[%get3A_786, %get3A_787] {strides = array<i32>} : memref<128x128xf32, #tpu.memory_space<vmem>>, vector<16xf32>,
        %bitcast3A_789 = vector.bitcast %get3A_788 : vector<16xf32> to vector<32xbf16>
        %add3A_790 = arith.constant 9 : i32
        %add3A_791 = arith.addi %mul3A_163, %add3A_790 : i32
        %get3A_792 = arith.index_cast %add3A_791 : i32 to index
        %get3A_793 = arith.constant 80 : index
        %get3A_794 = tpu.vector_load %arg7[%get3A_792, %get3A_793] {strides = array<i32>} : memref<128x128xf32, #tpu.memory_space<vmem>>, vector<16xf32>,
        %bitcast3A_795 = vector.bitcast %get3A_794 : vector<16xf32> to vector<32xbf16>
        %add3A_796 = arith.constant 10 : i32
        %add3A_797 = arith.addi %mul3A_163, %add3A_796 : i32
        %get3A_798 = arith.index_cast %add3A_797 : i32 to index
        %get3A_799 = arith.constant 80 : index
        %get3A_800 = tpu.vector_load %arg7[%get3A_798, %get3A_799] {strides = array<i32>} : memref<128x128xf32, #tpu.memory_space<vmem>>, vector<16xf32>,
        %bitcast3A_801 = vector.bitcast %get3A_800 : vector<16xf32> to vector<32xbf16>
        %add3A_802 = arith.constant 11 : i32
        %add3A_803 = arith.addi %mul3A_163, %add3A_802 : i32
        %get3A_804 = arith.index_cast %add3A_803 : i32 to index
        %get3A_805 = arith.constant 80 : index
        %get3A_806 = tpu.vector_load %arg7[%get3A_804, %get3A_805] {strides = array<i32>} : memref<128x128xf32, #tpu.memory_space<vmem>>, vector<16xf32>,
        %bitcast3A_807 = vector.bitcast %get3A_806 : vector<16xf32> to vector<32xbf16>
        %add3A_808 = arith.constant 12 : i32
        %add3A_809 = arith.addi %mul3A_163, %add3A_808 : i32
        %get3A_810 = arith.index_cast %add3A_809 : i32 to index
        %get3A_811 = arith.constant 80 : index
        %get3A_812 = tpu.vector_load %arg7[%get3A_810, %get3A_811] {strides = array<i32>} : memref<128x128xf32, #tpu.memory_space<vmem>>, vector<16xf32>,
        %bitcast3A_813 = vector.bitcast %get3A_812 : vector<16xf32> to vector<32xbf16>
        %add3A_814 = arith.constant 13 : i32
        %add3A_815 = arith.addi %mul3A_163, %add3A_814 : i32
        %get3A_816 = arith.index_cast %add3A_815 : i32 to index
        %get3A_817 = arith.constant 80 : index
        %get3A_818 = tpu.vector_load %arg7[%get3A_816, %get3A_817] {strides = array<i32>} : memref<128x128xf32, #tpu.memory_space<vmem>>, vector<16xf32>,
        %bitcast3A_819 = vector.bitcast %get3A_818 : vector<16xf32> to vector<32xbf16>
        %add3A_820 = arith.constant 14 : i32
        %add3A_821 = arith.addi %mul3A_163, %add3A_820 : i32
        %get3A_822 = arith.index_cast %add3A_821 : i32 to index
        %get3A_823 = arith.constant 80 : index
        %get3A_824 = tpu.vector_load %arg7[%get3A_822, %get3A_823] {strides = array<i32>} : memref<128x128xf32, #tpu.memory_space<vmem>>, vector<16xf32>,
        %bitcast3A_825 = vector.bitcast %get3A_824 : vector<16xf32> to vector<32xbf16>
        %add3A_826 = arith.constant 15 : i32
        %add3A_827 = arith.addi %mul3A_163, %add3A_826 : i32
        %get3A_828 = arith.index_cast %add3A_827 : i32 to index
        %get3A_829 = arith.constant 80 : index
        %get3A_830 = tpu.vector_load %arg7[%get3A_828, %get3A_829] {strides = array<i32>} : memref<128x128xf32, #tpu.memory_space<vmem>>, vector<16xf32>,
        %bitcast3A_831 = vector.bitcast %get3A_830 : vector<16xf32> to vector<32xbf16>
        %add3A_832 = arith.addf %bitcast3A_741, %bitcast3A_747 : vector<32xbf16>
        %add3A_833 = arith.addf %bitcast3A_753, %bitcast3A_759 : vector<32xbf16>
        %add3A_834 = arith.addf %bitcast3A_765, %bitcast3A_771 : vector<32xbf16>
        %add3A_835 = arith.addf %bitcast3A_777, %bitcast3A_783 : vector<32xbf16>
        %add3A_836 = arith.addf %bitcast3A_789, %bitcast3A_795 : vector<32xbf16>
        %add3A_837 = arith.addf %bitcast3A_801, %bitcast3A_807 : vector<32xbf16>
        %add3A_838 = arith.addf %bitcast3A_813, %bitcast3A_819 : vector<32xbf16>
        %add3A_839 = arith.addf %bitcast3A_825, %bitcast3A_831 : vector<32xbf16>
        %add3A_840 = arith.addf %add3A_832, %add3A_833 : vector<32xbf16>
        %add3A_841 = arith.addf %add3A_834, %add3A_835 : vector<32xbf16>
        %add3A_842 = arith.addf %add3A_836, %add3A_837 : vector<32xbf16>
        %add3A_843 = arith.addf %add3A_838, %add3A_839 : vector<32xbf16>
        %add3A_844 = arith.addf %add3A_840, %add3A_841 : vector<32xbf16>
        %add3A_845 = arith.addf %add3A_842, %add3A_843 : vector<32xbf16>
        %add3A_846 = arith.addf %add3A_844, %add3A_845 : vector<32xbf16>
        %bitcast3A_847 = vector.bitcast %add3A_846 : vector<32xbf16> to vector<16xf32>
        %swap3A_848 = arith.index_cast %scan3A_160 : i32 to index
        %swap3A_849 = arith.constant 80 : index
        %swap3A_850 = tpu.vector_load %arg9[%swap3A_848, %swap3A_849] {strides = array<i32>} : memref<8x128xf32, #tpu.memory_space<vmem>>, vector<16xf32>,
        tpu.vector_store %arg9[%swap3A_848, %swap3A_849], %bitcast3A_847 {strides = array<i32>} : memref<8x128xf32, #tpu.memory_space<vmem>>, vector<16xf32>,
        %add3A_851 = arith.constant 0 : i32
        %add3A_852 = arith.addi %mul3A_163, %add3A_851 : i32
        %get3A_853 = arith.index_cast %add3A_852 : i32 to index
        %get3A_854 = arith.constant 96 : index
        %get3A_855 = tpu.vector_load %arg7[%get3A_853, %get3A_854] {strides = array<i32>} : memref<128x128xf32, #tpu.memory_space<vmem>>, vector<16xf32>,
        %bitcast3A_856 = vector.bitcast %get3A_855 : vector<16xf32> to vector<32xbf16>
        %add3A_857 = arith.constant 1 : i32
        %add3A_858 = arith.addi %mul3A_163, %add3A_857 : i32
        %get3A_859 = arith.index_cast %add3A_858 : i32 to index
        %get3A_860 = arith.constant 96 : index
        %get3A_861 = tpu.vector_load %arg7[%get3A_859, %get3A_860] {strides = array<i32>} : memref<128x128xf32, #tpu.memory_space<vmem>>, vector<16xf32>,
        %bitcast3A_862 = vector.bitcast %get3A_861 : vector<16xf32> to vector<32xbf16>
        %add3A_863 = arith.constant 2 : i32
        %add3A_864 = arith.addi %mul3A_163, %add3A_863 : i32
        %get3A_865 = arith.index_cast %add3A_864 : i32 to index
        %get3A_866 = arith.constant 96 : index
        %get3A_867 = tpu.vector_load %arg7[%get3A_865, %get3A_866] {strides = array<i32>} : memref<128x128xf32, #tpu.memory_space<vmem>>, vector<16xf32>,
        %bitcast3A_868 = vector.bitcast %get3A_867 : vector<16xf32> to vector<32xbf16>
        %add3A_869 = arith.constant 3 : i32
        %add3A_870 = arith.addi %mul3A_163, %add3A_869 : i32
        %get3A_871 = arith.index_cast %add3A_870 : i32 to index
        %get3A_872 = arith.constant 96 : index
        %get3A_873 = tpu.vector_load %arg7[%get3A_871, %get3A_872] {strides = array<i32>} : memref<128x128xf32, #tpu.memory_space<vmem>>, vector<16xf32>,
        %bitcast3A_874 = vector.bitcast %get3A_873 : vector<16xf32> to vector<32xbf16>
        %add3A_875 = arith.constant 4 : i32
        %add3A_876 = arith.addi %mul3A_163, %add3A_875 : i32
        %get3A_877 = arith.index_cast %add3A_876 : i32 to index
        %get3A_878 = arith.constant 96 : index
        %get3A_879 = tpu.vector_load %arg7[%get3A_877, %get3A_878] {strides = array<i32>} : memref<128x128xf32, #tpu.memory_space<vmem>>, vector<16xf32>,
        %bitcast3A_880 = vector.bitcast %get3A_879 : vector<16xf32> to vector<32xbf16>
        %add3A_881 = arith.constant 5 : i32
        %add3A_882 = arith.addi %mul3A_163, %add3A_881 : i32
        %get3A_883 = arith.index_cast %add3A_882 : i32 to index
        %get3A_884 = arith.constant 96 : index
        %get3A_885 = tpu.vector_load %arg7[%get3A_883, %get3A_884] {strides = array<i32>} : memref<128x128xf32, #tpu.memory_space<vmem>>, vector<16xf32>,
        %bitcast3A_886 = vector.bitcast %get3A_885 : vector<16xf32> to vector<32xbf16>
        %add3A_887 = arith.constant 6 : i32
        %add3A_888 = arith.addi %mul3A_163, %add3A_887 : i32
        %get3A_889 = arith.index_cast %add3A_888 : i32 to index
        %get3A_890 = arith.constant 96 : index
        %get3A_891 = tpu.vector_load %arg7[%get3A_889, %get3A_890] {strides = array<i32>} : memref<128x128xf32, #tpu.memory_space<vmem>>, vector<16xf32>,
        %bitcast3A_892 = vector.bitcast %get3A_891 : vector<16xf32> to vector<32xbf16>
        %add3A_893 = arith.constant 7 : i32
        %add3A_894 = arith.addi %mul3A_163, %add3A_893 : i32
        %get3A_895 = arith.index_cast %add3A_894 : i32 to index
        %get3A_896 = arith.constant 96 : index
        %get3A_897 = tpu.vector_load %arg7[%get3A_895, %get3A_896] {strides = array<i32>} : memref<128x128xf32, #tpu.memory_space<vmem>>, vector<16xf32>,
        %bitcast3A_898 = vector.bitcast %get3A_897 : vector<16xf32> to vector<32xbf16>
        %add3A_899 = arith.constant 8 : i32
        %add3A_900 = arith.addi %mul3A_163, %add3A_899 : i32
        %get3A_901 = arith.index_cast %add3A_900 : i32 to index
        %get3A_902 = arith.constant 96 : index
        %get3A_903 = tpu.vector_load %arg7[%get3A_901, %get3A_902] {strides = array<i32>} : memref<128x128xf32, #tpu.memory_space<vmem>>, vector<16xf32>,
        %bitcast3A_904 = vector.bitcast %get3A_903 : vector<16xf32> to vector<32xbf16>
        %add3A_905 = arith.constant 9 : i32
        %add3A_906 = arith.addi %mul3A_163, %add3A_905 : i32
        %get3A_907 = arith.index_cast %add3A_906 : i32 to index
        %get3A_908 = arith.constant 96 : index
        %get3A_909 = tpu.vector_load %arg7[%get3A_907, %get3A_908] {strides = array<i32>} : memref<128x128xf32, #tpu.memory_space<vmem>>, vector<16xf32>,
        %bitcast3A_910 = vector.bitcast %get3A_909 : vector<16xf32> to vector<32xbf16>
        %add3A_911 = arith.constant 10 : i32
        %add3A_912 = arith.addi %mul3A_163, %add3A_911 : i32
        %get3A_913 = arith.index_cast %add3A_912 : i32 to index
        %get3A_914 = arith.constant 96 : index
        %get3A_915 = tpu.vector_load %arg7[%get3A_913, %get3A_914] {strides = array<i32>} : memref<128x128xf32, #tpu.memory_space<vmem>>, vector<16xf32>,
        %bitcast3A_916 = vector.bitcast %get3A_915 : vector<16xf32> to vector<32xbf16>
        %add3A_917 = arith.constant 11 : i32
        %add3A_918 = arith.addi %mul3A_163, %add3A_917 : i32
        %get3A_919 = arith.index_cast %add3A_918 : i32 to index
        %get3A_920 = arith.constant 96 : index
        %get3A_921 = tpu.vector_load %arg7[%get3A_919, %get3A_920] {strides = array<i32>} : memref<128x128xf32, #tpu.memory_space<vmem>>, vector<16xf32>,
        %bitcast3A_922 = vector.bitcast %get3A_921 : vector<16xf32> to vector<32xbf16>
        %add3A_923 = arith.constant 12 : i32
        %add3A_924 = arith.addi %mul3A_163, %add3A_923 : i32
        %get3A_925 = arith.index_cast %add3A_924 : i32 to index
        %get3A_926 = arith.constant 96 : index
        %get3A_927 = tpu.vector_load %arg7[%get3A_925, %get3A_926] {strides = array<i32>} : memref<128x128xf32, #tpu.memory_space<vmem>>, vector<16xf32>,
        %bitcast3A_928 = vector.bitcast %get3A_927 : vector<16xf32> to vector<32xbf16>
        %add3A_929 = arith.constant 13 : i32
        %add3A_930 = arith.addi %mul3A_163, %add3A_929 : i32
        %get3A_931 = arith.index_cast %add3A_930 : i32 to index
        %get3A_932 = arith.constant 96 : index
        %get3A_933 = tpu.vector_load %arg7[%get3A_931, %get3A_932] {strides = array<i32>} : memref<128x128xf32, #tpu.memory_space<vmem>>, vector<16xf32>,
        %bitcast3A_934 = vector.bitcast %get3A_933 : vector<16xf32> to vector<32xbf16>
        %add3A_935 = arith.constant 14 : i32
        %add3A_936 = arith.addi %mul3A_163, %add3A_935 : i32
        %get3A_937 = arith.index_cast %add3A_936 : i32 to index
        %get3A_938 = arith.constant 96 : index
        %get3A_939 = tpu.vector_load %arg7[%get3A_937, %get3A_938] {strides = array<i32>} : memref<128x128xf32, #tpu.memory_space<vmem>>, vector<16xf32>,
        %bitcast3A_940 = vector.bitcast %get3A_939 : vector<16xf32> to vector<32xbf16>
        %add3A_941 = arith.constant 15 : i32
        %add3A_942 = arith.addi %mul3A_163, %add3A_941 : i32
        %get3A_943 = arith.index_cast %add3A_942 : i32 to index
        %get3A_944 = arith.constant 96 : index
        %get3A_945 = tpu.vector_load %arg7[%get3A_943, %get3A_944] {strides = array<i32>} : memref<128x128xf32, #tpu.memory_space<vmem>>, vector<16xf32>,
        %bitcast3A_946 = vector.bitcast %get3A_945 : vector<16xf32> to vector<32xbf16>
        %add3A_947 = arith.addf %bitcast3A_856, %bitcast3A_862 : vector<32xbf16>
        %add3A_948 = arith.addf %bitcast3A_868, %bitcast3A_874 : vector<32xbf16>
        %add3A_949 = arith.addf %bitcast3A_880, %bitcast3A_886 : vector<32xbf16>
        %add3A_950 = arith.addf %bitcast3A_892, %bitcast3A_898 : vector<32xbf16>
        %add3A_951 = arith.addf %bitcast3A_904, %bitcast3A_910 : vector<32xbf16>
        %add3A_952 = arith.addf %bitcast3A_916, %bitcast3A_922 : vector<32xbf16>
        %add3A_953 = arith.addf %bitcast3A_928, %bitcast3A_934 : vector<32xbf16>
        %add3A_954 = arith.addf %bitcast3A_940, %bitcast3A_946 : vector<32xbf16>
        %add3A_955 = arith.addf %add3A_947, %add3A_948 : vector<32xbf16>
        %add3A_956 = arith.addf %add3A_949, %add3A_950 : vector<32xbf16>
        %add3A_957 = arith.addf %add3A_951, %add3A_952 : vector<32xbf16>
        %add3A_958 = arith.addf %add3A_953, %add3A_954 : vector<32xbf16>
        %add3A_959 = arith.addf %add3A_955, %add3A_956 : vector<32xbf16>
        %add3A_960 = arith.addf %add3A_957, %add3A_958 : vector<32xbf16>
        %add3A_961 = arith.addf %add3A_959, %add3A_960 : vector<32xbf16>
        %bitcast3A_962 = vector.bitcast %add3A_961 : vector<32xbf16> to vector<16xf32>
        %swap3A_963 = arith.index_cast %scan3A_160 : i32 to index
        %swap3A_964 = arith.constant 96 : index
        %swap3A_965 = tpu.vector_load %arg9[%swap3A_963, %swap3A_964] {strides = array<i32>} : memref<8x128xf32, #tpu.memory_space<vmem>>, vector<16xf32>,
        tpu.vector_store %arg9[%swap3A_963, %swap3A_964], %bitcast3A_962 {strides = array<i32>} : memref<8x128xf32, #tpu.memory_space<vmem>>, vector<16xf32>,
        %add3A_966 = arith.constant 0 : i32
        %add3A_967 = arith.addi %mul3A_163, %add3A_966 : i32
        %get3A_968 = arith.index_cast %add3A_967 : i32 to index
        %get3A_969 = arith.constant 112 : index
        %get3A_970 = tpu.vector_load %arg7[%get3A_968, %get3A_969] {strides = array<i32>} : memref<128x128xf32, #tpu.memory_space<vmem>>, vector<16xf32>,
        %bitcast3A_971 = vector.bitcast %get3A_970 : vector<16xf32> to vector<32xbf16>
        %add3A_972 = arith.constant 1 : i32
        %add3A_973 = arith.addi %mul3A_163, %add3A_972 : i32
        %get3A_974 = arith.index_cast %add3A_973 : i32 to index
        %get3A_975 = arith.constant 112 : index
        %get3A_976 = tpu.vector_load %arg7[%get3A_974, %get3A_975] {strides = array<i32>} : memref<128x128xf32, #tpu.memory_space<vmem>>, vector<16xf32>,
        %bitcast3A_977 = vector.bitcast %get3A_976 : vector<16xf32> to vector<32xbf16>
        %add3A_978 = arith.constant 2 : i32
        %add3A_979 = arith.addi %mul3A_163, %add3A_978 : i32
        %get3A_980 = arith.index_cast %add3A_979 : i32 to index
        %get3A_981 = arith.constant 112 : index
        %get3A_982 = tpu.vector_load %arg7[%get3A_980, %get3A_981] {strides = array<i32>} : memref<128x128xf32, #tpu.memory_space<vmem>>, vector<16xf32>,
        %bitcast3A_983 = vector.bitcast %get3A_982 : vector<16xf32> to vector<32xbf16>
        %add3A_984 = arith.constant 3 : i32
        %add3A_985 = arith.addi %mul3A_163, %add3A_984 : i32
        %get3A_986 = arith.index_cast %add3A_985 : i32 to index
        %get3A_987 = arith.constant 112 : index
        %get3A_988 = tpu.vector_load %arg7[%get3A_986, %get3A_987] {strides = array<i32>} : memref<128x128xf32, #tpu.memory_space<vmem>>, vector<16xf32>,
        %bitcast3A_989 = vector.bitcast %get3A_988 : vector<16xf32> to vector<32xbf16>
        %add3A_990 = arith.constant 4 : i32
        %add3A_991 = arith.addi %mul3A_163, %add3A_990 : i32
        %get3A_992 = arith.index_cast %add3A_991 : i32 to index
        %get3A_993 = arith.constant 112 : index
        %get3A_994 = tpu.vector_load %arg7[%get3A_992, %get3A_993] {strides = array<i32>} : memref<128x128xf32, #tpu.memory_space<vmem>>, vector<16xf32>,
        %bitcast3A_995 = vector.bitcast %get3A_994 : vector<16xf32> to vector<32xbf16>
        %add3A_996 = arith.constant 5 : i32
        %add3A_997 = arith.addi %mul3A_163, %add3A_996 : i32
        %get3A_998 = arith.index_cast %add3A_997 : i32 to index
        %get3A_999 = arith.constant 112 : index
        %get3A_1000 = tpu.vector_load %arg7[%get3A_998, %get3A_999] {strides = array<i32>} : memref<128x128xf32, #tpu.memory_space<vmem>>, vector<16xf32>,
        %bitcast3A_1001 = vector.bitcast %get3A_1000 : vector<16xf32> to vector<32xbf16>
        %add3A_1002 = arith.constant 6 : i32
        %add3A_1003 = arith.addi %mul3A_163, %add3A_1002 : i32
        %get3A_1004 = arith.index_cast %add3A_1003 : i32 to index
        %get3A_1005 = arith.constant 112 : index
        %get3A_1006 = tpu.vector_load %arg7[%get3A_1004, %get3A_1005] {strides = array<i32>} : memref<128x128xf32, #tpu.memory_space<vmem>>, vector<16xf32>,
        %bitcast3A_1007 = vector.bitcast %get3A_1006 : vector<16xf32> to vector<32xbf16>
        %add3A_1008 = arith.constant 7 : i32
        %add3A_1009 = arith.addi %mul3A_163, %add3A_1008 : i32
        %get3A_1010 = arith.index_cast %add3A_1009 : i32 to index
        %get3A_1011 = arith.constant 112 : index
        %get3A_1012 = tpu.vector_load %arg7[%get3A_1010, %get3A_1011] {strides = array<i32>} : memref<128x128xf32, #tpu.memory_space<vmem>>, vector<16xf32>,
        %bitcast3A_1013 = vector.bitcast %get3A_1012 : vector<16xf32> to vector<32xbf16>
        %add3A_1014 = arith.constant 8 : i32
        %add3A_1015 = arith.addi %mul3A_163, %add3A_1014 : i32
        %get3A_1016 = arith.index_cast %add3A_1015 : i32 to index
        %get3A_1017 = arith.constant 112 : index
        %get3A_1018 = tpu.vector_load %arg7[%get3A_1016, %get3A_1017] {strides = array<i32>} : memref<128x128xf32, #tpu.memory_space<vmem>>, vector<16xf32>,
        %bitcast3A_1019 = vector.bitcast %get3A_1018 : vector<16xf32> to vector<32xbf16>
        %add3A_1020 = arith.constant 9 : i32
        %add3A_1021 = arith.addi %mul3A_163, %add3A_1020 : i32
        %get3A_1022 = arith.index_cast %add3A_1021 : i32 to index
        %get3A_1023 = arith.constant 112 : index
        %get3A_1024 = tpu.vector_load %arg7[%get3A_1022, %get3A_1023] {strides = array<i32>} : memref<128x128xf32, #tpu.memory_space<vmem>>, vector<16xf32>,
        %bitcast3A_1025 = vector.bitcast %get3A_1024 : vector<16xf32> to vector<32xbf16>
        %add3A_1026 = arith.constant 10 : i32
        %add3A_1027 = arith.addi %mul3A_163, %add3A_1026 : i32
        %get3A_1028 = arith.index_cast %add3A_1027 : i32 to index
        %get3A_1029 = arith.constant 112 : index
        %get3A_1030 = tpu.vector_load %arg7[%get3A_1028, %get3A_1029] {strides = array<i32>} : memref<128x128xf32, #tpu.memory_space<vmem>>, vector<16xf32>,
        %bitcast3A_1031 = vector.bitcast %get3A_1030 : vector<16xf32> to vector<32xbf16>
        %add3A_1032 = arith.constant 11 : i32
        %add3A_1033 = arith.addi %mul3A_163, %add3A_1032 : i32
        %get3A_1034 = arith.index_cast %add3A_1033 : i32 to index
        %get3A_1035 = arith.constant 112 : index
        %get3A_1036 = tpu.vector_load %arg7[%get3A_1034, %get3A_1035] {strides = array<i32>} : memref<128x128xf32, #tpu.memory_space<vmem>>, vector<16xf32>,
        %bitcast3A_1037 = vector.bitcast %get3A_1036 : vector<16xf32> to vector<32xbf16>
        %add3A_1038 = arith.constant 12 : i32
        %add3A_1039 = arith.addi %mul3A_163, %add3A_1038 : i32
        %get3A_1040 = arith.index_cast %add3A_1039 : i32 to index
        %get3A_1041 = arith.constant 112 : index
        %get3A_1042 = tpu.vector_load %arg7[%get3A_1040, %get3A_1041] {strides = array<i32>} : memref<128x128xf32, #tpu.memory_space<vmem>>, vector<16xf32>,
        %bitcast3A_1043 = vector.bitcast %get3A_1042 : vector<16xf32> to vector<32xbf16>
        %add3A_1044 = arith.constant 13 : i32
        %add3A_1045 = arith.addi %mul3A_163, %add3A_1044 : i32
        %get3A_1046 = arith.index_cast %add3A_1045 : i32 to index
        %get3A_1047 = arith.constant 112 : index
        %get3A_1048 = tpu.vector_load %arg7[%get3A_1046, %get3A_1047] {strides = array<i32>} : memref<128x128xf32, #tpu.memory_space<vmem>>, vector<16xf32>,
        %bitcast3A_1049 = vector.bitcast %get3A_1048 : vector<16xf32> to vector<32xbf16>
        %add3A_1050 = arith.constant 14 : i32
        %add3A_1051 = arith.addi %mul3A_163, %add3A_1050 : i32
        %get3A_1052 = arith.index_cast %add3A_1051 : i32 to index
        %get3A_1053 = arith.constant 112 : index
        %get3A_1054 = tpu.vector_load %arg7[%get3A_1052, %get3A_1053] {strides = array<i32>} : memref<128x128xf32, #tpu.memory_space<vmem>>, vector<16xf32>,
        %bitcast3A_1055 = vector.bitcast %get3A_1054 : vector<16xf32> to vector<32xbf16>
        %add3A_1056 = arith.constant 15 : i32
        %add3A_1057 = arith.addi %mul3A_163, %add3A_1056 : i32
        %get3A_1058 = arith.index_cast %add3A_1057 : i32 to index
        %get3A_1059 = arith.constant 112 : index
        %get3A_1060 = tpu.vector_load %arg7[%get3A_1058, %get3A_1059] {strides = array<i32>} : memref<128x128xf32, #tpu.memory_space<vmem>>, vector<16xf32>,
        %bitcast3A_1061 = vector.bitcast %get3A_1060 : vector<16xf32> to vector<32xbf16>
        %add3A_1062 = arith.addf %bitcast3A_971, %bitcast3A_977 : vector<32xbf16>
        %add3A_1063 = arith.addf %bitcast3A_983, %bitcast3A_989 : vector<32xbf16>
        %add3A_1064 = arith.addf %bitcast3A_995, %bitcast3A_1001 : vector<32xbf16>
        %add3A_1065 = arith.addf %bitcast3A_1007, %bitcast3A_1013 : vector<32xbf16>
        %add3A_1066 = arith.addf %bitcast3A_1019, %bitcast3A_1025 : vector<32xbf16>
        %add3A_1067 = arith.addf %bitcast3A_1031, %bitcast3A_1037 : vector<32xbf16>
        %add3A_1068 = arith.addf %bitcast3A_1043, %bitcast3A_1049 : vector<32xbf16>
        %add3A_1069 = arith.addf %bitcast3A_1055, %bitcast3A_1061 : vector<32xbf16>
        %add3A_1070 = arith.addf %add3A_1062, %add3A_1063 : vector<32xbf16>
        %add3A_1071 = arith.addf %add3A_1064, %add3A_1065 : vector<32xbf16>
        %add3A_1072 = arith.addf %add3A_1066, %add3A_1067 : vector<32xbf16>
        %add3A_1073 = arith.addf %add3A_1068, %add3A_1069 : vector<32xbf16>
        %add3A_1074 = arith.addf %add3A_1070, %add3A_1071 : vector<32xbf16>
        %add3A_1075 = arith.addf %add3A_1072, %add3A_1073 : vector<32xbf16>
        %add3A_1076 = arith.addf %add3A_1074, %add3A_1075 : vector<32xbf16>
        %bitcast3A_1077 = vector.bitcast %add3A_1076 : vector<32xbf16> to vector<16xf32>
        %swap3A_1078 = arith.index_cast %scan3A_160 : i32 to index
        %swap3A_1079 = arith.constant 112 : index
        %swap3A_1080 = tpu.vector_load %arg9[%swap3A_1078, %swap3A_1079] {strides = array<i32>} : memref<8x128xf32, #tpu.memory_space<vmem>>, vector<16xf32>,
        tpu.vector_store %arg9[%swap3A_1078, %swap3A_1079], %bitcast3A_1077 {strides = array<i32>} : memref<8x128xf32, #tpu.memory_space<vmem>>, vector<16xf32>,
        %scan3A_1081 = arith.constant 0 : i32
        scf.yield %scan3A_1081 : i32
      }
      %scan3A_149 = arith.constant 8 : i32
      %add3A_150 = arith.constant 1 : i32
      %add3A_151 = arith.addi %mul3A_92, %add3A_150 : i32
      %add3A_152 = arith.addi %select_n3A, %add3A_151 : i32
      %mul3A_153 = arith.constant 8 : i32
      %mul3A_154 = arith.muli %add3A_152, %mul3A_153 : i32
      %dma_start3A_155 = arith.constant 0 : i32
      %dma_start3A_156 = tpu.memref_slice %arg4[%mul3A_154, %dma_start3A_155] : memref<10000x128xf32, #tpu.memory_space<hbm>> -> memref<8x128xf32, #tpu.memory_space<hbm>>
      %dma_start3A_157 = arith.constant 0 : i32
      %dma_start3A_158 = tpu.memref_slice %arg4[%mul3A_154, %dma_start3A_157] : memref<10000x128xf32, #tpu.memory_space<hbm>> -> memref<8x128xf32, #tpu.memory_space<hbm>>
      tpu.enqueue_dma source(%arg9 : memref<8x128xf32, #tpu.memory_space<vmem>>) target(%dma_start3A_158 : memref<8x128xf32, #tpu.memory_space<hbm>>) target_semaphore(%arg14 : memref<!tpu.dma_semaphore, #tpu.memory_space<semaphore_mem>>)
      %scan3A_159 = arith.constant 0 : i32
      scf.yield %scan3A_159 : i32
    }
    %scan3A_72 = arith.constant 20 : i32
    %add3A_73 = arith.constant 38 : i32
    %add3A_74 = arith.addi %select_n3A, %add3A_73 : i32
    %mul3A_75 = arith.constant 8 : i32
    %mul3A_76 = arith.muli %add3A_74, %mul3A_75 : i32
    %dma_wait3A_77 = arith.constant 0 : i32
    %dma_wait3A_78 = tpu.memref_slice %arg4[%mul3A_76, %dma_wait3A_77] : memref<10000x128xf32, #tpu.memory_space<hbm>> -> memref<8x128xf32, #tpu.memory_space<hbm>>
    %dma_wait3A_79 = arith.constant 0 : i32
    %dma_wait3A_80 = tpu.memref_slice %arg4[%mul3A_76, %dma_wait3A_79] : memref<10000x128xf32, #tpu.memory_space<hbm>> -> memref<8x128xf32, #tpu.memory_space<hbm>>
    tpu.wait_dma2 semaphore(%arg13 : memref<!tpu.dma_semaphore, #tpu.memory_space<semaphore_mem>>) src(%arg8 : memref<8x128xf32, #tpu.memory_space<vmem>>) dst(%dma_wait3A_80 : memref<8x128xf32, #tpu.memory_space<hbm>>)
    %add3A_81 = arith.constant 39 : i32
    %add3A_82 = arith.addi %select_n3A, %add3A_81 : i32
    %mul3A_83 = arith.constant 8 : i32
    %mul3A_84 = arith.muli %add3A_82, %mul3A_83 : i32
    %dma_wait3A_85 = arith.constant 0 : i32
    %dma_wait3A_86 = tpu.memref_slice %arg4[%mul3A_84, %dma_wait3A_85] : memref<10000x128xf32, #tpu.memory_space<hbm>> -> memref<8x128xf32, #tpu.memory_space<hbm>>
    %dma_wait3A_87 = arith.constant 0 : i32
    %dma_wait3A_88 = tpu.memref_slice %arg4[%mul3A_84, %dma_wait3A_87] : memref<10000x128xf32, #tpu.memory_space<hbm>> -> memref<8x128xf32, #tpu.memory_space<hbm>>
    tpu.wait_dma2 semaphore(%arg14 : memref<!tpu.dma_semaphore, #tpu.memory_space<semaphore_mem>>) src(%arg9 : memref<8x128xf32, #tpu.memory_space<vmem>>) dst(%dma_wait3A_88 : memref<8x128xf32, #tpu.memory_space<hbm>>)
    return
  }
}

module attributes {stable_mosaic.version = 14 : i64} {
  func.func @_tc_transpose_body(%arg0: i32, %arg1: memref<1x256x5000xf32, #tpu.memory_space<vmem>>, %arg2: memref<5000x128xf32, #tpu.memory_space<vmem>>) attributes {dimension_semantics = [#tpu.dimension_semantics<parallel>], iteration_bounds = array<i64: 2>, scalar_prefetch = 0 : i64, scratch_operands = 0 : i64, tpu.core_type = #tpu.core_type<tc>, window_params = [{transform_indices = @transform_0, window_bounds = array<i64: 1, 256, 5000>}, {transform_indices = @transform_1, window_bounds = array<i64: 5000, 128>}]} {
    %get3A = arith.constant 0 : index
    %get3A_0 = arith.constant 0 : index
    %get3A_1 = arith.constant 0 : index
    %get3A_2 = vector.load %arg1[%get3A, %get3A_0, %get3A_1] : memref<1x256x5000xf32, #tpu.memory_space<vmem>>, vector<1x256x5000xf32>
    %get3A_3 = vector.shape_cast %get3A_2 : vector<1x256x5000xf32> to vector<256x5000xf32>
    %convert_element_type3A = arith.truncf %get3A_3 : vector<256x5000xf32> to vector<256x5000xbf16>
    %bitcast3A = tpu.bitcast %convert_element_type3A : vector<256x5000xbf16> -> vector<128x5000xf32>
    %transpose3A = tpu.transpose %bitcast3A, [1, 0] : vector<128x5000xf32> -> vector<5000x128xf32>
    %swap3A = arith.constant 0 : index
    %swap3A_4 = arith.constant 0 : index
    %swap3A_5 = vector.load %arg2[%swap3A, %swap3A_4] : memref<5000x128xf32, #tpu.memory_space<vmem>>, vector<5000x128xf32>
    tpu.vector_store %arg2[%swap3A, %swap3A_4], %transpose3A {strides = array<i32>} : memref<5000x128xf32, #tpu.memory_space<vmem>>, vector<5000x128xf32>,
    return
  }
  func.func @transform_0(%arg0: i32) -> (i32, i32, i32) {
    %c0_i32 = arith.constant 0 : i32
    %c0_i32_0 = arith.constant 0 : i32
    %c0_i32_1 = arith.constant 0 : i32
    return %arg0, %c0_i32, %c0_i32_0 : i32, i32, i32
  }
  func.func @transform_1(%arg0: i32) -> (i32, i32) {
    %c0_i32 = arith.constant 0 : i32
    %c0_i32_0 = arith.constant 0 : i32
    return %arg0, %c0_i32 : i32, i32
  }
}

module attributes {stable_mosaic.version = 14 : i64} {
  func.func @_tc_combine_body(%arg0: i32, %arg1: memref<5000x128xf32, #tpu.memory_space<vmem>>, %arg2: memref<5000x128xf32, #tpu.memory_space<vmem>>, %arg3: memref<5000x256xf32, #tpu.memory_space<vmem>>, %arg4: memref<256x256xbf16, #tpu.memory_space<vmem>>, %arg5: memref<256x256xbf16, #tpu.memory_space<vmem>>, %arg6: memref<3x256xf32, #tpu.memory_space<vmem>>, %arg7: memref<1x256x5000xf32, #tpu.memory_space<vmem>>) attributes {dimension_semantics = [#tpu.dimension_semantics<parallel>], iteration_bounds = array<i64: 2>, scalar_prefetch = 0 : i64, scratch_operands = 0 : i64, tpu.core_type = #tpu.core_type<tc>, window_params = [{transform_indices = @transform_0, window_bounds = array<i64: 5000, 128>}, {transform_indices = @transform_1, window_bounds = array<i64: 5000, 128>}, {transform_indices = @transform_2, window_bounds = array<i64: 5000, 256>}, {pipeline_mode = #tpu.pipeline_mode<synchronous>, transform_indices = @transform_3, window_bounds = array<i64: 256, 256>}, {pipeline_mode = #tpu.pipeline_mode<synchronous>, transform_indices = @transform_4, window_bounds = array<i64: 256, 256>}, {pipeline_mode = #tpu.pipeline_mode<synchronous>, transform_indices = @transform_5, window_bounds = array<i64: 3, 256>}, {transform_indices = @transform_6, window_bounds = array<i64: 1, 256, 5000>}]} {
    %get3A = arith.constant 0 : index
    %get3A_0 = arith.constant 0 : index
    %get3A_1 = vector.load %arg1[%get3A, %get3A_0] : memref<5000x128xf32, #tpu.memory_space<vmem>>, vector<5000x128xf32>
    %transpose3A = tpu.transpose %get3A_1, [1, 0] : vector<5000x128xf32> -> vector<128x5000xf32>
    %bitcast3A = tpu.bitcast %transpose3A : vector<128x5000xf32> -> vector<256x5000xbf16>
    %convert_element_type3A = arith.extf %bitcast3A : vector<256x5000xbf16> to vector<256x5000xf32>
    %get3A_2 = arith.constant 0 : index
    %get3A_3 = arith.constant 0 : index
    %get3A_4 = vector.load %arg2[%get3A_2, %get3A_3] : memref<5000x128xf32, #tpu.memory_space<vmem>>, vector<5000x128xf32>
    %transpose3A_5 = tpu.transpose %get3A_4, [1, 0] : vector<5000x128xf32> -> vector<128x5000xf32>
    %bitcast3A_6 = tpu.bitcast %transpose3A_5 : vector<128x5000xf32> -> vector<256x5000xbf16>
    %convert_element_type3A_7 = arith.extf %bitcast3A_6 : vector<256x5000xbf16> to vector<256x5000xf32>
    %add3A = arith.addf %convert_element_type3A, %convert_element_type3A_7 : vector<256x5000xf32>
    %mul3A = arith.constant 0.793995261 : f32
    %mul3A_8 = vector.broadcast %mul3A : f32 to vector<256x5000xf32>
    %mul3A_9 = arith.mulf %add3A, %mul3A_8 : vector<256x5000xf32>
    %get3A_10 = arith.constant 0 : index
    %get3A_11 = arith.constant 0 : index
    %get3A_12 = vector.load %arg4[%get3A_10, %get3A_11] : memref<256x256xbf16, #tpu.memory_space<vmem>>, vector<256x256xbf16>
    %convert_element_type3A_13 = arith.truncf %add3A : vector<256x5000xf32> to vector<256x5000xbf16>
    %dot_general3A = arith.constant dense<0.000000e+00> : vector<256x5000xf32>
    %dot_general3A_14 = tpu.matmul %get3A_12, %convert_element_type3A_13, %dot_general3A {dimension_numbers = #tpu.dot_dimension_numbers<[1], [0], [0], [1], [0, 0, 1, 1], [], []>, transpose_lhs_hint = false} : vector<256x256xbf16>, vector<256x5000xbf16>, vector<256x5000xf32> -> vector<256x5000xf32>
    %add3A_15 = arith.addf %mul3A_9, %dot_general3A_14 : vector<256x5000xf32>
    %get3A_16 = arith.constant 0 : index
    %get3A_17 = arith.constant 0 : index
    %get3A_18 = vector.load %arg5[%get3A_16, %get3A_17] : memref<256x256xbf16, #tpu.memory_space<vmem>>, vector<256x256xbf16>
    %get3A_19 = arith.constant 0 : index
    %get3A_20 = arith.constant 0 : index
    %get3A_21 = vector.load %arg3[%get3A_19, %get3A_20] : memref<5000x256xf32, #tpu.memory_space<vmem>>, vector<5000x256xf32>
    %convert_element_type3A_22 = arith.truncf %get3A_21 : vector<5000x256xf32> to vector<5000x256xbf16>
    %dot_general3A_23 = arith.constant dense<0.000000e+00> : vector<256x5000xf32>
    %dot_general3A_24 = tpu.matmul %get3A_18, %convert_element_type3A_22, %dot_general3A_23 {dimension_numbers = #tpu.dot_dimension_numbers<[1], [1], [0], [0], [0, 0, 1, 0], [], []>, transpose_lhs_hint = false} : vector<256x256xbf16>, vector<5000x256xbf16>, vector<256x5000xf32> -> vector<256x5000xf32>
    %add3A_25 = arith.addf %add3A_15, %dot_general3A_24 : vector<256x5000xf32>
    %get3A_26 = arith.constant 0 : index
    %get3A_27 = arith.constant 0 : index
    %get3A_28 = vector.load %arg6[%get3A_26, %get3A_27] : memref<3x256xf32, #tpu.memory_space<vmem>>, vector<1x256xf32>
    %transpose3A_29 = tpu.transpose %get3A_28, [1, 0] : vector<1x256xf32> -> vector<256x1xf32>
    %add3A_30 = vector.broadcast %transpose3A_29 : vector<256x1xf32> to vector<256x5000xf32>
    %add3A_31 = arith.addf %add3A_25, %add3A_30 : vector<256x5000xf32>
    %max3A = arith.constant 0.000000e+00 : f32
    %max3A_32 = vector.broadcast %max3A : f32 to vector<256x5000xf32>
    %max3A_33 = arith.maximumf %add3A_31, %max3A_32 : vector<256x5000xf32>
    %reduce_sum3A = arith.constant dense<0.000000e+00> : vector<5000xf32>
    %reduce_sum3A_34 = vector.multi_reduction <add>, %max3A_33, %reduce_sum3A [0] : vector<256x5000xf32> to vector<5000xf32>
    %broadcast_in_dim3A = vector.shape_cast %reduce_sum3A_34 : vector<5000xf32> to vector<1x5000xf32>
    %div3A = arith.constant 2.560000e+02 : f32
    %div3A_35 = vector.broadcast %div3A : f32 to vector<1x5000xf32>
    %div3A_36 = arith.divf %broadcast_in_dim3A, %div3A_35 : vector<1x5000xf32>
    %sub3A = vector.broadcast %div3A_36 : vector<1x5000xf32> to vector<256x5000xf32>
    %sub3A_37 = arith.subf %max3A_33, %sub3A : vector<256x5000xf32>
    %mul3A_38 = arith.mulf %sub3A_37, %sub3A_37 : vector<256x5000xf32>
    %reduce_sum3A_39 = arith.constant dense<0.000000e+00> : vector<5000xf32>
    %reduce_sum3A_40 = vector.multi_reduction <add>, %mul3A_38, %reduce_sum3A_39 [0] : vector<256x5000xf32> to vector<5000xf32>
    %broadcast_in_dim3A_41 = vector.shape_cast %reduce_sum3A_40 : vector<5000xf32> to vector<1x5000xf32>
    %div3A_42 = arith.constant 2.560000e+02 : f32
    %div3A_43 = vector.broadcast %div3A_42 : f32 to vector<1x5000xf32>
    %div3A_44 = arith.divf %broadcast_in_dim3A_41, %div3A_43 : vector<1x5000xf32>
    %add3A_45 = arith.constant 9.99999974E-6 : f32
    %add3A_46 = vector.broadcast %add3A_45 : f32 to vector<1x5000xf32>
    %add3A_47 = arith.addf %div3A_44, %add3A_46 : vector<1x5000xf32>
    %rsqrt3A = math.rsqrt %add3A_47 : vector<1x5000xf32>
    %mul3A_48 = vector.broadcast %rsqrt3A : vector<1x5000xf32> to vector<256x5000xf32>
    %mul3A_49 = arith.mulf %sub3A_37, %mul3A_48 : vector<256x5000xf32>
    %get3A_50 = arith.constant 1 : index
    %get3A_51 = arith.constant 0 : index
    %get3A_52 = vector.load %arg6[%get3A_50, %get3A_51] : memref<3x256xf32, #tpu.memory_space<vmem>>, vector<1x256xf32>
    %transpose3A_53 = tpu.transpose %get3A_52, [1, 0] : vector<1x256xf32> -> vector<256x1xf32>
    %mul3A_54 = vector.broadcast %transpose3A_53 : vector<256x1xf32> to vector<256x5000xf32>
    %mul3A_55 = arith.mulf %mul3A_49, %mul3A_54 : vector<256x5000xf32>
    %get3A_56 = arith.constant 2 : index
    %get3A_57 = arith.constant 0 : index
    %get3A_58 = vector.load %arg6[%get3A_56, %get3A_57] : memref<3x256xf32, #tpu.memory_space<vmem>>, vector<1x256xf32>
    %transpose3A_59 = tpu.transpose %get3A_58, [1, 0] : vector<1x256xf32> -> vector<256x1xf32>
    %add3A_60 = vector.broadcast %transpose3A_59 : vector<256x1xf32> to vector<256x5000xf32>
    %add3A_61 = arith.addf %mul3A_55, %add3A_60 : vector<256x5000xf32>
    %swap3A = arith.constant 0 : index
    %swap3A_62 = arith.constant 0 : index
    %swap3A_63 = arith.constant 0 : index
    %swap3A_64 = vector.load %arg7[%swap3A, %swap3A_62, %swap3A_63] : memref<1x256x5000xf32, #tpu.memory_space<vmem>>, vector<1x256x5000xf32>
    %swap3A_65 = vector.shape_cast %swap3A_64 : vector<1x256x5000xf32> to vector<256x5000xf32>
    %swap3A_66 = vector.shape_cast %add3A_61 : vector<256x5000xf32> to vector<1x256x5000xf32>
    tpu.vector_store %arg7[%swap3A, %swap3A_62, %swap3A_63], %swap3A_66 {strides = array<i32>} : memref<1x256x5000xf32, #tpu.memory_space<vmem>>, vector<1x256x5000xf32>,
    return
  }
  func.func @transform_0(%arg0: i32) -> (i32, i32) {
    %c0_i32 = arith.constant 0 : i32
    %c0_i32_0 = arith.constant 0 : i32
    return %arg0, %c0_i32 : i32, i32
  }
  func.func @transform_1(%arg0: i32) -> (i32, i32) {
    %c0_i32 = arith.constant 0 : i32
    %c0_i32_0 = arith.constant 0 : i32
    return %arg0, %c0_i32 : i32, i32
  }
  func.func @transform_2(%arg0: i32) -> (i32, i32) {
    %c0_i32 = arith.constant 0 : i32
    %c0_i32_0 = arith.constant 0 : i32
    return %arg0, %c0_i32 : i32, i32
  }
  func.func @transform_3(%arg0: i32) -> (i32, i32) {
    %c0_i32 = arith.constant 0 : i32
    %c0_i32_0 = arith.constant 0 : i32
    %c0_i32_1 = arith.constant 0 : i32
    return %c0_i32, %c0_i32_0 : i32, i32
  }
  func.func @transform_4(%arg0: i32) -> (i32, i32) {
    %c0_i32 = arith.constant 0 : i32
    %c0_i32_0 = arith.constant 0 : i32
    %c0_i32_1 = arith.constant 0 : i32
    return %c0_i32, %c0_i32_0 : i32, i32
  }
  func.func @transform_5(%arg0: i32) -> (i32, i32) {
    %c0_i32 = arith.constant 0 : i32
    %c0_i32_0 = arith.constant 0 : i32
    %c0_i32_1 = arith.constant 0 : i32
    return %c0_i32, %c0_i32_0 : i32, i32
  }
  func.func @transform_6(%arg0: i32) -> (i32, i32, i32) {
    %c0_i32 = arith.constant 0 : i32
    %c0_i32_0 = arith.constant 0 : i32
    %c0_i32_1 = arith.constant 0 : i32
    return %arg0, %c0_i32, %c0_i32_0 : i32, i32, i32
  }
}

</mosaic_0001>

<sc_bundles>
// kernel: kernel.5.cloned.1.call-start
scs
__scs_entry_jumppad:
0x0: {  	(pc) =	sbr.rel $0x88, $3  }
0x1: {  	(tag) =	ssettag $0x0;
	lr =	simm.s32 $0x1  }
0x2: {  	[smem:$0x3F99] =	sst lr;
	_ =	strace $0xD0000000  }
0x3: {  	_ = 	snop  }
0x4: {  	_ = 	snop  }
0x5: {  	_ = 	snop  }
0x6: {  	_ = 	snop  }
0x7: {  	_ = 	snop  }
__scs_overlays_trampoline_lowered:
0x8: {  	[smem:$0x3FA8] =	sst s0  }
0x9: {  	[smem:$0x3FA9] =	sst s1  }
0xa: {  	[smem:$0x3FAA] =	sst s2  }
0xb: {  	[smem:$0x3FAB] =	sst s3  }
0xc: {  	[smem:$0x3FAC] =	sst s4  }
0xd: {  	[smem:$0x3FAD] =	sst s5  }
0xe: {  	[smem:$0x3FAE] =	sst s6  }
0xf: {  	[smem:$0x3FAF] =	sst s7  }
0x10: {  	[smem:$0x3FB0] =	sst s8  }
0x11: {  	[smem:$0x3FB1] =	sst s9;
	s0 =	simm.s32 @!p0 $0x0  }
0x12: {  	s1 =	sld [smem:$0x3F97];
	s0 =	simm.s32 @p0 $0x1  }
0x13: {  	[smem:$0x3FB2] =	sst s0;
	s0 =	simm.s32 @!p1 $0x0  }
0x14: {  	s2 =	sld [smem:$0x3F96];
	s0 =	simm.s32 @p1 $0x1  }
0x15: {  	[smem:$0x3FB3] =	sst s0;
	s0 =	simm.s32 @!p2 $0x0  }
0x16: {  	s3 =	sld [smem:$0x3FDB];
	s0 =	simm.s32 @p2 $0x1  }
0x17: {  	s4 =	simm.s32 $0x1BF5;
	[smem:$0x3FB5] =	sst s0  }
0x18: {  	s0 =	sld [smem:$0x3F98];
	_ =	swait.ge [sflag:s4], $0x0  }
0x19: {  	s7 =	sld [smem:$0x3F99]  }
0x1a: {  	s8 =	sadd.s32 $0xFFFFE003, lr  }
0x1b: {  	s9 =	sadd.s32 $0xFFFFFEF7, lr;
	s5 =	simm.s32 $0xFFFFFFFF;
	p2 =	slt.u32 s8, $0xFFFFF086  }
0x1c: {  	p1 =	slt.u32 s9, $0xF7A;
	s5 =	simm.s32 @!p2 $0x0  }
0x1d: {  	s5 =	simm.s32 @p1 $0x1;
	p0 =	seq.s32 s7, s2  }
0x1e: {  	s7 =	smul.u32 @!p0 $0xF7A, s2;
	p2 =	seq.s32 @!p0 s5, $0x0  }
0x1f: {  	s9 =	smul.u32 $0xF7A, s1;
	s8 =	simm.s32 @!p0 $0x1BF5;
	p2 =	por !p2, p0  }
0x20: {  	[sflag:s8] =	ssyncset.s32 @!p0 $0xFFFFF086;
	s6 =	sadd.s32 @!p0 s3, s7;
	s7 =	simm.s32 @!p0 $0x108  }
0x21: {  	s3 =	sadd.s32 s3, s9;
	s6 =	sadd.s32 @!p0 $0x88, s6;
	s7 =	simm.s32 @p2 $0x1082  }
0x22: {  	[simem:s7], [sflag:s8] =	dma.local @!p0 [hbm:s6], $0xF7A  }
0x23: {  	s9 =	sor.u32 $0xD0000000, s2;
	s6 =	simm.s32 $0x108;
	_ =	swait.ge @!p0 [sflag:s8], $0x0  }
0x24: {  	s3 =	sadd.s32 $0x88, s3;
	s6 =	simm.s32 @!p1 $0x1082;
	[sflag:s4] =	ssyncset.s32 $0xFFFFF086  }
0x25: {  	[simem:s6], [sflag:s4] =	dma.local [hbm:s3], $0xF7A  }
0x26: {  	[smem:$0x3F99] =	sst s1;
	(tag) =	ssettag s2;
	_ =	strace s9  }
0x27: {  	s1 =	sld [smem:$0x3FA9]  }
0x28: {  	s2 =	sld [smem:$0x3FAA]  }
0x29: {  	s4 =	sld [smem:$0x3FAC]  }
0x2a: {  	p0 =	seq.s32 s5, $0x0;
	s5 =	sld [smem:$0x3FAD]  }
0x2b: {  	s6 =	sld [smem:$0x3FAE]  }
0x2c: {  	s7 =	sld [smem:$0x3FAF]  }
0x2d: {  	s3 =	simm.s32 $0x108;
	s8 =	sld [smem:$0x3FB0]  }
0x2e: {  	s3 =	simm.s32 @!p0 $0x1082;
	s9 =	sld [smem:$0x3FB1]  }
0x2f: {  	lr =	sadd.s32 s0, s3;
	s0 =	sld [smem:$0x3FA8]  }
0x30: {  	s3 =	sld [smem:$0x3FAB]  }
0x31: {  	[smem:$0x3FB4] =	sst s10  }
0x32: {  	s10 =	sld [smem:$0x3FB2];
	_ =	sdelay $0x3  }
0x33: {  	p0 =	seq.s32 s10, $0x1;
	s10 =	sld [smem:$0x3FB4];
	_ =	sdelay $0x3  }
0x34: {  	[smem:$0x3FB4] =	sst s10  }
0x35: {  	s10 =	sld [smem:$0x3FB3];
	_ =	sdelay $0x3  }
0x36: {  	p1 =	seq.s32 s10, $0x1;
	s10 =	sld [smem:$0x3FB4];
	_ =	sdelay $0x3  }
0x37: {  	[smem:$0x3FB4] =	sst s10  }
0x38: {  	s10 =	sld [smem:$0x3FB5]  }
0x39: {  	_ = 	snop;
	(pc) =	sbr.ind lr, $3  }
0x3a: {  	_ = 	snop  }
0x3b: {  	_ = 	snop  }
0x3c: {  	p2 =	seq.s32 s10, $0x1;
	s10 =	sld [smem:$0x3FB4]  }
0x3d: {  	_ =	shalt  }
0x3e: {  	_ =	shalt  }
0x3f: {  	_ =	shalt  }
0x40: {  	_ =	shalt  }
0x41: {  	_ =	shalt  }
0x42: {  	_ =	shalt  }
0x43: {  	_ =	shalt  }
0x44: {  	_ =	shalt  }
0x45: {  	_ =	shalt  }
0x46: {  	_ =	shalt  }
0x47: {  	_ =	shalt  }
0x48: {  	_ =	shalt  }
0x49: {  	_ =	shalt  }
0x4a: {  	_ =	shalt  }
0x4b: {  	_ =	shalt  }
0x4c: {  	_ =	shalt  }
0x4d: {  	_ =	shalt  }
0x4e: {  	_ =	shalt  }
0x4f: {  	_ =	shalt  }
0x50: {  	_ =	shalt  }
0x51: {  	_ =	shalt  }
0x52: {  	_ =	shalt  }
0x53: {  	_ =	shalt  }
0x54: {  	_ =	shalt  }
0x55: {  	_ =	shalt  }
0x56: {  	_ =	shalt  }
0x57: {  	_ =	shalt  }
0x58: {  	_ =	shalt  }
0x59: {  	_ =	shalt  }
0x5a: {  	_ =	shalt  }
0x5b: {  	_ =	shalt  }
0x5c: {  	_ =	shalt  }
0x5d: {  	_ =	shalt  }
0x5e: {  	_ =	shalt  }
0x5f: {  	_ =	shalt  }
0x60: {  	_ =	shalt  }
0x61: {  	_ =	shalt  }
0x62: {  	_ =	shalt  }
0x63: {  	_ =	shalt  }
0x64: {  	_ =	shalt  }
0x65: {  	_ =	shalt  }
0x66: {  	_ =	shalt  }
0x67: {  	_ =	shalt  }
0x68: {  	_ =	shalt  }
0x69: {  	_ =	shalt  }
0x6a: {  	_ =	shalt  }
0x6b: {  	_ =	shalt  }
0x6c: {  	_ =	shalt  }
0x6d: {  	_ =	shalt  }
0x6e: {  	_ =	shalt  }
0x6f: {  	_ =	shalt  }
0x70: {  	_ =	shalt  }
0x71: {  	_ =	shalt  }
0x72: {  	_ =	shalt  }
0x73: {  	_ =	shalt  }
0x74: {  	_ =	shalt  }
0x75: {  	_ =	shalt  }
0x76: {  	_ =	shalt  }
0x77: {  	_ =	shalt  }
0x78: {  	_ =	shalt  }
0x79: {  	_ =	shalt  }
0x7a: {  	_ =	shalt  }
0x7b: {  	_ =	shalt  }
0x7c: {  	_ =	shalt  }
0x7d: {  	_ =	shalt  }
0x7e: {  	_ =	shalt  }
0x7f: {  	_ =	shalt  }
0x80: {  	_ =	shalt  }
0x81: {  	_ =	shalt  }
0x82: {  	_ =	shalt  }
0x83: {  	_ =	shalt  }
0x84: {  	_ =	shalt  }
0x85: {  	_ =	shalt  }
0x86: {  	_ =	shalt  }
0x87: {  	_ =	shalt  }
.Lfunc_end0:
.L_simem_size_0:
called_computation_lowered:
.L_overlay_start_0:
0x88: {  	s2 =	sld [smem:$0x3FD9]  }
0x89: {  	s3 =	sld [smem:$0x3FFE];
	_ =	sdelay $0x1  }
0x8a: {  	s1 =	srdreg.scid  }
0x8b: {  	s0 =	sand.u32 $0x1, s1  }
0x8c: {  	s17 =	sshll.u32 s0, $0xA;
	s2 =	sadd.s32 s3, s2  }
0x8d: {  	s2 =	sadd.s32 s2, s17  }
0x8e: {  	[smem:$0x3FC0] =	sst s2  }
0x8f: {  	_ = 	snop  }
0x90: {  	s2 =	sld [smem:$0x3FD0];
	(tm) =	ssettm $0x1  }
0x91: {  	s18 =	sld [smem:$0x3FFB];
	_ =	sdelay $0x3  }
0x92: {  	_ =	strace s18  }
0x93: {  	s3 =	sld [smem:$0x3FFC];
	_ =	sdelay $0x3  }
0x94: {  	_ =	strace s3  }
0x95: {  	s3 =	sld [smem:$0x3FFD];
	_ =	sdelay $0x3  }
0x96: {  	_ =	strace s3  }
0x97: {  	_ =	strace $0x8FFFFFFF  }
0x98: {  	s19 =	sld [smem:$0x3FDB];
	_ =	sdelay $0x1  }
0x99: {  	s4 =	simm.s32 $_scs_section_size  }
0x9a: {  	s5 =	simm.s32 $_size__tile_overlayer_lowered;
	s6 =	simm.s32 $_tile_overlayer_lowered  }
0x9b: {  	s22 =	simm.s32 $0x1BFF;
	s21 =	sshll.u32 s6, $0x1;
	s3 =	sadd.s32 s4, s19  }
0x9c: {  	s7 =	simm.s32 $0x0;
	s20 =	sshll.u32 s5, $0x1;
	s5 =	sadd.s32 s21, s3  }
0x9d: {  	[timem:s7], [sflag:s22] =	dma.local [hbm:s5], s20  }
0x9e: {  	_ =	swait.ge [sflag:s22], s20  }
0x9f: {  	s4 =	ssub.s32 $0x0, s20;
	[sflag:s22] =	ssyncset.done $0x0  }
0xa0: {  	[sflag:s22] =	ssyncadd.s32 s4;
	_ =	sdelay $0x1  }
0xa1: {  	s23 =	simm.s32 $0x1B8B  }
0xa2: {  	_ =	swait.ge [sflag:s23], $0x1  }
0xa3: {  	[sflag:s23] =	ssyncset.done $0x0  }
0xa4: {  	s25 =	simm.s32 $0x1B8E;
	s24 =	sld [smem:$0x3FFE];
	[sflag:s23] =	ssyncadd.s32 $0xFFFFFFFF  }
0xa5: {  	s26 =	simm.s32 $execute0_lowered;
	[smem:$0x3FD2] =	sst s25  }
0xa6: {  	s5 =	sshll.u32 s26, $0x1;
	_ =	strace $0x80000046;
	[dreg:$0x1] =	wrdreg $0xFFFFFFFF  }
0xa7: {  	s28 =	simm.s32 $_size_execute0_lowered;
	s3 =	sadd.s32 s3, s5;
	[dreg:$0x0] =	wrdreg $0x0  }
0xa8: {  	s5 =	sshll.u32 s28, $0x1;
	[dreg:$0x2] =	wrdreg s3  }
0xa9: {  	[dreg:$0x3] =	wrdreg s5  }
0xaa: {  	[dreg:$0x4] =	wrdreg $0xC0  }
0xab: {  	_ =	task [dreg:s7], $0x5FFFF  }
0xac: {  	[dreg:$0x1] =	wrdreg $0xFFFFFFFF  }
0xad: {  	[dreg:$0x0] =	wrdreg $0x60  }
0xae: {  	[dreg:$0x2] =	wrdreg s2  }
0xaf: {  	[dreg:$0x3] =	wrdreg s24  }
0xb0: {  	[dreg:$0x4] =	wrdreg $0x9  }
0xb1: {  	_ =	task.clear_ibuf [dreg:s7], $0x5FFFF;
	_ =	strace $0x90000046  }
0xb2: {  	s29 =	simm.s32 $0x9;
	_ =	strace $0x80000048  }
0xb3: {  	_ =	swait.ge [sflag:s29], $0x1  }
0xb4: {  	[sflag:s29] =	ssyncadd.s32 $0xFFFFFFFF  }
0xb5: {  	_ =	strace $0x90000048  }
0xb6: {  	_ =	sfence  }
0xb7: {  	s30 =	sld [smem:$0x0];
	_ =	sdelay $0x2  }
0xb8: {  	s31 =	sshll.u32 s1, $0xD;
	s1 =	sshrl.u32 s1, $0x2  }
0xb9: {  	s3 =	sand.u32 $0x4000, s31;
	s1 =	sadd.s32 s1, s30  }
0xba: {  	s0 =	sor.u32 s3, s0;
	s1 =	sshll.u32 s1, $0x11  }
0xbb: {  	s0 =	sor.u32 s1, s0  }
0xbc: {  	s0 =	sadd.s32 $0x8F2B, s0  }
0xbd: {  	[sflag:s0] =	ssyncadd.remote.s32 $0x1  }
0xbe: {  	_ =	sfence.sel $0xFFFF  }
0xbf: {  	[dreg:$0x0] =	wrdreg $0xFFFFFFFF;
	(pc) =	sbr.abs _section_cstart, $3  }
0xc0: {  	[dreg:$0x1] =	wrdreg $0xFFFFFFFF  }
0xc1: {  	_ =	task.clear_ibuf [dreg:s7], $0x2FFFF;
	_ =	strace $0x9FFFFFFF  }
0xc2: {  	(tm) =	ssettm $0x7FFFFFFF  }
0xc3: {  	_ =	shalt  }
tec
execute0_lowered:
.L_overlay_start_1:
0x0: {  	(tag) =	ssettag $0x1  }
0x1: {  	s1 =	srdreg.scid  }
0x2: {  	s0 =	stileid.u32;
	s3 =	rddreg [dreg:$0x0]  }
0x3: {  	s7 =	rddreg [dreg:$0x1];
	s6 =	sand.u32 $0x1, s1;
	s28 =	sshll.u32 s0, $0x1  }
0x4: {  	s8 =	simm.s32 $0x1;
	s4 =	simm.s32 $0x0;
	s1 =	sor.u32 s6, s28  }
0x5: {  	s13 =	simm.s32 $0x80;
	s14 =	simm.s32 $0x2000;
	s5 =	smul.u32 $0x271, s1  }
0x6: {  	s15 =	simm.s32 $0x6000;
	s16 =	simm.s32 $0x2;
	s17 =	simm.s32 $0xA000  }
0x7: {  	s18 =	simm.s32 $0x3;
	s1 =	sshrl.u32 s5, $0x4;
	s2 =	sand.u32 $0x70, s5  }
0x8: {  	s19 =	simm.s32 $0x5;
	p0 =	seq.s32 s1, $0x0;
	p1 =	sne.s32 s2, $0x0  }
0x9: {  	s20 =	simm.s32 $0xA400;
	s21 =	simm.s32 $0x4;
	p0 =	por !p0, !p1  }
0xa: {  	s22 =	simm.s32 $0x0;
	s10 =	ssub.s32 $0x2, s6;
	p0 =	por !p0, !p0  }
0xb: {  	s30 =	sshrl.u32 s10, $0x1;
	s5 =	sshrl.u32 s5, $0x7;
	s8 =	simm.s32 @!p0 $0x0  }
0xc: {  	[smem:$0x7FF] =	sst s4;
	s12 =	ssub.s32 s10, s30;
	s8 =	ssub.s32 s5, s8  }
0xd: {  	s12 =	smax.u32 s12, $0x1;
	s2 =	rddreg [dreg:$0x2];
	s9 =	sshll.u32 s8, $0x7  }
0xe: {  	_ =	strace $0x80000047;
	s11 =	sshll.u32 s8, $0x3;
	s9 =	sand.u32 $0x1FFFFF80, s9  }
0xf: {  	s5 =	simm.s32 $0x1;
	s6 =	ssub.s32 s1, s11;
	s29 =	sadd.s32 s9, s7  }
0x10: {  	s7 =	sadd.s32 $0xCC00, s7;
	s31 =	sshll.u32 s6, $0x9;
	s9 =	ssub.s32 $0x270, s11  }
0x11: {  	s11 =	sadd.s32 $0x2, s6;
	s8 =	sadd.s32 $0x2E00, s29;
	s10 =	sshra.s32 s31, $0x2  }
.LBB2_1:
0x12: {  	[tilespmem:s4], [sflag:$0x1] =	stream.linear.gather [hbm4b:s8+s4], $0x2000, $0x38;
	[tilespmem:$0xA800] =	vst v63  }
0x13: {  	_ =	swait.ge [sflag:s5], $0x2000  }
0x14: {  	[sflag:s5] =	ssyncset.done $0x0  }
0x15: {  	s23 =	simm.s32 $0x40;
	[sflag:s5] =	ssyncadd.s32 $0xFFFFE000  }
0x16: {  	v3 =	vld [tilespmem:s23+$0xFFFFFFC0]  }
0x17: {  	v4 =	vld [tilespmem:s23+$0xFFFFFFD0]  }
0x18: {  	v2 =	vld [tilespmem:s23+$0xFFFFFFE0]  }
0x19: {  	p0 =	slt.s32 s9, $0x0;
	s24 =	simm.s32 $0x1388;
	v0 =	vld [tilespmem:s23+$0x0]  }
0x1a: {  	s24 =	simm.s32 @!p0 $0x0;
	v1 =	vld [tilespmem:s23+$0x10]  }
0x1b: {  	v5 =	vadd.s32 s24, v3;
	v3 =	vld [tilespmem:s23+$0x20]  }
0x1c: {  	s25 =	simm.s32 $0x1;
	s26 =	simm.s32 $0x40;
	[tilespmem:s23+$0xFFFFFFC0] =	vst v5;
	v5 =	vadd.s32 s24, v4;
	v4 =	vld [tilespmem:s23+$0x30]  }
.LBB2_2:
0x1d: {  	[tilespmem:s23+$0xFFFFFFD0] =	vst v5;
	v5 =	vld [tilespmem:s23+$0xFFFFFFF0]  }
0x1e: {  	p0 =	sne.s32 s25, $0x3F;
	v2 =	vadd.s32 s24, v2;
	s26 =	sadd.s32 $0x80, s26  }
0x1f: {  	v6 =	vld [tilespmem:s26+$0xFFFFFFC0];
	[tilespmem:s23+$0xFFFFFFE0] =	vst v2;
	v0 =	vadd.s32 s24, v0  }
0x20: {  	v7 =	vld [tilespmem:s26+$0xFFFFFFD0];
	[tilespmem:s23+$0x0] =	vst v0;
	v0 =	vadd.s32 s24, v1  }
.Ltmp0:
0x21: {  	v2 =	vld [tilespmem:s26+$0xFFFFFFE0];
	[tilespmem:s23+$0x10] =	vst v0;
	v1 =	vadd.s32 s24, v3;
	(pc) =	sbr.rel @p0 .LBB2_2-.Ltmp0, $4  }
0x22: {  	p1 =	sgt.s32 s25, s9;
	v0 =	vld [tilespmem:s26+$0x0];
	[tilespmem:s23+$0x20] =	vst v1;
	v3 =	vadd.s32 s24, v4;
	v4 =	vadd.s32 s24, v5;
	s24 =	simm.s32 $0x1388  }
0x23: {  	v1 =	vld [tilespmem:s26+$0x10];
	[tilespmem:s23+$0x30] =	vst v3;
	s24 =	simm.s32 @!p1 $0x0  }
0x24: {  	v5 =	vadd.s32 s24, v6;
	v3 =	vld [tilespmem:s26+$0x20];
	[tilespmem:s23+$0xFFFFFFF0] =	vst v4;
	s23 =	smov.u32 s26  }
0x25: {  	s25 =	sadd.s32 $0x1, s25;
	[tilespmem:s26+$0xFFFFFFC0] =	vst v5;
	v5 =	vadd.s32 s24, v7;
	v4 =	vld [tilespmem:s26+$0x30]  }
0x26: {  	[tilespmem:s23+$0xFFFFFFD0] =	vst v5;
	v2 =	vadd.s32 s24, v2;
	v59 =	vld [tilespmem:s23+$0xFFFFFFF0]  }
0x27: {  	[tilespmem:s23+$0xFFFFFFE0] =	vst v2;
	v0 =	vadd.s32 s24, v0  }
0x28: {  	[tilespmem:s23+$0x0] =	vst v0;
	v60 =	vadd.s32 s24, v1  }
0x29: {  	[tilespmem:s23+$0x10] =	vst v60;
	v61 =	vadd.s32 s24, v3  }
0x2a: {  	[tilespmem:s23+$0x20] =	vst v61;
	v62 =	vadd.s32 s24, v4  }
0x2b: {  	v63 =	vadd.s32 s24, v59;
	[tilespmem:s23+$0x30] =	vst v62  }
0x2c: {  	[tilespmem:s23+$0xFFFFFFF0] =	vst v63;
	s23 =	simm.s32 $0x0  }
0x2d: {  	[tilespmem:s14], [sflag:$0x2] =	stream.indirect.gather [hbm4b:s3+s13], $0x80, s10, s13, $0xb8;
	[tilespmem:$0xA800] =	vst v63  }
.LBB2_4:
0x2e: {  	s24 =	sshllo.u32 s23, $0x1  }
0x2f: {  	s25 =	sadd.s32 s6, s24  }
0x30: {  	s25 =	sshll.u32 s25, $0x9  }
0x31: {  	s25 =	sshra.s32 s25, $0x2  }
0x32: {  	[tilespmem:s15], [sflag:$0x3] =	stream.indirect.gather [hbm4b:s3+s13], $0x80, s25, s13, $0xb8;
	[tilespmem:$0xA800] =	vst v63  }
0x33: {  	_ =	swait.ge [sflag:s16], $0x4000  }
0x34: {  	p0 =	seq.s32 s23, $0x0;
	[sflag:s16] =	ssyncset.done $0x0  }
0x35: {  	s26 =	simm.s32 @!p0 $0x4;
	[sflag:s16] =	ssyncadd.s32 $0xFFFFC000  }
0x36: {  	_ =	swait.ge @!p0 [sflag:s26], $0x400  }
0x37: {  	s28 =	simm.s32 $0x0;
	[sflag:s26] =	ssyncset.done @!p0 $0x0  }
0x38: {  	s25 =	sshll.u32 s23, $0x1;
	[sflag:s26] =	ssyncadd.s32 @!p0 $0xFFFFFC00;
	s26 =	simm.s32 $0x2400  }
.LBB2_5:
0x39: {  	v0 =	vld [tilespmem:s26+$0xFFFFFC00]  }
0x3a: {  	v1 =	vld [tilespmem:s26+$0xFFFFFC80]  }
0x3b: {  	v2 =	vld [tilespmem:s26+$0xFFFFFD00]  }
0x3c: {  	v3 =	vld [tilespmem:s26+$0xFFFFFD80]  }
0x3d: {  	v4 =	vld [tilespmem:s26+$0xFFFFFE00]  }
0x3e: {  	v5 =	vld [tilespmem:s26+$0xFFFFFE80]  }
0x3f: {  	v6 =	vld [tilespmem:s26+$0xFFFFFF00]  }
0x40: {  	v7 =	vld [tilespmem:s26+$0xFFFFFF80]  }
0x41: {  	v8 =	vld [tilespmem:s26+$0x0]  }
0x42: {  	v9 =	vld [tilespmem:s26+$0x80]  }
0x43: {  	v10 =	vld [tilespmem:s26+$0x100]  }
0x44: {  	v11 =	vld [tilespmem:s26+$0x180]  }
0x45: {  	v12 =	vld [tilespmem:s26+$0x200]  }
0x46: {  	v13 =	vld [tilespmem:s26+$0x280]  }
0x47: {  	v14 =	vld [tilespmem:s26+$0x300]  }
0x48: {  	v15 =	vld [tilespmem:s26+$0x380];
	_ =	sdelay $0x1  }
0x49: {  	v0 =	vadd.bf16 v1, v0;
	v61 =	vadd.bf16 v3, v2  }
0x4a: {  	v62 =	vadd.bf16 v5, v4;
	v63 =	vadd.bf16 v7, v6  }
0x4b: {  	v9 =	vadd.bf16 v9, v8;
	v11 =	vadd.bf16 v11, v10  }
0x4c: {  	v16 =	vadd.bf16 v13, v12;
	v17 =	vadd.bf16 v15, v14  }
0x4d: {  	v0 =	vadd.bf16 v61, v0;
	v18 =	vadd.bf16 v63, v62  }
0x4e: {  	v19 =	vadd.bf16 v11, v9;
	v20 =	vadd.bf16 v17, v16;
	_ =	sdelay $0x1  }
0x4f: {  	v0 =	vadd.bf16 v18, v0;
	v21 =	vadd.bf16 v20, v19;
	_ =	sdelay $0x1  }
0x50: {  	v0 =	vadd.bf16 v21, v0  }
0x51: {  	s29 =	sshra.s32 s28, $0x2  }
0x52: {  	[tilespmem:s29+$0xA000] =	vst v0  }
0x53: {  	v0 =	vld [tilespmem:s26+$0xFFFFFC10]  }
0x54: {  	v22 =	vld [tilespmem:s26+$0xFFFFFC90]  }
0x55: {  	v23 =	vld [tilespmem:s26+$0xFFFFFD10]  }
0x56: {  	v24 =	vld [tilespmem:s26+$0xFFFFFD90]  }
0x57: {  	v25 =	vld [tilespmem:s26+$0xFFFFFE10]  }
0x58: {  	v26 =	vld [tilespmem:s26+$0xFFFFFE90]  }
0x59: {  	v27 =	vld [tilespmem:s26+$0xFFFFFF10]  }
0x5a: {  	v28 =	vld [tilespmem:s26+$0xFFFFFF90]  }
0x5b: {  	v29 =	vld [tilespmem:s26+$0x10]  }
0x5c: {  	v30 =	vld [tilespmem:s26+$0x90]  }
0x5d: {  	v31 =	vld [tilespmem:s26+$0x110]  }
0x5e: {  	v32 =	vld [tilespmem:s26+$0x190]  }
0x5f: {  	v33 =	vld [tilespmem:s26+$0x210]  }
0x60: {  	v34 =	vld [tilespmem:s26+$0x290]  }
0x61: {  	v35 =	vld [tilespmem:s26+$0x310]  }
0x62: {  	v36 =	vld [tilespmem:s26+$0x390];
	_ =	sdelay $0x1  }
0x63: {  	v0 =	vadd.bf16 v22, v0;
	v37 =	vadd.bf16 v24, v23  }
0x64: {  	v38 =	vadd.bf16 v26, v25;
	v39 =	vadd.bf16 v28, v27  }
0x65: {  	v40 =	vadd.bf16 v30, v29;
	v41 =	vadd.bf16 v32, v31  }
0x66: {  	v42 =	vadd.bf16 v34, v33;
	v43 =	vadd.bf16 v36, v35  }
0x67: {  	v0 =	vadd.bf16 v37, v0;
	v44 =	vadd.bf16 v39, v38  }
0x68: {  	v45 =	vadd.bf16 v41, v40;
	v46 =	vadd.bf16 v43, v42;
	_ =	sdelay $0x1  }
0x69: {  	v0 =	vadd.bf16 v44, v0;
	v47 =	vadd.bf16 v46, v45;
	_ =	sdelay $0x1  }
0x6a: {  	v0 =	vadd.bf16 v47, v0;
	_ =	sdelay $0x1  }
0x6b: {  	[tilespmem:s29+$0xA010] =	vst v0  }
0x6c: {  	v0 =	vld [tilespmem:s26+$0xFFFFFC20]  }
0x6d: {  	v48 =	vld [tilespmem:s26+$0xFFFFFCA0]  }
0x6e: {  	v49 =	vld [tilespmem:s26+$0xFFFFFD20]  }
0x6f: {  	v50 =	vld [tilespmem:s26+$0xFFFFFDA0]  }
0x70: {  	v51 =	vld [tilespmem:s26+$0xFFFFFE20]  }
0x71: {  	v52 =	vld [tilespmem:s26+$0xFFFFFEA0]  }
0x72: {  	v53 =	vld [tilespmem:s26+$0xFFFFFF20]  }
0x73: {  	v54 =	vld [tilespmem:s26+$0xFFFFFFA0]  }
0x74: {  	v55 =	vld [tilespmem:s26+$0x20]  }
0x75: {  	v56 =	vld [tilespmem:s26+$0xA0]  }
0x76: {  	v57 =	vld [tilespmem:s26+$0x120]  }
0x77: {  	v58 =	vld [tilespmem:s26+$0x1A0]  }
0x78: {  	v59 =	vld [tilespmem:s26+$0x220]  }
0x79: {  	v60 =	vld [tilespmem:s26+$0x2A0]  }
0x7a: {  	v61 =	vld [tilespmem:s26+$0x320]  }
0x7b: {  	v62 =	vld [tilespmem:s26+$0x3A0];
	_ =	sdelay $0x1  }
0x7c: {  	v0 =	vadd.bf16 v48, v0;
	v63 =	vadd.bf16 v50, v49  }
0x7d: {  	v16 =	vadd.bf16 v52, v51;
	v17 =	vadd.bf16 v54, v53  }
0x7e: {  	v18 =	vadd.bf16 v56, v55;
	v19 =	vadd.bf16 v58, v57  }
0x7f: {  	v20 =	vadd.bf16 v60, v59;
	v21 =	vadd.bf16 v62, v61  }
0x80: {  	v0 =	vadd.bf16 v63, v0;
	v22 =	vadd.bf16 v17, v16  }
0x81: {  	v23 =	vadd.bf16 v19, v18;
	v24 =	vadd.bf16 v21, v20;
	_ =	sdelay $0x1  }
0x82: {  	v0 =	vadd.bf16 v22, v0;
	v25 =	vadd.bf16 v24, v23;
	_ =	sdelay $0x1  }
0x83: {  	v0 =	vadd.bf16 v25, v0;
	_ =	sdelay $0x1  }
0x84: {  	[tilespmem:s29+$0xA020] =	vst v0  }
0x85: {  	v0 =	vld [tilespmem:s26+$0xFFFFFC30]  }
0x86: {  	v26 =	vld [tilespmem:s26+$0xFFFFFCB0]  }
0x87: {  	v27 =	vld [tilespmem:s26+$0xFFFFFD30]  }
0x88: {  	v28 =	vld [tilespmem:s26+$0xFFFFFDB0]  }
0x89: {  	v29 =	vld [tilespmem:s26+$0xFFFFFE30]  }
0x8a: {  	v30 =	vld [tilespmem:s26+$0xFFFFFEB0]  }
0x8b: {  	v31 =	vld [tilespmem:s26+$0xFFFFFF30]  }
0x8c: {  	v32 =	vld [tilespmem:s26+$0xFFFFFFB0]  }
0x8d: {  	v33 =	vld [tilespmem:s26+$0x30]  }
0x8e: {  	v34 =	vld [tilespmem:s26+$0xB0]  }
0x8f: {  	v35 =	vld [tilespmem:s26+$0x130]  }
0x90: {  	v36 =	vld [tilespmem:s26+$0x1B0]  }
0x91: {  	v37 =	vld [tilespmem:s26+$0x230]  }
0x92: {  	v38 =	vld [tilespmem:s26+$0x2B0]  }
0x93: {  	v39 =	vld [tilespmem:s26+$0x330]  }
0x94: {  	v40 =	vld [tilespmem:s26+$0x3B0];
	_ =	sdelay $0x1  }
0x95: {  	v0 =	vadd.bf16 v26, v0;
	v41 =	vadd.bf16 v28, v27  }
0x96: {  	v42 =	vadd.bf16 v30, v29;
	v43 =	vadd.bf16 v32, v31  }
0x97: {  	v44 =	vadd.bf16 v34, v33;
	v45 =	vadd.bf16 v36, v35  }
0x98: {  	v46 =	vadd.bf16 v38, v37;
	v47 =	vadd.bf16 v40, v39  }
0x99: {  	v0 =	vadd.bf16 v41, v0;
	v48 =	vadd.bf16 v43, v42  }
0x9a: {  	v49 =	vadd.bf16 v45, v44;
	v50 =	vadd.bf16 v47, v46;
	_ =	sdelay $0x1  }
0x9b: {  	v0 =	vadd.bf16 v48, v0;
	v51 =	vadd.bf16 v50, v49;
	_ =	sdelay $0x1  }
0x9c: {  	v0 =	vadd.bf16 v51, v0;
	_ =	sdelay $0x1  }
0x9d: {  	[tilespmem:s29+$0xA030] =	vst v0  }
0x9e: {  	v0 =	vld [tilespmem:s26+$0xFFFFFC40]  }
0x9f: {  	v52 =	vld [tilespmem:s26+$0xFFFFFCC0]  }
0xa0: {  	v53 =	vld [tilespmem:s26+$0xFFFFFD40]  }
0xa1: {  	v54 =	vld [tilespmem:s26+$0xFFFFFDC0]  }
0xa2: {  	v55 =	vld [tilespmem:s26+$0xFFFFFE40]  }
0xa3: {  	v56 =	vld [tilespmem:s26+$0xFFFFFEC0]  }
0xa4: {  	v57 =	vld [tilespmem:s26+$0xFFFFFF40]  }
0xa5: {  	v58 =	vld [tilespmem:s26+$0xFFFFFFC0]  }
0xa6: {  	v59 =	vld [tilespmem:s26+$0x40]  }
0xa7: {  	v60 =	vld [tilespmem:s26+$0xC0]  }
0xa8: {  	v61 =	vld [tilespmem:s26+$0x140]  }
0xa9: {  	v62 =	vld [tilespmem:s26+$0x1C0]  }
0xaa: {  	v63 =	vld [tilespmem:s26+$0x240]  }
0xab: {  	v18 =	vld [tilespmem:s26+$0x2C0]  }
0xac: {  	v19 =	vld [tilespmem:s26+$0x340]  }
0xad: {  	v20 =	vld [tilespmem:s26+$0x3C0];
	_ =	sdelay $0x1  }
0xae: {  	v0 =	vadd.bf16 v52, v0;
	v21 =	vadd.bf16 v54, v53  }
0xaf: {  	v22 =	vadd.bf16 v56, v55;
	v23 =	vadd.bf16 v58, v57  }
0xb0: {  	v24 =	vadd.bf16 v60, v59;
	v25 =	vadd.bf16 v62, v61  }
0xb1: {  	v26 =	vadd.bf16 v18, v63;
	v27 =	vadd.bf16 v20, v19  }
0xb2: {  	v0 =	vadd.bf16 v21, v0;
	v28 =	vadd.bf16 v23, v22  }
0xb3: {  	v29 =	vadd.bf16 v25, v24;
	v30 =	vadd.bf16 v27, v26;
	_ =	sdelay $0x1  }
0xb4: {  	v0 =	vadd.bf16 v28, v0;
	v31 =	vadd.bf16 v30, v29;
	_ =	sdelay $0x1  }
0xb5: {  	v0 =	vadd.bf16 v31, v0;
	_ =	sdelay $0x1  }
0xb6: {  	[tilespmem:s29+$0xA040] =	vst v0  }
0xb7: {  	v0 =	vld [tilespmem:s26+$0xFFFFFC50]  }
0xb8: {  	v32 =	vld [tilespmem:s26+$0xFFFFFCD0]  }
0xb9: {  	v33 =	vld [tilespmem:s26+$0xFFFFFD50]  }
0xba: {  	v34 =	vld [tilespmem:s26+$0xFFFFFDD0]  }
0xbb: {  	v35 =	vld [tilespmem:s26+$0xFFFFFE50]  }
0xbc: {  	v36 =	vld [tilespmem:s26+$0xFFFFFED0]  }
0xbd: {  	v37 =	vld [tilespmem:s26+$0xFFFFFF50]  }
0xbe: {  	v38 =	vld [tilespmem:s26+$0xFFFFFFD0]  }
0xbf: {  	v39 =	vld [tilespmem:s26+$0x50]  }
0xc0: {  	v40 =	vld [tilespmem:s26+$0xD0]  }
0xc1: {  	v41 =	vld [tilespmem:s26+$0x150]  }
0xc2: {  	v42 =	vld [tilespmem:s26+$0x1D0]  }
0xc3: {  	v43 =	vld [tilespmem:s26+$0x250]  }
0xc4: {  	v44 =	vld [tilespmem:s26+$0x2D0]  }
0xc5: {  	v45 =	vld [tilespmem:s26+$0x350]  }
0xc6: {  	v46 =	vld [tilespmem:s26+$0x3D0];
	_ =	sdelay $0x1  }
0xc7: {  	v0 =	vadd.bf16 v32, v0;
	v47 =	vadd.bf16 v34, v33  }
0xc8: {  	v48 =	vadd.bf16 v36, v35;
	v49 =	vadd.bf16 v38, v37  }
0xc9: {  	v50 =	vadd.bf16 v40, v39;
	v51 =	vadd.bf16 v42, v41  }
0xca: {  	v52 =	vadd.bf16 v44, v43;
	v53 =	vadd.bf16 v46, v45  }
0xcb: {  	v0 =	vadd.bf16 v47, v0;
	v54 =	vadd.bf16 v49, v48  }
0xcc: {  	v55 =	vadd.bf16 v51, v50;
	v56 =	vadd.bf16 v53, v52;
	_ =	sdelay $0x1  }
0xcd: {  	v0 =	vadd.bf16 v54, v0;
	v57 =	vadd.bf16 v56, v55;
	_ =	sdelay $0x1  }
0xce: {  	v0 =	vadd.bf16 v57, v0;
	_ =	sdelay $0x1  }
0xcf: {  	[tilespmem:s29+$0xA050] =	vst v0  }
0xd0: {  	v0 =	vld [tilespmem:s26+$0xFFFFFC60]  }
0xd1: {  	v58 =	vld [tilespmem:s26+$0xFFFFFCE0]  }
0xd2: {  	v59 =	vld [tilespmem:s26+$0xFFFFFD60]  }
0xd3: {  	v60 =	vld [tilespmem:s26+$0xFFFFFDE0]  }
0xd4: {  	v61 =	vld [tilespmem:s26+$0xFFFFFE60]  }
0xd5: {  	v62 =	vld [tilespmem:s26+$0xFFFFFEE0]  }
0xd6: {  	v63 =	vld [tilespmem:s26+$0xFFFFFF60]  }
0xd7: {  	v18 =	vld [tilespmem:s26+$0xFFFFFFE0]  }
0xd8: {  	v19 =	vld [tilespmem:s26+$0x60]  }
0xd9: {  	v20 =	vld [tilespmem:s26+$0xE0]  }
0xda: {  	v21 =	vld [tilespmem:s26+$0x160]  }
0xdb: {  	v22 =	vld [tilespmem:s26+$0x1E0]  }
0xdc: {  	v23 =	vld [tilespmem:s26+$0x260]  }
0xdd: {  	v24 =	vld [tilespmem:s26+$0x2E0]  }
0xde: {  	v25 =	vld [tilespmem:s26+$0x360]  }
0xdf: {  	v26 =	vld [tilespmem:s26+$0x3E0];
	_ =	sdelay $0x1  }
0xe0: {  	v0 =	vadd.bf16 v58, v0;
	v27 =	vadd.bf16 v60, v59  }
0xe1: {  	v28 =	vadd.bf16 v62, v61;
	v29 =	vadd.bf16 v18, v63  }
0xe2: {  	v30 =	vadd.bf16 v20, v19;
	v31 =	vadd.bf16 v22, v21  }
0xe3: {  	v32 =	vadd.bf16 v24, v23;
	v33 =	vadd.bf16 v26, v25  }
0xe4: {  	v0 =	vadd.bf16 v27, v0;
	v34 =	vadd.bf16 v29, v28  }
0xe5: {  	v35 =	vadd.bf16 v31, v30;
	v36 =	vadd.bf16 v33, v32;
	_ =	sdelay $0x1  }
0xe6: {  	v0 =	vadd.bf16 v34, v0;
	v37 =	vadd.bf16 v36, v35;
	_ =	sdelay $0x1  }
0xe7: {  	v0 =	vadd.bf16 v37, v0;
	_ =	sdelay $0x1  }
0xe8: {  	[tilespmem:s29+$0xA060] =	vst v0  }
0xe9: {  	v0 =	vld [tilespmem:s26+$0xFFFFFC70]  }
0xea: {  	v38 =	vld [tilespmem:s26+$0xFFFFFCF0]  }
0xeb: {  	v39 =	vld [tilespmem:s26+$0xFFFFFD70]  }
0xec: {  	v40 =	vld [tilespmem:s26+$0xFFFFFDF0]  }
0xed: {  	v41 =	vld [tilespmem:s26+$0xFFFFFE70]  }
0xee: {  	v42 =	vld [tilespmem:s26+$0xFFFFFEF0]  }
0xef: {  	v43 =	vld [tilespmem:s26+$0xFFFFFF70]  }
0xf0: {  	v44 =	vld [tilespmem:s26+$0xFFFFFFF0]  }
0xf1: {  	v45 =	vld [tilespmem:s26+$0x70]  }
0xf2: {  	v46 =	vld [tilespmem:s26+$0xF0]  }
0xf3: {  	v47 =	vld [tilespmem:s26+$0x170]  }
0xf4: {  	v48 =	vld [tilespmem:s26+$0x1F0]  }
0xf5: {  	v49 =	vld [tilespmem:s26+$0x270]  }
0xf6: {  	v50 =	vld [tilespmem:s26+$0x2F0]  }
0xf7: {  	v51 =	vld [tilespmem:s26+$0x370]  }
0xf8: {  	v52 =	vld [tilespmem:s26+$0x3F0];
	_ =	sdelay $0x1  }
0xf9: {  	v0 =	vadd.bf16 v38, v0;
	v53 =	vadd.bf16 v40, v39  }
0xfa: {  	v54 =	vadd.bf16 v42, v41;
	v55 =	vadd.bf16 v44, v43  }
0xfb: {  	v56 =	vadd.bf16 v46, v45;
	v57 =	vadd.bf16 v48, v47  }
0xfc: {  	v58 =	vadd.bf16 v50, v49;
	v59 =	vadd.bf16 v52, v51  }
0xfd: {  	v0 =	vadd.bf16 v53, v0;
	v60 =	vadd.bf16 v55, v54  }
0xfe: {  	v61 =	vadd.bf16 v57, v56;
	v62 =	vadd.bf16 v59, v58  }
0xff: {  	p1 =	sne.s32 s28, $0xE00  }
.Ltmp1:
0x100: {  	v0 =	vadd.bf16 v60, v0;
	v63 =	vadd.bf16 v62, v61;
	(pc) =	sbr.rel @p1 .LBB2_5-.Ltmp1, $3  }
0x101: {  	_ = 	snop  }
0x102: {  	v0 =	vadd.bf16 v63, v0;
	_ =	sdelay $0x1  }
0x103: {  	s28 =	sadd.s32 $0x200, s28;
	s26 =	sadd.s32 $0x800, s26;
	[tilespmem:s29+$0xA070] =	vst v0  }
0x104: {  	p1 =	sne.s32 s23, $0x13  }
.Ltmp2:
0x105: {  	_ = 	snop;
	(pc) =	sbr.rel @p1 .LBB2_8-.Ltmp2, $4  }
0x106: {  	s26 =	sadd.s32 s1, s25  }
0x107: {  	s26 =	sshll.u32 s26, $0x7  }
0x108: {  	s26 =	sadd.s32 s7, s26  }
0x109: {  	[hbm4b:s26+s4] =	stream.linear.scatter [tilespmem:s17], [sflag:$0x4], $0x400, $0x38;
	[tilespmem:$0xA800] =	vst v63  }
.Ltmp3:
0x10a: {  	(pc) =	sbr.rel .LBB2_9-.Ltmp3, $4  }
0x10b: {  	_ = 	snop  }
0x10c: {  	_ =	swait.ge [sflag:s18], $0x4000  }
0x10d: {  	[sflag:s18] =	ssyncset.done $0x0  }
0x10e: {  	[sflag:s18] =	ssyncadd.s32 $0xFFFFC000  }
.LBB2_8:
0x10f: {  	s25 =	sadd.s32 s25, s11  }
0x110: {  	s25 =	sshll.u32 s25, $0x9  }
.Ltmp4:
0x111: {  	s25 =	sshra.s32 s25, $0x2;
	(pc) =	sbr.rel @p0 .LBB2_10-.Ltmp4, $4  }
0x112: {  	[tilespmem:s14], [sflag:$0x2] =	stream.indirect.gather [hbm4b:s3+s13], $0x80, s25, s13, $0xb8;
	[tilespmem:$0xA800] =	vst v63  }
0x113: {  	_ =	swait.ge [sflag:s18], $0x4000  }
0x114: {  	[sflag:s18] =	ssyncset.done $0x0  }
0x115: {  	[sflag:s18] =	ssyncadd.s32 $0xFFFFC000  }
.LBB2_9:
0x116: {  	_ =	swait.ge [sflag:s19], $0x400  }
0x117: {  	[sflag:s19] =	ssyncset.done $0x0  }
0x118: {  	[sflag:s19] =	ssyncadd.s32 $0xFFFFFC00  }
.LBB2_10:
0x119: {  	s25 =	simm.s32 $0x0;
	s26 =	simm.s32 $0x6400  }
.LBB2_11:
0x11a: {  	v0 =	vld [tilespmem:s26+$0xFFFFFC00]  }
0x11b: {  	v1 =	vld [tilespmem:s26+$0xFFFFFC80]  }
0x11c: {  	v2 =	vld [tilespmem:s26+$0xFFFFFD00]  }
0x11d: {  	v3 =	vld [tilespmem:s26+$0xFFFFFD80]  }
0x11e: {  	v4 =	vld [tilespmem:s26+$0xFFFFFE00]  }
0x11f: {  	v5 =	vld [tilespmem:s26+$0xFFFFFE80]  }
0x120: {  	v6 =	vld [tilespmem:s26+$0xFFFFFF00]  }
0x121: {  	v7 =	vld [tilespmem:s26+$0xFFFFFF80]  }
0x122: {  	v8 =	vld [tilespmem:s26+$0x0]  }
0x123: {  	v9 =	vld [tilespmem:s26+$0x80]  }
0x124: {  	v10 =	vld [tilespmem:s26+$0x100]  }
0x125: {  	v11 =	vld [tilespmem:s26+$0x180]  }
0x126: {  	v12 =	vld [tilespmem:s26+$0x200]  }
0x127: {  	v13 =	vld [tilespmem:s26+$0x280]  }
0x128: {  	v14 =	vld [tilespmem:s26+$0x300]  }
0x129: {  	v15 =	vld [tilespmem:s26+$0x380];
	_ =	sdelay $0x1  }
0x12a: {  	v0 =	vadd.bf16 v1, v0;
	v61 =	vadd.bf16 v3, v2  }
0x12b: {  	v62 =	vadd.bf16 v5, v4;
	v63 =	vadd.bf16 v7, v6  }
0x12c: {  	v9 =	vadd.bf16 v9, v8;
	v11 =	vadd.bf16 v11, v10  }
0x12d: {  	v16 =	vadd.bf16 v13, v12;
	v17 =	vadd.bf16 v15, v14  }
0x12e: {  	v0 =	vadd.bf16 v61, v0;
	v18 =	vadd.bf16 v63, v62  }
0x12f: {  	v19 =	vadd.bf16 v11, v9;
	v20 =	vadd.bf16 v17, v16;
	_ =	sdelay $0x1  }
0x130: {  	v0 =	vadd.bf16 v18, v0;
	v21 =	vadd.bf16 v20, v19;
	_ =	sdelay $0x1  }
0x131: {  	v0 =	vadd.bf16 v21, v0  }
0x132: {  	s28 =	sshra.s32 s25, $0x2  }
0x133: {  	[tilespmem:s28+$0xA400] =	vst v0  }
0x134: {  	v0 =	vld [tilespmem:s26+$0xFFFFFC10]  }
0x135: {  	v22 =	vld [tilespmem:s26+$0xFFFFFC90]  }
0x136: {  	v23 =	vld [tilespmem:s26+$0xFFFFFD10]  }
0x137: {  	v24 =	vld [tilespmem:s26+$0xFFFFFD90]  }
0x138: {  	v25 =	vld [tilespmem:s26+$0xFFFFFE10]  }
0x139: {  	v26 =	vld [tilespmem:s26+$0xFFFFFE90]  }
0x13a: {  	v27 =	vld [tilespmem:s26+$0xFFFFFF10]  }
0x13b: {  	v28 =	vld [tilespmem:s26+$0xFFFFFF90]  }
0x13c: {  	v29 =	vld [tilespmem:s26+$0x10]  }
0x13d: {  	v30 =	vld [tilespmem:s26+$0x90]  }
0x13e: {  	v31 =	vld [tilespmem:s26+$0x110]  }
0x13f: {  	v32 =	vld [tilespmem:s26+$0x190]  }
0x140: {  	v33 =	vld [tilespmem:s26+$0x210]  }
0x141: {  	v34 =	vld [tilespmem:s26+$0x290]  }
0x142: {  	v35 =	vld [tilespmem:s26+$0x310]  }
0x143: {  	v36 =	vld [tilespmem:s26+$0x390];
	_ =	sdelay $0x1  }
0x144: {  	v0 =	vadd.bf16 v22, v0;
	v37 =	vadd.bf16 v24, v23  }
0x145: {  	v38 =	vadd.bf16 v26, v25;
	v39 =	vadd.bf16 v28, v27  }
0x146: {  	v40 =	vadd.bf16 v30, v29;
	v41 =	vadd.bf16 v32, v31  }
0x147: {  	v42 =	vadd.bf16 v34, v33;
	v43 =	vadd.bf16 v36, v35  }
0x148: {  	v0 =	vadd.bf16 v37, v0;
	v44 =	vadd.bf16 v39, v38  }
0x149: {  	v45 =	vadd.bf16 v41, v40;
	v46 =	vadd.bf16 v43, v42;
	_ =	sdelay $0x1  }
0x14a: {  	v0 =	vadd.bf16 v44, v0;
	v47 =	vadd.bf16 v46, v45;
	_ =	sdelay $0x1  }
0x14b: {  	v0 =	vadd.bf16 v47, v0;
	_ =	sdelay $0x1  }
0x14c: {  	[tilespmem:s28+$0xA410] =	vst v0  }
0x14d: {  	v0 =	vld [tilespmem:s26+$0xFFFFFC20]  }
0x14e: {  	v48 =	vld [tilespmem:s26+$0xFFFFFCA0]  }
0x14f: {  	v49 =	vld [tilespmem:s26+$0xFFFFFD20]  }
0x150: {  	v50 =	vld [tilespmem:s26+$0xFFFFFDA0]  }
0x151: {  	v51 =	vld [tilespmem:s26+$0xFFFFFE20]  }
0x152: {  	v52 =	vld [tilespmem:s26+$0xFFFFFEA0]  }
0x153: {  	v53 =	vld [tilespmem:s26+$0xFFFFFF20]  }
0x154: {  	v54 =	vld [tilespmem:s26+$0xFFFFFFA0]  }
0x155: {  	v55 =	vld [tilespmem:s26+$0x20]  }
0x156: {  	v56 =	vld [tilespmem:s26+$0xA0]  }
0x157: {  	v57 =	vld [tilespmem:s26+$0x120]  }
0x158: {  	v58 =	vld [tilespmem:s26+$0x1A0]  }
0x159: {  	v59 =	vld [tilespmem:s26+$0x220]  }
0x15a: {  	v60 =	vld [tilespmem:s26+$0x2A0]  }
0x15b: {  	v61 =	vld [tilespmem:s26+$0x320]  }
0x15c: {  	v62 =	vld [tilespmem:s26+$0x3A0];
	_ =	sdelay $0x1  }
0x15d: {  	v0 =	vadd.bf16 v48, v0;
	v63 =	vadd.bf16 v50, v49  }
0x15e: {  	v16 =	vadd.bf16 v52, v51;
	v17 =	vadd.bf16 v54, v53  }
0x15f: {  	v18 =	vadd.bf16 v56, v55;
	v19 =	vadd.bf16 v58, v57  }
0x160: {  	v20 =	vadd.bf16 v60, v59;
	v21 =	vadd.bf16 v62, v61  }
0x161: {  	v0 =	vadd.bf16 v63, v0;
	v22 =	vadd.bf16 v17, v16  }
0x162: {  	v23 =	vadd.bf16 v19, v18;
	v24 =	vadd.bf16 v21, v20;
	_ =	sdelay $0x1  }
0x163: {  	v0 =	vadd.bf16 v22, v0;
	v25 =	vadd.bf16 v24, v23;
	_ =	sdelay $0x1  }
0x164: {  	v0 =	vadd.bf16 v25, v0;
	_ =	sdelay $0x1  }
0x165: {  	[tilespmem:s28+$0xA420] =	vst v0  }
0x166: {  	v0 =	vld [tilespmem:s26+$0xFFFFFC30]  }
0x167: {  	v26 =	vld [tilespmem:s26+$0xFFFFFCB0]  }
0x168: {  	v27 =	vld [tilespmem:s26+$0xFFFFFD30]  }
0x169: {  	v28 =	vld [tilespmem:s26+$0xFFFFFDB0]  }
0x16a: {  	v29 =	vld [tilespmem:s26+$0xFFFFFE30]  }
0x16b: {  	v30 =	vld [tilespmem:s26+$0xFFFFFEB0]  }
0x16c: {  	v31 =	vld [tilespmem:s26+$0xFFFFFF30]  }
0x16d: {  	v32 =	vld [tilespmem:s26+$0xFFFFFFB0]  }
0x16e: {  	v33 =	vld [tilespmem:s26+$0x30]  }
0x16f: {  	v34 =	vld [tilespmem:s26+$0xB0]  }
0x170: {  	v35 =	vld [tilespmem:s26+$0x130]  }
0x171: {  	v36 =	vld [tilespmem:s26+$0x1B0]  }
0x172: {  	v37 =	vld [tilespmem:s26+$0x230]  }
0x173: {  	v38 =	vld [tilespmem:s26+$0x2B0]  }
0x174: {  	v39 =	vld [tilespmem:s26+$0x330]  }
0x175: {  	v40 =	vld [tilespmem:s26+$0x3B0];
	_ =	sdelay $0x1  }
0x176: {  	v0 =	vadd.bf16 v26, v0;
	v41 =	vadd.bf16 v28, v27  }
0x177: {  	v42 =	vadd.bf16 v30, v29;
	v43 =	vadd.bf16 v32, v31  }
0x178: {  	v44 =	vadd.bf16 v34, v33;
	v45 =	vadd.bf16 v36, v35  }
0x179: {  	v46 =	vadd.bf16 v38, v37;
	v47 =	vadd.bf16 v40, v39  }
0x17a: {  	v0 =	vadd.bf16 v41, v0;
	v48 =	vadd.bf16 v43, v42  }
0x17b: {  	v49 =	vadd.bf16 v45, v44;
	v50 =	vadd.bf16 v47, v46;
	_ =	sdelay $0x1  }
0x17c: {  	v0 =	vadd.bf16 v48, v0;
	v51 =	vadd.bf16 v50, v49;
	_ =	sdelay $0x1  }
0x17d: {  	v0 =	vadd.bf16 v51, v0;
	_ =	sdelay $0x1  }
0x17e: {  	[tilespmem:s28+$0xA430] =	vst v0  }
0x17f: {  	v0 =	vld [tilespmem:s26+$0xFFFFFC40]  }
0x180: {  	v52 =	vld [tilespmem:s26+$0xFFFFFCC0]  }
0x181: {  	v53 =	vld [tilespmem:s26+$0xFFFFFD40]  }
0x182: {  	v54 =	vld [tilespmem:s26+$0xFFFFFDC0]  }
0x183: {  	v55 =	vld [tilespmem:s26+$0xFFFFFE40]  }
0x184: {  	v56 =	vld [tilespmem:s26+$0xFFFFFEC0]  }
0x185: {  	v57 =	vld [tilespmem:s26+$0xFFFFFF40]  }
0x186: {  	v58 =	vld [tilespmem:s26+$0xFFFFFFC0]  }
0x187: {  	v59 =	vld [tilespmem:s26+$0x40]  }
0x188: {  	v60 =	vld [tilespmem:s26+$0xC0]  }
0x189: {  	v61 =	vld [tilespmem:s26+$0x140]  }
0x18a: {  	v62 =	vld [tilespmem:s26+$0x1C0]  }
0x18b: {  	v63 =	vld [tilespmem:s26+$0x240]  }
0x18c: {  	v18 =	vld [tilespmem:s26+$0x2C0]  }
0x18d: {  	v19 =	vld [tilespmem:s26+$0x340]  }
0x18e: {  	v20 =	vld [tilespmem:s26+$0x3C0];
	_ =	sdelay $0x1  }
0x18f: {  	v0 =	vadd.bf16 v52, v0;
	v21 =	vadd.bf16 v54, v53  }
0x190: {  	v22 =	vadd.bf16 v56, v55;
	v23 =	vadd.bf16 v58, v57  }
0x191: {  	v24 =	vadd.bf16 v60, v59;
	v25 =	vadd.bf16 v62, v61  }
0x192: {  	v26 =	vadd.bf16 v18, v63;
	v27 =	vadd.bf16 v20, v19  }
0x193: {  	v0 =	vadd.bf16 v21, v0;
	v28 =	vadd.bf16 v23, v22  }
0x194: {  	v29 =	vadd.bf16 v25, v24;
	v30 =	vadd.bf16 v27, v26;
	_ =	sdelay $0x1  }
0x195: {  	v0 =	vadd.bf16 v28, v0;
	v31 =	vadd.bf16 v30, v29;
	_ =	sdelay $0x1  }
0x196: {  	v0 =	vadd.bf16 v31, v0;
	_ =	sdelay $0x1  }
0x197: {  	[tilespmem:s28+$0xA440] =	vst v0  }
0x198: {  	v0 =	vld [tilespmem:s26+$0xFFFFFC50]  }
0x199: {  	v32 =	vld [tilespmem:s26+$0xFFFFFCD0]  }
0x19a: {  	v33 =	vld [tilespmem:s26+$0xFFFFFD50]  }
0x19b: {  	v34 =	vld [tilespmem:s26+$0xFFFFFDD0]  }
0x19c: {  	v35 =	vld [tilespmem:s26+$0xFFFFFE50]  }
0x19d: {  	v36 =	vld [tilespmem:s26+$0xFFFFFED0]  }
0x19e: {  	v37 =	vld [tilespmem:s26+$0xFFFFFF50]  }
0x19f: {  	v38 =	vld [tilespmem:s26+$0xFFFFFFD0]  }
0x1a0: {  	v39 =	vld [tilespmem:s26+$0x50]  }
0x1a1: {  	v40 =	vld [tilespmem:s26+$0xD0]  }
0x1a2: {  	v41 =	vld [tilespmem:s26+$0x150]  }
0x1a3: {  	v42 =	vld [tilespmem:s26+$0x1D0]  }
0x1a4: {  	v43 =	vld [tilespmem:s26+$0x250]  }
0x1a5: {  	v44 =	vld [tilespmem:s26+$0x2D0]  }
0x1a6: {  	v45 =	vld [tilespmem:s26+$0x350]  }
0x1a7: {  	v46 =	vld [tilespmem:s26+$0x3D0];
	_ =	sdelay $0x1  }
0x1a8: {  	v0 =	vadd.bf16 v32, v0;
	v47 =	vadd.bf16 v34, v33  }
0x1a9: {  	v48 =	vadd.bf16 v36, v35;
	v49 =	vadd.bf16 v38, v37  }
0x1aa: {  	v50 =	vadd.bf16 v40, v39;
	v51 =	vadd.bf16 v42, v41  }
0x1ab: {  	v52 =	vadd.bf16 v44, v43;
	v53 =	vadd.bf16 v46, v45  }
0x1ac: {  	v0 =	vadd.bf16 v47, v0;
	v54 =	vadd.bf16 v49, v48  }
0x1ad: {  	v55 =	vadd.bf16 v51, v50;
	v56 =	vadd.bf16 v53, v52;
	_ =	sdelay $0x1  }
0x1ae: {  	v0 =	vadd.bf16 v54, v0;
	v57 =	vadd.bf16 v56, v55;
	_ =	sdelay $0x1  }
0x1af: {  	v0 =	vadd.bf16 v57, v0;
	_ =	sdelay $0x1  }
0x1b0: {  	[tilespmem:s28+$0xA450] =	vst v0  }
0x1b1: {  	v0 =	vld [tilespmem:s26+$0xFFFFFC60]  }
0x1b2: {  	v58 =	vld [tilespmem:s26+$0xFFFFFCE0]  }
0x1b3: {  	v59 =	vld [tilespmem:s26+$0xFFFFFD60]  }
0x1b4: {  	v60 =	vld [tilespmem:s26+$0xFFFFFDE0]  }
0x1b5: {  	v61 =	vld [tilespmem:s26+$0xFFFFFE60]  }
0x1b6: {  	v62 =	vld [tilespmem:s26+$0xFFFFFEE0]  }
0x1b7: {  	v63 =	vld [tilespmem:s26+$0xFFFFFF60]  }
0x1b8: {  	v18 =	vld [tilespmem:s26+$0xFFFFFFE0]  }
0x1b9: {  	v19 =	vld [tilespmem:s26+$0x60]  }
0x1ba: {  	v20 =	vld [tilespmem:s26+$0xE0]  }
0x1bb: {  	v21 =	vld [tilespmem:s26+$0x160]  }
0x1bc: {  	v22 =	vld [tilespmem:s26+$0x1E0]  }
0x1bd: {  	v23 =	vld [tilespmem:s26+$0x260]  }
0x1be: {  	v24 =	vld [tilespmem:s26+$0x2E0]  }
0x1bf: {  	v25 =	vld [tilespmem:s26+$0x360]  }
0x1c0: {  	v26 =	vld [tilespmem:s26+$0x3E0];
	_ =	sdelay $0x1  }
0x1c1: {  	v0 =	vadd.bf16 v58, v0;
	v27 =	vadd.bf16 v60, v59  }
0x1c2: {  	v28 =	vadd.bf16 v62, v61;
	v29 =	vadd.bf16 v18, v63  }
0x1c3: {  	v30 =	vadd.bf16 v20, v19;
	v31 =	vadd.bf16 v22, v21  }
0x1c4: {  	v32 =	vadd.bf16 v24, v23;
	v33 =	vadd.bf16 v26, v25  }
0x1c5: {  	v0 =	vadd.bf16 v27, v0;
	v34 =	vadd.bf16 v29, v28  }
0x1c6: {  	v35 =	vadd.bf16 v31, v30;
	v36 =	vadd.bf16 v33, v32;
	_ =	sdelay $0x1  }
0x1c7: {  	v0 =	vadd.bf16 v34, v0;
	v37 =	vadd.bf16 v36, v35;
	_ =	sdelay $0x1  }
0x1c8: {  	v0 =	vadd.bf16 v37, v0;
	_ =	sdelay $0x1  }
0x1c9: {  	[tilespmem:s28+$0xA460] =	vst v0  }
0x1ca: {  	v0 =	vld [tilespmem:s26+$0xFFFFFC70]  }
0x1cb: {  	v38 =	vld [tilespmem:s26+$0xFFFFFCF0]  }
0x1cc: {  	v39 =	vld [tilespmem:s26+$0xFFFFFD70]  }
0x1cd: {  	v40 =	vld [tilespmem:s26+$0xFFFFFDF0]  }
0x1ce: {  	v41 =	vld [tilespmem:s26+$0xFFFFFE70]  }
0x1cf: {  	v42 =	vld [tilespmem:s26+$0xFFFFFEF0]  }
0x1d0: {  	v43 =	vld [tilespmem:s26+$0xFFFFFF70]  }
0x1d1: {  	v44 =	vld [tilespmem:s26+$0xFFFFFFF0]  }
0x1d2: {  	v45 =	vld [tilespmem:s26+$0x70]  }
0x1d3: {  	v46 =	vld [tilespmem:s26+$0xF0]  }
0x1d4: {  	v47 =	vld [tilespmem:s26+$0x170]  }
0x1d5: {  	v48 =	vld [tilespmem:s26+$0x1F0]  }
0x1d6: {  	v49 =	vld [tilespmem:s26+$0x270]  }
0x1d7: {  	v50 =	vld [tilespmem:s26+$0x2F0]  }
0x1d8: {  	v51 =	vld [tilespmem:s26+$0x370]  }
0x1d9: {  	v52 =	vld [tilespmem:s26+$0x3F0];
	_ =	sdelay $0x1  }
0x1da: {  	v0 =	vadd.bf16 v38, v0;
	v53 =	vadd.bf16 v40, v39  }
0x1db: {  	v54 =	vadd.bf16 v42, v41;
	v55 =	vadd.bf16 v44, v43  }
0x1dc: {  	v56 =	vadd.bf16 v46, v45;
	v57 =	vadd.bf16 v48, v47  }
0x1dd: {  	v58 =	vadd.bf16 v50, v49;
	v59 =	vadd.bf16 v52, v51  }
0x1de: {  	v0 =	vadd.bf16 v53, v0;
	v60 =	vadd.bf16 v55, v54  }
0x1df: {  	v61 =	vadd.bf16 v57, v56;
	v62 =	vadd.bf16 v59, v58  }
0x1e0: {  	p0 =	sne.s32 s25, $0xE00  }
.Ltmp5:
0x1e1: {  	v0 =	vadd.bf16 v60, v0;
	v63 =	vadd.bf16 v62, v61;
	(pc) =	sbr.rel @p0 .LBB2_11-.Ltmp5, $3  }
0x1e2: {  	_ = 	snop  }
0x1e3: {  	v0 =	vadd.bf16 v63, v0;
	_ =	sdelay $0x1  }
0x1e4: {  	s25 =	sadd.s32 $0x200, s25;
	s26 =	sadd.s32 $0x800, s26;
	[tilespmem:s28+$0xA470] =	vst v0  }
0x1e5: {  	s23 =	sadd.s32 $0x1, s23  }
0x1e6: {  	p0 =	sne.s32 s23, $0x14  }
.Ltmp6:
0x1e7: {  	_ = 	snop;
	(pc) =	sbr.rel @p0 .LBB2_4-.Ltmp6, $4  }
0x1e8: {  	s24 =	sadd.s32 s1, s24  }
0x1e9: {  	s24 =	sshll.u32 s24, $0x7  }
0x1ea: {  	s24 =	sadd.s32 s7, s24  }
0x1eb: {  	[hbm4b:s24+s4] =	stream.linear.scatter [tilespmem:s20], [sflag:$0x5], $0x400, $0x38;
	[tilespmem:$0xA800] =	vst v63  }
0x1ec: {  	s22 =	sadd.s32 $0x1, s22  }
0x1ed: {  	_ =	swait.ge [sflag:s21], $0x400;
	p0 =	sne.s32 s22, s12  }
.Ltmp7:
0x1ee: {  	[sflag:s21] =	ssyncset.done $0x0;
	(pc) =	sbr.rel @p0 .LBB2_1-.Ltmp7, $4  }
0x1ef: {  	[sflag:s21] =	ssyncadd.s32 $0xFFFFFC00  }
0x1f0: {  	_ =	swait.ge [sflag:s19], $0x400  }
0x1f1: {  	[sflag:s19] =	ssyncset.done $0x0  }
0x1f2: {  	[sflag:s19] =	ssyncadd.s32 $0xFFFFFC00  }
0x1f3: {  	_ =	sfence.sel $0x180000  }
0x1f4: {  	[bflag:$0x0] =	sbarrier.arrive $0xFFFF  }
0x1f5: {  	p0 =	sne.s32 s0, $0x0;
	_ =	strace $0x90000047  }
0x1f6: {  	s0 =	sadd.s32 @!p0 $0x100000, s2;
	[bflag:$0x2] =	sbarrier.arrive $0xFFFF  }
0x1f7: {  	[sflag:s0] =	ssyncadd.tile.s32 @!p0 $0x1;
	_ =	shalt  }
.Lfunc_end2:
_tile_overlayer_lowered:
.L_overlay_start_2:
0x1f8: {  	(tag) =	ssettag $0x2  }
0x1f9: {  	s0 =	rddreg [dreg:$0x0];
	s2 =	stileid.u32  }
0x1fa: {  	s1 =	rddreg [dreg:$0x1];
	p0 =	sne.s32 s2, $0x0  }
0x1fb: {  	s3 =	rddreg [dreg:$0x2];
	[bflag:$0x3] =	sbarrier.arrive $0xFFFF;
	s2 =	simm.s32 @!p0 $0x1C06  }
0x1fc: {  	[timem:s3], [sflag:s2] =	dma.local @!p0 [hbm:s0], s1  }
0x1fd: {  	s0 =	simm.s32 @!p0 $0x6  }
0x1fe: {  	_ =	swait.ge @!p0 [sflag:s0], s1  }
0x1ff: {  	s1 =	ssub.s32 @!p0 $0x0, s1;
	[sflag:s0] =	ssyncset.done @!p0 $0x0  }
0x200: {  	[sflag:s0] =	ssyncadd.s32 @!p0 s1  }
0x201: {  	[bflag:$0x3] =	sbarrier.arrive $0xFFFF  }
0x202: {  	_ =	shalt  }

</sc_bundles>
